<compile_context>
chip_gen: v7x
topology: tpu7x:2x2x1
jax: 0.10.2.dev20260603
libtpu: 0.0.44.dev20260713+nightly
codegen_flags: <defaults>
</compile_context>

<pallas_src>
import functools
import jax
import jax.numpy as jnp
from jax import lax
from jax.experimental import pallas as pl
from jax.experimental.pallas import tpu as pltpu
from jax.experimental.pallas import tpu_sc as plsc

_EPS = 1e-6
_M = 16
_L = 16
_NC = 2


def _a_body(q_ref, c_ref, sim_ref):
    c = c_ref[0]
    cn = c / (jnp.sqrt(jnp.sum(c * c, axis=1, keepdims=True)) + _EPS)
    q = q_ref[0]
    qn = q / (jnp.sqrt(jnp.sum(q * q, axis=1, keepdims=True)) + _EPS)
    w_t = lax.dot_general(cn, qn, (((1,), (1,)), ((), ())),
                          preferred_element_type=jnp.float32)
    sim_ref[0] = jnp.max(w_t, axis=0, keepdims=True)


def _sim_stage(Q_neg, C_rows):
    B, K, D = Q_neg.shape
    R = C_rows.shape[1]
    sim = pl.pallas_call(
        _a_body,
        grid=(B,),
        in_specs=[
            pl.BlockSpec((1, K, D), lambda b: (b, 0, 0)),
            pl.BlockSpec((1, R, D), lambda b: (b, 0, 0)),
        ],
        out_specs=pl.BlockSpec((1, 1, K), lambda b: (b, 0, 0)),
        out_shape=jax.ShapeDtypeStruct((B, 1, K), jnp.float32),
    )(Q_neg, C_rows)
    return jnp.reshape(sim, (B, K))


def _sc_topk_gather(sim, q_flat, B, K, D):
    n_chunks = K // _L
    mesh = plsc.VectorSubcoreMesh(core_axis_name="c", subcore_axis_name="s")

    @functools.partial(
        pl.kernel,
        out_type=[
            jax.ShapeDtypeStruct((B, _M, D), jnp.float32),
            jax.ShapeDtypeStruct((B, _L), jnp.float32),
        ],
        mesh=mesh,
        scratch_types=[
            pltpu.VMEM((K,), jnp.float32),
            pltpu.VMEM((K + _L,), jnp.float32),
            pltpu.VMEM((K + _L,), jnp.int32),
            pltpu.VMEM((_M, D), jnp.float32),
            pltpu.VMEM((_L,), jnp.float32),
            pltpu.SemaphoreType.DMA,
        ],
        compiler_params=pltpu.CompilerParams(needs_layout_passes=False),
    )
    def sc_kernel(sim_hbm, q_hbm, qsel_hbm, sums_hbm,
                  simv, exclv, candi, rowsv, sumv, sem):
        b = lax.axis_index("s") * _NC + lax.axis_index("c")
        lane = lax.iota(jnp.int32, _L)
        neg_inf = jnp.full((_L,), -jnp.inf, jnp.float32)
        big_i = jnp.full((_L,), 2**30, jnp.int32)

        pltpu.sync_copy(sim_hbm.at[b], simv)

        @plsc.parallel_loop(0, n_chunks, 4, unroll=4,
                            carry=(neg_inf, neg_inf,
                                   jnp.zeros((_L,), jnp.float32)))
        def p1(i, carry):
            bmax0, bmax1, ssum = carry
            for u in range(4):
                s = simv[pl.ds((i + u) * _L, _L)]
                e = 1.0 - s
                exclv[pl.ds((i + u) * _L, _L)] = e
                if u % 2 == 0:
                    bmax0 = jnp.maximum(bmax0, e)
                else:
                    bmax1 = jnp.maximum(bmax1, e)
                ssum = ssum + s
            return bmax0, bmax1, ssum

        bmax0, bmax1, ssum = p1
        t = jnp.min(jnp.maximum(bmax0, bmax1))
        sumv[...] = jnp.broadcast_to(jnp.sum(ssum), (_L,))
        pltpu.sync_copy(sumv, sums_hbm.at[b])

        def loop2(i, n):
            offs = n
            for u in range(4):
                m = exclv[pl.ds((i * 4 + u) * _L, _L)] >= t
                plsc.store_compressed(candi.at[pl.ds(offs, _L)],
                                      lane + (i * 4 + u) * _L, mask=m)
                cnt = plsc.all_reduce_population_count(m)
                offs = offs + jnp.max(cnt)
            return offs

        n = lax.fori_loop(0, n_chunks // 4, loop2, jnp.int32(0))
        candi[pl.ds(n, _L)] = jnp.full((_L,), K, jnp.int32)
        exclv[pl.ds(K, _L)] = neg_inf
        nch = (n + _L - 1) // _L

        sel = jnp.zeros((_L,), jnp.int32)
        for j in range(_M):
            def sloop(ci, carry):
                bv, bi = carry
                ii = candi[pl.ds(ci * _L, _L)]
                v = plsc.load_gather(exclv, [ii])
                better = (v > bv) | ((v == bv) & (ii < bi))
                return (jnp.where(better, v, bv),
                        jnp.where(better, ii, bi))

            bv, bi = lax.fori_loop(0, nch, sloop, (neg_inf, big_i))
            gv = jnp.max(bv)
            gidx = jnp.min(jnp.where(bv == gv, bi, big_i))
            sel = jnp.where(lane == j, gidx, sel)
            plsc.store_scatter(exclv, [jnp.broadcast_to(gidx, (_L,))],
                               neg_inf, mask=lane == 0)

        gids = sel + b * K
        pltpu.async_copy(q_hbm.at[gids], rowsv, sem).wait()
        pltpu.sync_copy(rowsv, qsel_hbm.at[b])

    return sc_kernel(sim, q_flat)


def _d_body(qsel_ref, c_ref, sums_ref, out_ref, mean_ref, *, B, K, R, D):
    call = jnp.reshape(c_ref[...], (B * R, D))
    cn = call / (jnp.sqrt(jnp.sum(call * call, axis=1, keepdims=True)) + _EPS)
    qs = jnp.reshape(qsel_ref[...], (B * _M, D))
    qsn = qs / (jnp.sqrt(jnp.sum(qs * qs, axis=1, keepdims=True)) + _EPS)
    for b in range(B):
        cnb = cn[b * R:(b + 1) * R]
        qb = qsn[b * _M:(b + 1) * _M]
        w = lax.dot_general(qb, cnb, (((1,), (1,)), ((), ())),
                            preferred_element_type=jnp.float32)
        p = lax.dot_general(w, cnb, (((1,), (0,)), ((), ())),
                            preferred_element_type=jnp.float32)
        r = qb - p
        out_ref[b] = r / (jnp.sqrt(jnp.sum(r * r, axis=1, keepdims=True))
                          + _EPS)
    s = sums_ref[...]
    mean_ref[...] = jnp.reshape(jnp.sum(s[:, 0:1]) / (B * K), (1, 1))


def kernel(Q_neg, C_rows):
    B, K, D = Q_neg.shape
    R = C_rows.shape[1]
    sim = _sim_stage(Q_neg, C_rows)
    q_flat = jnp.reshape(Q_neg, (B * K, D))
    qsel, sums = _sc_topk_gather(sim, q_flat, B, K, D)
    neg_refs, mean = pl.pallas_call(
        functools.partial(_d_body, B=B, K=K, R=R, D=D),
        out_shape=[
            jax.ShapeDtypeStruct((B, _M, D), jnp.float32),
            jax.ShapeDtypeStruct((1, 1), jnp.float32),
        ],
    )(qsel, C_rows, sums)
    return (neg_refs, mean[0, 0])

# --- scband reference (transcript-rebuilt; emitter-appended) ---
"""Pipeline reference for scband-neg-exclusive-simple-38233798869053 (READ-ONLY COPY).

The authoritative reference and input builder live on the scoring server;
editing this copy changes nothing except your own understanding.
"""

import jax, jax.numpy as jnp
import numpy as np


def l2norm(x, eps=1e-06):
    return x / (jnp.linalg.norm(x, axis=-1, keepdims=True) + eps)


def setup_inputs(seed: int = 0) -> dict:
    key = jax.random.key(seed)
    k1, k2 = jax.random.split(key)
    Q_neg = jax.random.normal(k1, (32, 4096, 128), dtype=jnp.float32)
    C_rows = jax.random.normal(k2, (32, 64, 128), dtype=jnp.float32)
    return {"Q_neg": Q_neg, "C_rows": C_rows}


def reference(Q_neg, C_rows):
    # mode='both', M=16, thresh=None
    B, K, D = Q_neg.shape
    Qn = l2norm(Q_neg)
    C = l2norm(C_rows)
    # w: [B, K, r]
    w = jnp.einsum('bkd,brd->bkr', Qn, C)
    sim = jnp.max(w, axis=-1)  # [B, K]
    # residual branch
    proj = jnp.einsum('bkr,brd->bkd', w, C)
    R = l2norm(Qn - proj)
    # filter/topk branch (mode 'both' uses residual R gathered by topk of excl score)
    excl_score = 1.0 - sim  # [B, K]
    M = min(16, K)
    topv, topi = jax.lax.top_k(excl_score, M)  # along last axis (K)
    idx = topi[:, :, None]  # [B, M, 1]
    neg_refs = jnp.take_along_axis(R, jnp.broadcast_to(idx, (B, M, D)), axis=1)
    mean_sim_to_common = jnp.mean(sim)
    return (neg_refs, mean_sim_to_common)

if __name__ == "__main__":
    import jax
    _d = setup_inputs()
    print(jax.jit(kernel)(*tuple(_d.values())))

</pallas_src>

<mosaic_0001>
#map = affine_map<(d0, d1) -> (0, 0)>
#map1 = affine_map<(d0, d1) -> (0, 0, 0)>
module attributes {stable_mosaic.version = 14 : i64} {
  func.func @sc_kernel(%arg0: i32, %arg1: i32, %arg2: memref<32x4096xf32, #tpu.memory_space<hbm>>, %arg3: memref<131072x128xf32, #tpu.memory_space<hbm>>, %arg4: memref<32x16x128xf32, #tpu.memory_space<hbm>>, %arg5: memref<32x16xf32, #tpu.memory_space<hbm>>, %arg6: memref<4096xf32, #tpu.memory_space<vmem>>, %arg7: memref<4112xf32, #tpu.memory_space<vmem>>, %arg8: memref<4112xi32, #tpu.memory_space<vmem>>, %arg9: memref<16x128xf32, #tpu.memory_space<vmem>>, %arg10: memref<16xf32, #tpu.memory_space<vmem>>, %arg11: memref<!tpu.dma_semaphore, #tpu.memory_space<semaphore_mem>>) attributes {dimension_semantics = [#tpu.dimension_semantics<core_parallel>, #tpu.dimension_semantics<subcore_parallel>], iteration_bounds = array<i64: 2, 16>, scalar_prefetch = 0 : i64, scratch_operands = 6 : i64, tpu.core_type = #tpu.core_type<sc_vector_subcore>, window_params = [{transform_indices = #map}, {transform_indices = #map}, {transform_indices = #map1}, {transform_indices = #map}]} {
    %mul3A = arith.constant 2 : i32
    %mul3A_0 = arith.muli %arg1, %mul3A : i32
    %add3A = arith.addi %mul3A_0, %arg0 : i32
    %iota3A = tpu.iota {dimensions = array<i32: 0>} : vector<16xi32>
    %broadcast_in_dim3A = arith.constant 0xFF800000 : f32
    %broadcast_in_dim3A_1 = vector.broadcast %broadcast_in_dim3A : f32 to vector<16xf32>
    %broadcast_in_dim3A_2 = arith.constant 1073741824 : i32
    %broadcast_in_dim3A_3 = vector.broadcast %broadcast_in_dim3A_2 : i32 to vector<16xi32>
    "tpu.region"() ({
      %run_scoped3A = tpu.sem_alloc : memref<!tpu.dma_semaphore, #tpu.memory_space<semaphore_mem>>
      %dma_start3A_616 = arith.constant 0 : i32
      %dma_start3A_617 = tpu.memref_slice %arg2[%add3A, %dma_start3A_616] : memref<32x4096xf32, #tpu.memory_space<hbm>> -> memref<1x4096xf32, #tpu.memory_space<hbm>>
      %dma_start3A_618 = tpu.memref_squeeze %dma_start3A_617 : memref<1x4096xf32, #tpu.memory_space<hbm>> -> memref<4096xf32, #tpu.memory_space<hbm>>
      %dma_start3A_619 = arith.constant 0 : i32
      %dma_start3A_620 = tpu.memref_slice %arg2[%add3A, %dma_start3A_619] : memref<32x4096xf32, #tpu.memory_space<hbm>> -> memref<1x4096xf32, #tpu.memory_space<hbm>>
      %dma_start3A_621 = tpu.memref_squeeze %dma_start3A_620 : memref<1x4096xf32, #tpu.memory_space<hbm>> -> memref<4096xf32, #tpu.memory_space<hbm>>
      tpu.enqueue_dma source(%dma_start3A_621 : memref<4096xf32, #tpu.memory_space<hbm>>) target(%arg6 : memref<4096xf32, #tpu.memory_space<vmem>>) target_semaphore(%run_scoped3A : memref<!tpu.dma_semaphore, #tpu.memory_space<semaphore_mem>>)
      %dma_wait3A_622 = arith.constant 0 : i32
      %dma_wait3A_623 = tpu.memref_slice %arg2[%add3A, %dma_wait3A_622] : memref<32x4096xf32, #tpu.memory_space<hbm>> -> memref<1x4096xf32, #tpu.memory_space<hbm>>
      %dma_wait3A_624 = tpu.memref_squeeze %dma_wait3A_623 : memref<1x4096xf32, #tpu.memory_space<hbm>> -> memref<4096xf32, #tpu.memory_space<hbm>>
      %dma_wait3A_625 = arith.constant 0 : i32
      %dma_wait3A_626 = tpu.memref_slice %arg2[%add3A, %dma_wait3A_625] : memref<32x4096xf32, #tpu.memory_space<hbm>> -> memref<1x4096xf32, #tpu.memory_space<hbm>>
      %dma_wait3A_627 = tpu.memref_squeeze %dma_wait3A_626 : memref<1x4096xf32, #tpu.memory_space<hbm>> -> memref<4096xf32, #tpu.memory_space<hbm>>
      tpu.wait_dma2 semaphore(%run_scoped3A : memref<!tpu.dma_semaphore, #tpu.memory_space<semaphore_mem>>) src(%dma_wait3A_627 : memref<4096xf32, #tpu.memory_space<hbm>>) dst(%arg6 : memref<4096xf32, #tpu.memory_space<vmem>>)
      tpu.yield
    }) : () -> ()
    %broadcast_in_dim3A_4 = arith.constant 0.000000e+00 : f32
    %broadcast_in_dim3A_5 = vector.broadcast %broadcast_in_dim3A_4 : f32 to vector<16xf32>
    %parallel_loop3A = arith.constant 0 : i32
    %parallel_loop3A_6 = arith.constant 256 : i32
    %parallel_loop3A_7 = arith.constant 4 : i32
    %parallel_loop3A_8:3 = scf.for %parallel_loop3A_616 = %parallel_loop3A to %parallel_loop3A_6 step %parallel_loop3A_7 iter_args(%parallel_loop3A_617 = %broadcast_in_dim3A_1, %parallel_loop3A_618 = %broadcast_in_dim3A_1, %parallel_loop3A_619 = %broadcast_in_dim3A_5) -> (vector<16xf32>, vector<16xf32>, vector<16xf32>)  : i32 {
      %parallel_loop3A_620 = arith.constant 0 : i32
      %parallel_loop3A_621 = arith.addi %parallel_loop3A_616, %parallel_loop3A_620 : i32
      %parallel_loop3A_622 = arith.constant 16 : i32
      %parallel_loop3A_623 = arith.muli %parallel_loop3A_621, %parallel_loop3A_622 : i32
      %parallel_loop3A_624 = arith.index_cast %parallel_loop3A_623 : i32 to index
      %parallel_loop3A_625 = tpu.vector_load %arg6[%parallel_loop3A_624] {strides = array<i32>} : memref<4096xf32, #tpu.memory_space<vmem>>, vector<16xf32>,
      %parallel_loop3A_626 = arith.constant 1.000000e+00 : f32
      %parallel_loop3A_627 = vector.broadcast %parallel_loop3A_626 : f32 to vector<16xf32>
      %parallel_loop3A_628 = arith.subf %parallel_loop3A_627, %parallel_loop3A_625 : vector<16xf32>
      %parallel_loop3A_629 = arith.constant 0 : i32
      %parallel_loop3A_630 = arith.addi %parallel_loop3A_616, %parallel_loop3A_629 : i32
      %parallel_loop3A_631 = arith.constant 16 : i32
      %parallel_loop3A_632 = arith.muli %parallel_loop3A_630, %parallel_loop3A_631 : i32
      %parallel_loop3A_633 = arith.index_cast %parallel_loop3A_632 : i32 to index
      %parallel_loop3A_634 = tpu.vector_load %arg7[%parallel_loop3A_633] {strides = array<i32>} : memref<4112xf32, #tpu.memory_space<vmem>>, vector<16xf32>,
      tpu.vector_store %arg7[%parallel_loop3A_633], %parallel_loop3A_628 {strides = array<i32>} : memref<4112xf32, #tpu.memory_space<vmem>>, vector<16xf32>,
      %parallel_loop3A_635 = arith.maximumf %parallel_loop3A_617, %parallel_loop3A_628 : vector<16xf32>
      %parallel_loop3A_636 = arith.addf %parallel_loop3A_619, %parallel_loop3A_625 : vector<16xf32>
      %parallel_loop3A_637 = arith.constant 1 : i32
      %parallel_loop3A_638 = arith.addi %parallel_loop3A_616, %parallel_loop3A_637 : i32
      %parallel_loop3A_639 = arith.constant 16 : i32
      %parallel_loop3A_640 = arith.muli %parallel_loop3A_638, %parallel_loop3A_639 : i32
      %parallel_loop3A_641 = arith.index_cast %parallel_loop3A_640 : i32 to index
      %parallel_loop3A_642 = tpu.vector_load %arg6[%parallel_loop3A_641] {strides = array<i32>} : memref<4096xf32, #tpu.memory_space<vmem>>, vector<16xf32>,
      %parallel_loop3A_643 = arith.constant 1.000000e+00 : f32
      %parallel_loop3A_644 = vector.broadcast %parallel_loop3A_643 : f32 to vector<16xf32>
      %parallel_loop3A_645 = arith.subf %parallel_loop3A_644, %parallel_loop3A_642 : vector<16xf32>
      %parallel_loop3A_646 = arith.constant 1 : i32
      %parallel_loop3A_647 = arith.addi %parallel_loop3A_616, %parallel_loop3A_646 : i32
      %parallel_loop3A_648 = arith.constant 16 : i32
      %parallel_loop3A_649 = arith.muli %parallel_loop3A_647, %parallel_loop3A_648 : i32
      %parallel_loop3A_650 = arith.index_cast %parallel_loop3A_649 : i32 to index
      %parallel_loop3A_651 = tpu.vector_load %arg7[%parallel_loop3A_650] {strides = array<i32>} : memref<4112xf32, #tpu.memory_space<vmem>>, vector<16xf32>,
      tpu.vector_store %arg7[%parallel_loop3A_650], %parallel_loop3A_645 {strides = array<i32>} : memref<4112xf32, #tpu.memory_space<vmem>>, vector<16xf32>,
      %parallel_loop3A_652 = arith.maximumf %parallel_loop3A_618, %parallel_loop3A_645 : vector<16xf32>
      %parallel_loop3A_653 = arith.addf %parallel_loop3A_636, %parallel_loop3A_642 : vector<16xf32>
      %parallel_loop3A_654 = arith.constant 2 : i32
      %parallel_loop3A_655 = arith.addi %parallel_loop3A_616, %parallel_loop3A_654 : i32
      %parallel_loop3A_656 = arith.constant 16 : i32
      %parallel_loop3A_657 = arith.muli %parallel_loop3A_655, %parallel_loop3A_656 : i32
      %parallel_loop3A_658 = arith.index_cast %parallel_loop3A_657 : i32 to index
      %parallel_loop3A_659 = tpu.vector_load %arg6[%parallel_loop3A_658] {strides = array<i32>} : memref<4096xf32, #tpu.memory_space<vmem>>, vector<16xf32>,
      %parallel_loop3A_660 = arith.constant 1.000000e+00 : f32
      %parallel_loop3A_661 = vector.broadcast %parallel_loop3A_660 : f32 to vector<16xf32>
      %parallel_loop3A_662 = arith.subf %parallel_loop3A_661, %parallel_loop3A_659 : vector<16xf32>
      %parallel_loop3A_663 = arith.constant 2 : i32
      %parallel_loop3A_664 = arith.addi %parallel_loop3A_616, %parallel_loop3A_663 : i32
      %parallel_loop3A_665 = arith.constant 16 : i32
      %parallel_loop3A_666 = arith.muli %parallel_loop3A_664, %parallel_loop3A_665 : i32
      %parallel_loop3A_667 = arith.index_cast %parallel_loop3A_666 : i32 to index
      %parallel_loop3A_668 = tpu.vector_load %arg7[%parallel_loop3A_667] {strides = array<i32>} : memref<4112xf32, #tpu.memory_space<vmem>>, vector<16xf32>,
      tpu.vector_store %arg7[%parallel_loop3A_667], %parallel_loop3A_662 {strides = array<i32>} : memref<4112xf32, #tpu.memory_space<vmem>>, vector<16xf32>,
      %parallel_loop3A_669 = arith.maximumf %parallel_loop3A_635, %parallel_loop3A_662 : vector<16xf32>
      %parallel_loop3A_670 = arith.addf %parallel_loop3A_653, %parallel_loop3A_659 : vector<16xf32>
      %parallel_loop3A_671 = arith.constant 3 : i32
      %parallel_loop3A_672 = arith.addi %parallel_loop3A_616, %parallel_loop3A_671 : i32
      %parallel_loop3A_673 = arith.constant 16 : i32
      %parallel_loop3A_674 = arith.muli %parallel_loop3A_672, %parallel_loop3A_673 : i32
      %parallel_loop3A_675 = arith.index_cast %parallel_loop3A_674 : i32 to index
      %parallel_loop3A_676 = tpu.vector_load %arg6[%parallel_loop3A_675] {strides = array<i32>} : memref<4096xf32, #tpu.memory_space<vmem>>, vector<16xf32>,
      %parallel_loop3A_677 = arith.constant 1.000000e+00 : f32
      %parallel_loop3A_678 = vector.broadcast %parallel_loop3A_677 : f32 to vector<16xf32>
      %parallel_loop3A_679 = arith.subf %parallel_loop3A_678, %parallel_loop3A_676 : vector<16xf32>
      %parallel_loop3A_680 = arith.constant 3 : i32
      %parallel_loop3A_681 = arith.addi %parallel_loop3A_616, %parallel_loop3A_680 : i32
      %parallel_loop3A_682 = arith.constant 16 : i32
      %parallel_loop3A_683 = arith.muli %parallel_loop3A_681, %parallel_loop3A_682 : i32
      %parallel_loop3A_684 = arith.index_cast %parallel_loop3A_683 : i32 to index
      %parallel_loop3A_685 = tpu.vector_load %arg7[%parallel_loop3A_684] {strides = array<i32>} : memref<4112xf32, #tpu.memory_space<vmem>>, vector<16xf32>,
      tpu.vector_store %arg7[%parallel_loop3A_684], %parallel_loop3A_679 {strides = array<i32>} : memref<4112xf32, #tpu.memory_space<vmem>>, vector<16xf32>,
      %parallel_loop3A_686 = arith.maximumf %parallel_loop3A_652, %parallel_loop3A_679 : vector<16xf32>
      %parallel_loop3A_687 = arith.addf %parallel_loop3A_670, %parallel_loop3A_676 : vector<16xf32>
      scf.yield %parallel_loop3A_669, %parallel_loop3A_686, %parallel_loop3A_687 : vector<16xf32>, vector<16xf32>, vector<16xf32>
    } {sc.loop_unroll_factor = 4 : i64, sc.parallel_access}
    %max3A = arith.maximumf %parallel_loop3A_8#0, %parallel_loop3A_8#1 : vector<16xf32>
    %reduce_min3A = arith.constant true
    %reduce_min3A_9 = vector.broadcast %reduce_min3A : i1 to vector<16xi1>
    %reduce_min3A_10 = tpu.scan <min>, %max3A masked %reduce_min3A_9 : vector<16xf32>, vector<16xi1> -> vector<16xf32>
    %reduce_min3A_11 = vector.extract %reduce_min3A_10[15] : f32 from vector<16xf32>
    %reduce_sum3A = arith.constant true
    %reduce_sum3A_12 = vector.broadcast %reduce_sum3A : i1 to vector<16xi1>
    %reduce_sum3A_13 = tpu.scan <sum>, %parallel_loop3A_8#2 masked %reduce_sum3A_12 : vector<16xf32>, vector<16xi1> -> vector<16xf32>
    %reduce_sum3A_14 = vector.extract %reduce_sum3A_13[15] : f32 from vector<16xf32>
    %broadcast_in_dim3A_15 = vector.broadcast %reduce_sum3A_14 : f32 to vector<16xf32>
    %swap3A = arith.constant 0 : index
    %swap3A_16 = tpu.vector_load %arg10[%swap3A] {strides = array<i32>} : memref<16xf32, #tpu.memory_space<vmem>>, vector<16xf32>,
    tpu.vector_store %arg10[%swap3A], %broadcast_in_dim3A_15 {strides = array<i32>} : memref<16xf32, #tpu.memory_space<vmem>>, vector<16xf32>,
    "tpu.region"() ({
      %run_scoped3A = tpu.sem_alloc : memref<!tpu.dma_semaphore, #tpu.memory_space<semaphore_mem>>
      %dma_start3A_616 = arith.constant 0 : i32
      %dma_start3A_617 = tpu.memref_slice %arg5[%add3A, %dma_start3A_616] : memref<32x16xf32, #tpu.memory_space<hbm>> -> memref<1x16xf32, #tpu.memory_space<hbm>>
      %dma_start3A_618 = tpu.memref_squeeze %dma_start3A_617 : memref<1x16xf32, #tpu.memory_space<hbm>> -> memref<16xf32, #tpu.memory_space<hbm>>
      %dma_start3A_619 = arith.constant 0 : i32
      %dma_start3A_620 = tpu.memref_slice %arg5[%add3A, %dma_start3A_619] : memref<32x16xf32, #tpu.memory_space<hbm>> -> memref<1x16xf32, #tpu.memory_space<hbm>>
      %dma_start3A_621 = tpu.memref_squeeze %dma_start3A_620 : memref<1x16xf32, #tpu.memory_space<hbm>> -> memref<16xf32, #tpu.memory_space<hbm>>
      tpu.enqueue_dma source(%arg10 : memref<16xf32, #tpu.memory_space<vmem>>) target(%dma_start3A_621 : memref<16xf32, #tpu.memory_space<hbm>>) target_semaphore(%run_scoped3A : memref<!tpu.dma_semaphore, #tpu.memory_space<semaphore_mem>>)
      %dma_wait3A_622 = arith.constant 0 : i32
      %dma_wait3A_623 = tpu.memref_slice %arg5[%add3A, %dma_wait3A_622] : memref<32x16xf32, #tpu.memory_space<hbm>> -> memref<1x16xf32, #tpu.memory_space<hbm>>
      %dma_wait3A_624 = tpu.memref_squeeze %dma_wait3A_623 : memref<1x16xf32, #tpu.memory_space<hbm>> -> memref<16xf32, #tpu.memory_space<hbm>>
      %dma_wait3A_625 = arith.constant 0 : i32
      %dma_wait3A_626 = tpu.memref_slice %arg5[%add3A, %dma_wait3A_625] : memref<32x16xf32, #tpu.memory_space<hbm>> -> memref<1x16xf32, #tpu.memory_space<hbm>>
      %dma_wait3A_627 = tpu.memref_squeeze %dma_wait3A_626 : memref<1x16xf32, #tpu.memory_space<hbm>> -> memref<16xf32, #tpu.memory_space<hbm>>
      tpu.wait_dma2 semaphore(%run_scoped3A : memref<!tpu.dma_semaphore, #tpu.memory_space<semaphore_mem>>) src(%arg10 : memref<16xf32, #tpu.memory_space<vmem>>) dst(%dma_wait3A_627 : memref<16xf32, #tpu.memory_space<hbm>>)
      tpu.yield
    }) : () -> ()
    %scan3A = arith.constant 0 : i32
    %scan3A_17 = arith.constant 0 : i32
    %scan3A_18 = arith.constant 64 : i32
    %scan3A_19 = arith.addi %scan3A_17, %scan3A_18 : i32
    %scan3A_20 = arith.constant 1 : i32
    %scan3A_21 = scf.for %scan3A_616 = %scan3A_17 to %scan3A_19 step %scan3A_20 iter_args(%scan3A_617 = %scan3A) -> (i32)  : i32 {
      %mul3A_618 = arith.constant 4 : i32
      %mul3A_619 = arith.muli %scan3A_616, %mul3A_618 : i32
      %add3A_620 = arith.constant 0 : i32
      %add3A_621 = arith.addi %mul3A_619, %add3A_620 : i32
      %mul3A_622 = arith.constant 16 : i32
      %mul3A_623 = arith.muli %add3A_621, %mul3A_622 : i32
      %get3A = arith.index_cast %mul3A_623 : i32 to index
      %get3A_624 = tpu.vector_load %arg7[%get3A] {strides = array<i32>} : memref<4112xf32, #tpu.memory_space<vmem>>, vector<16xf32>,
      %ge3A = vector.broadcast %reduce_min3A_11 : f32 to vector<16xf32>
      %ge3A_625 = arith.cmpf oge, %get3A_624, %ge3A : vector<16xf32>
      %mul3A_626 = arith.constant 4 : i32
      %mul3A_627 = arith.muli %scan3A_616, %mul3A_626 : i32
      %add3A_628 = arith.constant 0 : i32
      %add3A_629 = arith.addi %mul3A_627, %add3A_628 : i32
      %mul3A_630 = arith.constant 16 : i32
      %mul3A_631 = arith.muli %add3A_629, %mul3A_630 : i32
      %add3A_632 = vector.broadcast %mul3A_631 : i32 to vector<16xi32>
      %add3A_633 = arith.addi %iota3A, %add3A_632 : vector<16xi32>
      %swap3A_634 = arith.index_cast %scan3A_617 : i32 to index
      %swap3A_635 = tpu.vector_load %arg8[%swap3A_634] masked %ge3A_625 {strides = array<i32>} : memref<4112xi32, #tpu.memory_space<vmem>>, vector<16xi32>, vector<16xi1>
      tpu.vector_store %arg8[%swap3A_634], %add3A_633 masked %ge3A_625 {strides = array<i32>} : memref<4112xi32, #tpu.memory_space<vmem>>, vector<16xi32>, vector<16xi1>
      %all_reduce_population_count3A = tpu.all_reduce %ge3A_625 {dim = 0 : i64, kind = #tpu.reduction_kind<sum>} : vector<16xi1> -> vector<16xi32>
      %reduce_max3A_636 = arith.constant true
      %reduce_max3A_637 = vector.broadcast %reduce_max3A_636 : i1 to vector<16xi1>
      %reduce_max3A_638 = arith.constant -2147483648 : i32
      %reduce_max3A_639 = vector.broadcast %reduce_max3A_638 : i32 to vector<16xi32>
      %reduce_max3A_640 = arith.xori %all_reduce_population_count3A, %reduce_max3A_639 : vector<16xi32>
      %reduce_max3A_641 = tpu.scan <max>, %reduce_max3A_640 masked %reduce_max3A_637 : vector<16xi32>, vector<16xi1> -> vector<16xi32>
      %reduce_max3A_642 = arith.xori %reduce_max3A_641, %reduce_max3A_639 : vector<16xi32>
      %reduce_max3A_643 = vector.extract %reduce_max3A_642[15] : i32 from vector<16xi32>
      %add3A_644 = arith.addi %scan3A_617, %reduce_max3A_643 : i32
      %mul3A_645 = arith.constant 4 : i32
      %mul3A_646 = arith.muli %scan3A_616, %mul3A_645 : i32
      %add3A_647 = arith.constant 1 : i32
      %add3A_648 = arith.addi %mul3A_646, %add3A_647 : i32
      %mul3A_649 = arith.constant 16 : i32
      %mul3A_650 = arith.muli %add3A_648, %mul3A_649 : i32
      %get3A_651 = arith.index_cast %mul3A_650 : i32 to index
      %get3A_652 = tpu.vector_load %arg7[%get3A_651] {strides = array<i32>} : memref<4112xf32, #tpu.memory_space<vmem>>, vector<16xf32>,
      %ge3A_653 = vector.broadcast %reduce_min3A_11 : f32 to vector<16xf32>
      %ge3A_654 = arith.cmpf oge, %get3A_652, %ge3A_653 : vector<16xf32>
      %mul3A_655 = arith.constant 4 : i32
      %mul3A_656 = arith.muli %scan3A_616, %mul3A_655 : i32
      %add3A_657 = arith.constant 1 : i32
      %add3A_658 = arith.addi %mul3A_656, %add3A_657 : i32
      %mul3A_659 = arith.constant 16 : i32
      %mul3A_660 = arith.muli %add3A_658, %mul3A_659 : i32
      %add3A_661 = vector.broadcast %mul3A_660 : i32 to vector<16xi32>
      %add3A_662 = arith.addi %iota3A, %add3A_661 : vector<16xi32>
      %swap3A_663 = arith.index_cast %add3A_644 : i32 to index
      %swap3A_664 = tpu.vector_load %arg8[%swap3A_663] masked %ge3A_654 {strides = array<i32>} : memref<4112xi32, #tpu.memory_space<vmem>>, vector<16xi32>, vector<16xi1>
      tpu.vector_store %arg8[%swap3A_663], %add3A_662 masked %ge3A_654 {strides = array<i32>} : memref<4112xi32, #tpu.memory_space<vmem>>, vector<16xi32>, vector<16xi1>
      %all_reduce_population_count3A_665 = tpu.all_reduce %ge3A_654 {dim = 0 : i64, kind = #tpu.reduction_kind<sum>} : vector<16xi1> -> vector<16xi32>
      %reduce_max3A_666 = arith.constant true
      %reduce_max3A_667 = vector.broadcast %reduce_max3A_666 : i1 to vector<16xi1>
      %reduce_max3A_668 = arith.constant -2147483648 : i32
      %reduce_max3A_669 = vector.broadcast %reduce_max3A_668 : i32 to vector<16xi32>
      %reduce_max3A_670 = arith.xori %all_reduce_population_count3A_665, %reduce_max3A_669 : vector<16xi32>
      %reduce_max3A_671 = tpu.scan <max>, %reduce_max3A_670 masked %reduce_max3A_667 : vector<16xi32>, vector<16xi1> -> vector<16xi32>
      %reduce_max3A_672 = arith.xori %reduce_max3A_671, %reduce_max3A_669 : vector<16xi32>
      %reduce_max3A_673 = vector.extract %reduce_max3A_672[15] : i32 from vector<16xi32>
      %add3A_674 = arith.addi %add3A_644, %reduce_max3A_673 : i32
      %mul3A_675 = arith.constant 4 : i32
      %mul3A_676 = arith.muli %scan3A_616, %mul3A_675 : i32
      %add3A_677 = arith.constant 2 : i32
      %add3A_678 = arith.addi %mul3A_676, %add3A_677 : i32
      %mul3A_679 = arith.constant 16 : i32
      %mul3A_680 = arith.muli %add3A_678, %mul3A_679 : i32
      %get3A_681 = arith.index_cast %mul3A_680 : i32 to index
      %get3A_682 = tpu.vector_load %arg7[%get3A_681] {strides = array<i32>} : memref<4112xf32, #tpu.memory_space<vmem>>, vector<16xf32>,
      %ge3A_683 = vector.broadcast %reduce_min3A_11 : f32 to vector<16xf32>
      %ge3A_684 = arith.cmpf oge, %get3A_682, %ge3A_683 : vector<16xf32>
      %mul3A_685 = arith.constant 4 : i32
      %mul3A_686 = arith.muli %scan3A_616, %mul3A_685 : i32
      %add3A_687 = arith.constant 2 : i32
      %add3A_688 = arith.addi %mul3A_686, %add3A_687 : i32
      %mul3A_689 = arith.constant 16 : i32
      %mul3A_690 = arith.muli %add3A_688, %mul3A_689 : i32
      %add3A_691 = vector.broadcast %mul3A_690 : i32 to vector<16xi32>
      %add3A_692 = arith.addi %iota3A, %add3A_691 : vector<16xi32>
      %swap3A_693 = arith.index_cast %add3A_674 : i32 to index
      %swap3A_694 = tpu.vector_load %arg8[%swap3A_693] masked %ge3A_684 {strides = array<i32>} : memref<4112xi32, #tpu.memory_space<vmem>>, vector<16xi32>, vector<16xi1>
      tpu.vector_store %arg8[%swap3A_693], %add3A_692 masked %ge3A_684 {strides = array<i32>} : memref<4112xi32, #tpu.memory_space<vmem>>, vector<16xi32>, vector<16xi1>
      %all_reduce_population_count3A_695 = tpu.all_reduce %ge3A_684 {dim = 0 : i64, kind = #tpu.reduction_kind<sum>} : vector<16xi1> -> vector<16xi32>
      %reduce_max3A_696 = arith.constant true
      %reduce_max3A_697 = vector.broadcast %reduce_max3A_696 : i1 to vector<16xi1>
      %reduce_max3A_698 = arith.constant -2147483648 : i32
      %reduce_max3A_699 = vector.broadcast %reduce_max3A_698 : i32 to vector<16xi32>
      %reduce_max3A_700 = arith.xori %all_reduce_population_count3A_695, %reduce_max3A_699 : vector<16xi32>
      %reduce_max3A_701 = tpu.scan <max>, %reduce_max3A_700 masked %reduce_max3A_697 : vector<16xi32>, vector<16xi1> -> vector<16xi32>
      %reduce_max3A_702 = arith.xori %reduce_max3A_701, %reduce_max3A_699 : vector<16xi32>
      %reduce_max3A_703 = vector.extract %reduce_max3A_702[15] : i32 from vector<16xi32>
      %add3A_704 = arith.addi %add3A_674, %reduce_max3A_703 : i32
      %mul3A_705 = arith.constant 4 : i32
      %mul3A_706 = arith.muli %scan3A_616, %mul3A_705 : i32
      %add3A_707 = arith.constant 3 : i32
      %add3A_708 = arith.addi %mul3A_706, %add3A_707 : i32
      %mul3A_709 = arith.constant 16 : i32
      %mul3A_710 = arith.muli %add3A_708, %mul3A_709 : i32
      %get3A_711 = arith.index_cast %mul3A_710 : i32 to index
      %get3A_712 = tpu.vector_load %arg7[%get3A_711] {strides = array<i32>} : memref<4112xf32, #tpu.memory_space<vmem>>, vector<16xf32>,
      %ge3A_713 = vector.broadcast %reduce_min3A_11 : f32 to vector<16xf32>
      %ge3A_714 = arith.cmpf oge, %get3A_712, %ge3A_713 : vector<16xf32>
      %mul3A_715 = arith.constant 4 : i32
      %mul3A_716 = arith.muli %scan3A_616, %mul3A_715 : i32
      %add3A_717 = arith.constant 3 : i32
      %add3A_718 = arith.addi %mul3A_716, %add3A_717 : i32
      %mul3A_719 = arith.constant 16 : i32
      %mul3A_720 = arith.muli %add3A_718, %mul3A_719 : i32
      %add3A_721 = vector.broadcast %mul3A_720 : i32 to vector<16xi32>
      %add3A_722 = arith.addi %iota3A, %add3A_721 : vector<16xi32>
      %swap3A_723 = arith.index_cast %add3A_704 : i32 to index
      %swap3A_724 = tpu.vector_load %arg8[%swap3A_723] masked %ge3A_714 {strides = array<i32>} : memref<4112xi32, #tpu.memory_space<vmem>>, vector<16xi32>, vector<16xi1>
      tpu.vector_store %arg8[%swap3A_723], %add3A_722 masked %ge3A_714 {strides = array<i32>} : memref<4112xi32, #tpu.memory_space<vmem>>, vector<16xi32>, vector<16xi1>
      %all_reduce_population_count3A_725 = tpu.all_reduce %ge3A_714 {dim = 0 : i64, kind = #tpu.reduction_kind<sum>} : vector<16xi1> -> vector<16xi32>
      %reduce_max3A_726 = arith.constant true
      %reduce_max3A_727 = vector.broadcast %reduce_max3A_726 : i1 to vector<16xi1>
      %reduce_max3A_728 = arith.constant -2147483648 : i32
      %reduce_max3A_729 = vector.broadcast %reduce_max3A_728 : i32 to vector<16xi32>
      %reduce_max3A_730 = arith.xori %all_reduce_population_count3A_725, %reduce_max3A_729 : vector<16xi32>
      %reduce_max3A_731 = tpu.scan <max>, %reduce_max3A_730 masked %reduce_max3A_727 : vector<16xi32>, vector<16xi1> -> vector<16xi32>
      %reduce_max3A_732 = arith.xori %reduce_max3A_731, %reduce_max3A_729 : vector<16xi32>
      %reduce_max3A_733 = vector.extract %reduce_max3A_732[15] : i32 from vector<16xi32>
      %add3A_734 = arith.addi %add3A_704, %reduce_max3A_733 : i32
      scf.yield %add3A_734 : i32
    }
    %scan3A_22 = arith.constant 64 : i32
    %broadcast_in_dim3A_23 = arith.constant 4096 : i32
    %broadcast_in_dim3A_24 = vector.broadcast %broadcast_in_dim3A_23 : i32 to vector<16xi32>
    %swap3A_25 = arith.index_cast %scan3A_21 : i32 to index
    %swap3A_26 = tpu.vector_load %arg8[%swap3A_25] {strides = array<i32>} : memref<4112xi32, #tpu.memory_space<vmem>>, vector<16xi32>,
    tpu.vector_store %arg8[%swap3A_25], %broadcast_in_dim3A_24 {strides = array<i32>} : memref<4112xi32, #tpu.memory_space<vmem>>, vector<16xi32>,
    %swap3A_27 = arith.constant 4096 : index
    %swap3A_28 = tpu.vector_load %arg7[%swap3A_27] {strides = array<i32>} : memref<4112xf32, #tpu.memory_space<vmem>>, vector<16xf32>,
    tpu.vector_store %arg7[%swap3A_27], %broadcast_in_dim3A_1 {strides = array<i32>} : memref<4112xf32, #tpu.memory_space<vmem>>, vector<16xf32>,
    %add3A_29 = arith.constant 16 : i32
    %add3A_30 = arith.addi %scan3A_21, %add3A_29 : i32
    %sub3A = arith.constant 1 : i32
    %sub3A_31 = arith.subi %add3A_30, %sub3A : i32
    %jit3A = arith.constant 16 : i32
    %div3A = arith.divsi %sub3A_31, %jit3A : i32
    %sign3A = arith.constant 0 : i32
    %sign3A_32 = arith.cmpi sgt, %sub3A_31, %sign3A : i32
    %sign3A_33 = arith.extui %sign3A_32 : i1 to i32
    %sign3A_34 = arith.constant 0 : i32
    %sign3A_35 = arith.cmpi slt, %sub3A_31, %sign3A_34 : i32
    %sign3A_36 = arith.extui %sign3A_35 : i1 to i32
    %sign3A_37 = arith.subi %sign3A_33, %sign3A_36 : i32
    %sign3A_38 = arith.constant 0 : i32
    %sign3A_39 = arith.cmpi sgt, %jit3A, %sign3A_38 : i32
    %sign3A_40 = arith.extui %sign3A_39 : i1 to i32
    %sign3A_41 = arith.constant 0 : i32
    %sign3A_42 = arith.cmpi slt, %jit3A, %sign3A_41 : i32
    %sign3A_43 = arith.extui %sign3A_42 : i1 to i32
    %sign3A_44 = arith.subi %sign3A_40, %sign3A_43 : i32
    %ne3A = arith.cmpi ne, %sign3A_37, %sign3A_44 : i32
    %rem3A = arith.remsi %sub3A_31, %jit3A : i32
    %ne3A_45 = arith.constant 0 : i32
    %ne3A_46 = arith.cmpi ne, %rem3A, %ne3A_45 : i32
    %and3A = arith.andi %ne3A, %ne3A_46 : i1
    %sub3A_47 = arith.constant 1 : i32
    %sub3A_48 = arith.subi %div3A, %sub3A_47 : i32
    %select_n3A = arith.select %and3A, %sub3A_48, %div3A : i32
    %broadcast_in_dim3A_49 = arith.constant 0 : i32
    %broadcast_in_dim3A_50 = vector.broadcast %broadcast_in_dim3A_49 : i32 to vector<16xi32>
    %while3A = arith.constant 0 : i32
    %while3A_51 = arith.subi %select_n3A, %while3A : i32
    %while3A_52 = arith.addi %while3A, %while3A_51 : i32
    %while3A_53 = arith.constant 1 : i32
    %while3A_54 = arith.divsi %while3A_51, %while3A_53 : i32
    %while3A_55 = arith.muli %while3A_54, %while3A_53 : i32
    %while3A_56 = arith.addi %while3A, %while3A_55 : i32
    %while3A_57 = arith.constant 1 : i32
    %while3A_58:2 = scf.for %while3A_616 = %while3A to %while3A_56 step %while3A_57 iter_args(%while3A_617 = %broadcast_in_dim3A_1, %while3A_618 = %broadcast_in_dim3A_3) -> (vector<16xf32>, vector<16xi32>)  : i32 {
      %mul3A_619 = arith.constant 16 : i32
      %mul3A_620 = arith.muli %while3A_616, %mul3A_619 : i32
      %get3A = arith.index_cast %mul3A_620 : i32 to index
      %get3A_621 = tpu.vector_load %arg8[%get3A] {strides = array<i32>} : memref<4112xi32, #tpu.memory_space<vmem>>, vector<16xi32>,
      %gather3A = tpu.vector_load_idx %arg7[%get3A_621] : memref<4112xf32, #tpu.memory_space<vmem>>[vector<16xi32>], vector<16xf32>,
      %gt3A = arith.cmpf ogt, %gather3A, %while3A_617 : vector<16xf32>
      %eq3A_622 = arith.cmpf oeq, %gather3A, %while3A_617 : vector<16xf32>
      %lt3A = arith.cmpi slt, %get3A_621, %while3A_618 : vector<16xi32>
      %and3A_623 = arith.andi %eq3A_622, %lt3A : vector<16xi1>
      %or3A = arith.ori %gt3A, %and3A_623 : vector<16xi1>
      %select_n3A_624 = arith.select %or3A, %gather3A, %while3A_617 : vector<16xi1>, vector<16xf32>
      %select_n3A_625 = arith.select %or3A, %get3A_621, %while3A_618 : vector<16xi1>, vector<16xi32>
      scf.yield %select_n3A_624, %select_n3A_625 : vector<16xf32>, vector<16xi32>
    }
    %while3A_59 = arith.constant 1 : i32
    %while3A_60:2 = scf.for %while3A_616 = %while3A_56 to %while3A_52 step %while3A_59 iter_args(%while3A_617 = %while3A_58#0, %while3A_618 = %while3A_58#1) -> (vector<16xf32>, vector<16xi32>)  : i32 {
      %mul3A_619 = arith.constant 16 : i32
      %mul3A_620 = arith.muli %while3A_616, %mul3A_619 : i32
      %get3A = arith.index_cast %mul3A_620 : i32 to index
      %get3A_621 = tpu.vector_load %arg8[%get3A] {strides = array<i32>} : memref<4112xi32, #tpu.memory_space<vmem>>, vector<16xi32>,
      %gather3A = tpu.vector_load_idx %arg7[%get3A_621] : memref<4112xf32, #tpu.memory_space<vmem>>[vector<16xi32>], vector<16xf32>,
      %gt3A = arith.cmpf ogt, %gather3A, %while3A_617 : vector<16xf32>
      %eq3A_622 = arith.cmpf oeq, %gather3A, %while3A_617 : vector<16xf32>
      %lt3A = arith.cmpi slt, %get3A_621, %while3A_618 : vector<16xi32>
      %and3A_623 = arith.andi %eq3A_622, %lt3A : vector<16xi1>
      %or3A = arith.ori %gt3A, %and3A_623 : vector<16xi1>
      %select_n3A_624 = arith.select %or3A, %gather3A, %while3A_617 : vector<16xi1>, vector<16xf32>
      %select_n3A_625 = arith.select %or3A, %get3A_621, %while3A_618 : vector<16xi1>, vector<16xi32>
      scf.yield %select_n3A_624, %select_n3A_625 : vector<16xf32>, vector<16xi32>
    }
    %reduce_max3A = arith.constant true
    %reduce_max3A_61 = vector.broadcast %reduce_max3A : i1 to vector<16xi1>
    %reduce_max3A_62 = tpu.scan <max>, %while3A_60#0 masked %reduce_max3A_61 : vector<16xf32>, vector<16xi1> -> vector<16xf32>
    %reduce_max3A_63 = vector.extract %reduce_max3A_62[15] : f32 from vector<16xf32>
    %eq3A = vector.broadcast %reduce_max3A_63 : f32 to vector<16xf32>
    %eq3A_64 = arith.cmpf oeq, %while3A_60#0, %eq3A : vector<16xf32>
    %select_n3A_65 = arith.select %eq3A_64, %while3A_60#1, %broadcast_in_dim3A_3 : vector<16xi1>, vector<16xi32>
    %reduce_min3A_66 = arith.constant true
    %reduce_min3A_67 = vector.broadcast %reduce_min3A_66 : i1 to vector<16xi1>
    %reduce_min3A_68 = arith.constant -2147483648 : i32
    %reduce_min3A_69 = vector.broadcast %reduce_min3A_68 : i32 to vector<16xi32>
    %reduce_min3A_70 = arith.xori %select_n3A_65, %reduce_min3A_69 : vector<16xi32>
    %reduce_min3A_71 = tpu.scan <min>, %reduce_min3A_70 masked %reduce_min3A_67 : vector<16xi32>, vector<16xi1> -> vector<16xi32>
    %reduce_min3A_72 = arith.xori %reduce_min3A_71, %reduce_min3A_69 : vector<16xi32>
    %reduce_min3A_73 = vector.extract %reduce_min3A_72[15] : i32 from vector<16xi32>
    %eq3A_74 = arith.constant 0 : i32
    %eq3A_75 = vector.broadcast %eq3A_74 : i32 to vector<16xi32>
    %eq3A_76 = arith.cmpi eq, %iota3A, %eq3A_75 : vector<16xi32>
    %broadcast_in_dim3A_77 = vector.broadcast %reduce_min3A_73 : i32 to vector<16xi32>
    %select_n3A_78 = arith.select %eq3A_76, %broadcast_in_dim3A_77, %broadcast_in_dim3A_50 : vector<16xi1>, vector<16xi32>
    %broadcast_in_dim3A_79 = vector.broadcast %reduce_min3A_73 : i32 to vector<16xi32>
    %eq3A_80 = arith.constant 0 : i32
    %eq3A_81 = vector.broadcast %eq3A_80 : i32 to vector<16xi32>
    %eq3A_82 = arith.cmpi eq, %iota3A, %eq3A_81 : vector<16xi32>
    tpu.vector_store_idx %arg7[%broadcast_in_dim3A_79], %broadcast_in_dim3A_1 masked %eq3A_82 : memref<4112xf32, #tpu.memory_space<vmem>>[vector<16xi32>], vector<16xf32>, vector<16xi1>
    %while3A_83 = arith.constant 0 : i32
    %while3A_84 = arith.subi %select_n3A, %while3A_83 : i32
    %while3A_85 = arith.addi %while3A_83, %while3A_84 : i32
    %while3A_86 = arith.constant 1 : i32
    %while3A_87 = arith.divsi %while3A_84, %while3A_86 : i32
    %while3A_88 = arith.muli %while3A_87, %while3A_86 : i32
    %while3A_89 = arith.addi %while3A_83, %while3A_88 : i32
    %while3A_90 = arith.constant 1 : i32
    %while3A_91:2 = scf.for %while3A_616 = %while3A_83 to %while3A_89 step %while3A_90 iter_args(%while3A_617 = %broadcast_in_dim3A_1, %while3A_618 = %broadcast_in_dim3A_3) -> (vector<16xf32>, vector<16xi32>)  : i32 {
      %mul3A_619 = arith.constant 16 : i32
      %mul3A_620 = arith.muli %while3A_616, %mul3A_619 : i32
      %get3A = arith.index_cast %mul3A_620 : i32 to index
      %get3A_621 = tpu.vector_load %arg8[%get3A] {strides = array<i32>} : memref<4112xi32, #tpu.memory_space<vmem>>, vector<16xi32>,
      %gather3A = tpu.vector_load_idx %arg7[%get3A_621] : memref<4112xf32, #tpu.memory_space<vmem>>[vector<16xi32>], vector<16xf32>,
      %gt3A = arith.cmpf ogt, %gather3A, %while3A_617 : vector<16xf32>
      %eq3A_622 = arith.cmpf oeq, %gather3A, %while3A_617 : vector<16xf32>
      %lt3A = arith.cmpi slt, %get3A_621, %while3A_618 : vector<16xi32>
      %and3A_623 = arith.andi %eq3A_622, %lt3A : vector<16xi1>
      %or3A = arith.ori %gt3A, %and3A_623 : vector<16xi1>
      %select_n3A_624 = arith.select %or3A, %gather3A, %while3A_617 : vector<16xi1>, vector<16xf32>
      %select_n3A_625 = arith.select %or3A, %get3A_621, %while3A_618 : vector<16xi1>, vector<16xi32>
      scf.yield %select_n3A_624, %select_n3A_625 : vector<16xf32>, vector<16xi32>
    }
    %while3A_92 = arith.constant 1 : i32
    %while3A_93:2 = scf.for %while3A_616 = %while3A_89 to %while3A_85 step %while3A_92 iter_args(%while3A_617 = %while3A_91#0, %while3A_618 = %while3A_91#1) -> (vector<16xf32>, vector<16xi32>)  : i32 {
      %mul3A_619 = arith.constant 16 : i32
      %mul3A_620 = arith.muli %while3A_616, %mul3A_619 : i32
      %get3A = arith.index_cast %mul3A_620 : i32 to index
      %get3A_621 = tpu.vector_load %arg8[%get3A] {strides = array<i32>} : memref<4112xi32, #tpu.memory_space<vmem>>, vector<16xi32>,
      %gather3A = tpu.vector_load_idx %arg7[%get3A_621] : memref<4112xf32, #tpu.memory_space<vmem>>[vector<16xi32>], vector<16xf32>,
      %gt3A = arith.cmpf ogt, %gather3A, %while3A_617 : vector<16xf32>
      %eq3A_622 = arith.cmpf oeq, %gather3A, %while3A_617 : vector<16xf32>
      %lt3A = arith.cmpi slt, %get3A_621, %while3A_618 : vector<16xi32>
      %and3A_623 = arith.andi %eq3A_622, %lt3A : vector<16xi1>
      %or3A = arith.ori %gt3A, %and3A_623 : vector<16xi1>
      %select_n3A_624 = arith.select %or3A, %gather3A, %while3A_617 : vector<16xi1>, vector<16xf32>
      %select_n3A_625 = arith.select %or3A, %get3A_621, %while3A_618 : vector<16xi1>, vector<16xi32>
      scf.yield %select_n3A_624, %select_n3A_625 : vector<16xf32>, vector<16xi32>
    }
    %reduce_max3A_94 = arith.constant true
    %reduce_max3A_95 = vector.broadcast %reduce_max3A_94 : i1 to vector<16xi1>
    %reduce_max3A_96 = tpu.scan <max>, %while3A_93#0 masked %reduce_max3A_95 : vector<16xf32>, vector<16xi1> -> vector<16xf32>
    %reduce_max3A_97 = vector.extract %reduce_max3A_96[15] : f32 from vector<16xf32>
    %eq3A_98 = vector.broadcast %reduce_max3A_97 : f32 to vector<16xf32>
    %eq3A_99 = arith.cmpf oeq, %while3A_93#0, %eq3A_98 : vector<16xf32>
    %select_n3A_100 = arith.select %eq3A_99, %while3A_93#1, %broadcast_in_dim3A_3 : vector<16xi1>, vector<16xi32>
    %reduce_min3A_101 = arith.constant true
    %reduce_min3A_102 = vector.broadcast %reduce_min3A_101 : i1 to vector<16xi1>
    %reduce_min3A_103 = arith.constant -2147483648 : i32
    %reduce_min3A_104 = vector.broadcast %reduce_min3A_103 : i32 to vector<16xi32>
    %reduce_min3A_105 = arith.xori %select_n3A_100, %reduce_min3A_104 : vector<16xi32>
    %reduce_min3A_106 = tpu.scan <min>, %reduce_min3A_105 masked %reduce_min3A_102 : vector<16xi32>, vector<16xi1> -> vector<16xi32>
    %reduce_min3A_107 = arith.xori %reduce_min3A_106, %reduce_min3A_104 : vector<16xi32>
    %reduce_min3A_108 = vector.extract %reduce_min3A_107[15] : i32 from vector<16xi32>
    %eq3A_109 = arith.constant 1 : i32
    %eq3A_110 = vector.broadcast %eq3A_109 : i32 to vector<16xi32>
    %eq3A_111 = arith.cmpi eq, %iota3A, %eq3A_110 : vector<16xi32>
    %broadcast_in_dim3A_112 = vector.broadcast %reduce_min3A_108 : i32 to vector<16xi32>
    %select_n3A_113 = arith.select %eq3A_111, %broadcast_in_dim3A_112, %select_n3A_78 : vector<16xi1>, vector<16xi32>
    %broadcast_in_dim3A_114 = vector.broadcast %reduce_min3A_108 : i32 to vector<16xi32>
    %eq3A_115 = arith.constant 0 : i32
    %eq3A_116 = vector.broadcast %eq3A_115 : i32 to vector<16xi32>
    %eq3A_117 = arith.cmpi eq, %iota3A, %eq3A_116 : vector<16xi32>
    tpu.vector_store_idx %arg7[%broadcast_in_dim3A_114], %broadcast_in_dim3A_1 masked %eq3A_117 : memref<4112xf32, #tpu.memory_space<vmem>>[vector<16xi32>], vector<16xf32>, vector<16xi1>
    %while3A_118 = arith.constant 0 : i32
    %while3A_119 = arith.subi %select_n3A, %while3A_118 : i32
    %while3A_120 = arith.addi %while3A_118, %while3A_119 : i32
    %while3A_121 = arith.constant 1 : i32
    %while3A_122 = arith.divsi %while3A_119, %while3A_121 : i32
    %while3A_123 = arith.muli %while3A_122, %while3A_121 : i32
    %while3A_124 = arith.addi %while3A_118, %while3A_123 : i32
    %while3A_125 = arith.constant 1 : i32
    %while3A_126:2 = scf.for %while3A_616 = %while3A_118 to %while3A_124 step %while3A_125 iter_args(%while3A_617 = %broadcast_in_dim3A_1, %while3A_618 = %broadcast_in_dim3A_3) -> (vector<16xf32>, vector<16xi32>)  : i32 {
      %mul3A_619 = arith.constant 16 : i32
      %mul3A_620 = arith.muli %while3A_616, %mul3A_619 : i32
      %get3A = arith.index_cast %mul3A_620 : i32 to index
      %get3A_621 = tpu.vector_load %arg8[%get3A] {strides = array<i32>} : memref<4112xi32, #tpu.memory_space<vmem>>, vector<16xi32>,
      %gather3A = tpu.vector_load_idx %arg7[%get3A_621] : memref<4112xf32, #tpu.memory_space<vmem>>[vector<16xi32>], vector<16xf32>,
      %gt3A = arith.cmpf ogt, %gather3A, %while3A_617 : vector<16xf32>
      %eq3A_622 = arith.cmpf oeq, %gather3A, %while3A_617 : vector<16xf32>
      %lt3A = arith.cmpi slt, %get3A_621, %while3A_618 : vector<16xi32>
      %and3A_623 = arith.andi %eq3A_622, %lt3A : vector<16xi1>
      %or3A = arith.ori %gt3A, %and3A_623 : vector<16xi1>
      %select_n3A_624 = arith.select %or3A, %gather3A, %while3A_617 : vector<16xi1>, vector<16xf32>
      %select_n3A_625 = arith.select %or3A, %get3A_621, %while3A_618 : vector<16xi1>, vector<16xi32>
      scf.yield %select_n3A_624, %select_n3A_625 : vector<16xf32>, vector<16xi32>
    }
    %while3A_127 = arith.constant 1 : i32
    %while3A_128:2 = scf.for %while3A_616 = %while3A_124 to %while3A_120 step %while3A_127 iter_args(%while3A_617 = %while3A_126#0, %while3A_618 = %while3A_126#1) -> (vector<16xf32>, vector<16xi32>)  : i32 {
      %mul3A_619 = arith.constant 16 : i32
      %mul3A_620 = arith.muli %while3A_616, %mul3A_619 : i32
      %get3A = arith.index_cast %mul3A_620 : i32 to index
      %get3A_621 = tpu.vector_load %arg8[%get3A] {strides = array<i32>} : memref<4112xi32, #tpu.memory_space<vmem>>, vector<16xi32>,
      %gather3A = tpu.vector_load_idx %arg7[%get3A_621] : memref<4112xf32, #tpu.memory_space<vmem>>[vector<16xi32>], vector<16xf32>,
      %gt3A = arith.cmpf ogt, %gather3A, %while3A_617 : vector<16xf32>
      %eq3A_622 = arith.cmpf oeq, %gather3A, %while3A_617 : vector<16xf32>
      %lt3A = arith.cmpi slt, %get3A_621, %while3A_618 : vector<16xi32>
      %and3A_623 = arith.andi %eq3A_622, %lt3A : vector<16xi1>
      %or3A = arith.ori %gt3A, %and3A_623 : vector<16xi1>
      %select_n3A_624 = arith.select %or3A, %gather3A, %while3A_617 : vector<16xi1>, vector<16xf32>
      %select_n3A_625 = arith.select %or3A, %get3A_621, %while3A_618 : vector<16xi1>, vector<16xi32>
      scf.yield %select_n3A_624, %select_n3A_625 : vector<16xf32>, vector<16xi32>
    }
    %reduce_max3A_129 = arith.constant true
    %reduce_max3A_130 = vector.broadcast %reduce_max3A_129 : i1 to vector<16xi1>
    %reduce_max3A_131 = tpu.scan <max>, %while3A_128#0 masked %reduce_max3A_130 : vector<16xf32>, vector<16xi1> -> vector<16xf32>
    %reduce_max3A_132 = vector.extract %reduce_max3A_131[15] : f32 from vector<16xf32>
    %eq3A_133 = vector.broadcast %reduce_max3A_132 : f32 to vector<16xf32>
    %eq3A_134 = arith.cmpf oeq, %while3A_128#0, %eq3A_133 : vector<16xf32>
    %select_n3A_135 = arith.select %eq3A_134, %while3A_128#1, %broadcast_in_dim3A_3 : vector<16xi1>, vector<16xi32>
    %reduce_min3A_136 = arith.constant true
    %reduce_min3A_137 = vector.broadcast %reduce_min3A_136 : i1 to vector<16xi1>
    %reduce_min3A_138 = arith.constant -2147483648 : i32
    %reduce_min3A_139 = vector.broadcast %reduce_min3A_138 : i32 to vector<16xi32>
    %reduce_min3A_140 = arith.xori %select_n3A_135, %reduce_min3A_139 : vector<16xi32>
    %reduce_min3A_141 = tpu.scan <min>, %reduce_min3A_140 masked %reduce_min3A_137 : vector<16xi32>, vector<16xi1> -> vector<16xi32>
    %reduce_min3A_142 = arith.xori %reduce_min3A_141, %reduce_min3A_139 : vector<16xi32>
    %reduce_min3A_143 = vector.extract %reduce_min3A_142[15] : i32 from vector<16xi32>
    %eq3A_144 = arith.constant 2 : i32
    %eq3A_145 = vector.broadcast %eq3A_144 : i32 to vector<16xi32>
    %eq3A_146 = arith.cmpi eq, %iota3A, %eq3A_145 : vector<16xi32>
    %broadcast_in_dim3A_147 = vector.broadcast %reduce_min3A_143 : i32 to vector<16xi32>
    %select_n3A_148 = arith.select %eq3A_146, %broadcast_in_dim3A_147, %select_n3A_113 : vector<16xi1>, vector<16xi32>
    %broadcast_in_dim3A_149 = vector.broadcast %reduce_min3A_143 : i32 to vector<16xi32>
    %eq3A_150 = arith.constant 0 : i32
    %eq3A_151 = vector.broadcast %eq3A_150 : i32 to vector<16xi32>
    %eq3A_152 = arith.cmpi eq, %iota3A, %eq3A_151 : vector<16xi32>
    tpu.vector_store_idx %arg7[%broadcast_in_dim3A_149], %broadcast_in_dim3A_1 masked %eq3A_152 : memref<4112xf32, #tpu.memory_space<vmem>>[vector<16xi32>], vector<16xf32>, vector<16xi1>
    %while3A_153 = arith.constant 0 : i32
    %while3A_154 = arith.subi %select_n3A, %while3A_153 : i32
    %while3A_155 = arith.addi %while3A_153, %while3A_154 : i32
    %while3A_156 = arith.constant 1 : i32
    %while3A_157 = arith.divsi %while3A_154, %while3A_156 : i32
    %while3A_158 = arith.muli %while3A_157, %while3A_156 : i32
    %while3A_159 = arith.addi %while3A_153, %while3A_158 : i32
    %while3A_160 = arith.constant 1 : i32
    %while3A_161:2 = scf.for %while3A_616 = %while3A_153 to %while3A_159 step %while3A_160 iter_args(%while3A_617 = %broadcast_in_dim3A_1, %while3A_618 = %broadcast_in_dim3A_3) -> (vector<16xf32>, vector<16xi32>)  : i32 {
      %mul3A_619 = arith.constant 16 : i32
      %mul3A_620 = arith.muli %while3A_616, %mul3A_619 : i32
      %get3A = arith.index_cast %mul3A_620 : i32 to index
      %get3A_621 = tpu.vector_load %arg8[%get3A] {strides = array<i32>} : memref<4112xi32, #tpu.memory_space<vmem>>, vector<16xi32>,
      %gather3A = tpu.vector_load_idx %arg7[%get3A_621] : memref<4112xf32, #tpu.memory_space<vmem>>[vector<16xi32>], vector<16xf32>,
      %gt3A = arith.cmpf ogt, %gather3A, %while3A_617 : vector<16xf32>
      %eq3A_622 = arith.cmpf oeq, %gather3A, %while3A_617 : vector<16xf32>
      %lt3A = arith.cmpi slt, %get3A_621, %while3A_618 : vector<16xi32>
      %and3A_623 = arith.andi %eq3A_622, %lt3A : vector<16xi1>
      %or3A = arith.ori %gt3A, %and3A_623 : vector<16xi1>
      %select_n3A_624 = arith.select %or3A, %gather3A, %while3A_617 : vector<16xi1>, vector<16xf32>
      %select_n3A_625 = arith.select %or3A, %get3A_621, %while3A_618 : vector<16xi1>, vector<16xi32>
      scf.yield %select_n3A_624, %select_n3A_625 : vector<16xf32>, vector<16xi32>
    }
    %while3A_162 = arith.constant 1 : i32
    %while3A_163:2 = scf.for %while3A_616 = %while3A_159 to %while3A_155 step %while3A_162 iter_args(%while3A_617 = %while3A_161#0, %while3A_618 = %while3A_161#1) -> (vector<16xf32>, vector<16xi32>)  : i32 {
      %mul3A_619 = arith.constant 16 : i32
      %mul3A_620 = arith.muli %while3A_616, %mul3A_619 : i32
      %get3A = arith.index_cast %mul3A_620 : i32 to index
      %get3A_621 = tpu.vector_load %arg8[%get3A] {strides = array<i32>} : memref<4112xi32, #tpu.memory_space<vmem>>, vector<16xi32>,
      %gather3A = tpu.vector_load_idx %arg7[%get3A_621] : memref<4112xf32, #tpu.memory_space<vmem>>[vector<16xi32>], vector<16xf32>,
      %gt3A = arith.cmpf ogt, %gather3A, %while3A_617 : vector<16xf32>
      %eq3A_622 = arith.cmpf oeq, %gather3A, %while3A_617 : vector<16xf32>
      %lt3A = arith.cmpi slt, %get3A_621, %while3A_618 : vector<16xi32>
      %and3A_623 = arith.andi %eq3A_622, %lt3A : vector<16xi1>
      %or3A = arith.ori %gt3A, %and3A_623 : vector<16xi1>
      %select_n3A_624 = arith.select %or3A, %gather3A, %while3A_617 : vector<16xi1>, vector<16xf32>
      %select_n3A_625 = arith.select %or3A, %get3A_621, %while3A_618 : vector<16xi1>, vector<16xi32>
      scf.yield %select_n3A_624, %select_n3A_625 : vector<16xf32>, vector<16xi32>
    }
    %reduce_max3A_164 = arith.constant true
    %reduce_max3A_165 = vector.broadcast %reduce_max3A_164 : i1 to vector<16xi1>
    %reduce_max3A_166 = tpu.scan <max>, %while3A_163#0 masked %reduce_max3A_165 : vector<16xf32>, vector<16xi1> -> vector<16xf32>
    %reduce_max3A_167 = vector.extract %reduce_max3A_166[15] : f32 from vector<16xf32>
    %eq3A_168 = vector.broadcast %reduce_max3A_167 : f32 to vector<16xf32>
    %eq3A_169 = arith.cmpf oeq, %while3A_163#0, %eq3A_168 : vector<16xf32>
    %select_n3A_170 = arith.select %eq3A_169, %while3A_163#1, %broadcast_in_dim3A_3 : vector<16xi1>, vector<16xi32>
    %reduce_min3A_171 = arith.constant true
    %reduce_min3A_172 = vector.broadcast %reduce_min3A_171 : i1 to vector<16xi1>
    %reduce_min3A_173 = arith.constant -2147483648 : i32
    %reduce_min3A_174 = vector.broadcast %reduce_min3A_173 : i32 to vector<16xi32>
    %reduce_min3A_175 = arith.xori %select_n3A_170, %reduce_min3A_174 : vector<16xi32>
    %reduce_min3A_176 = tpu.scan <min>, %reduce_min3A_175 masked %reduce_min3A_172 : vector<16xi32>, vector<16xi1> -> vector<16xi32>
    %reduce_min3A_177 = arith.xori %reduce_min3A_176, %reduce_min3A_174 : vector<16xi32>
    %reduce_min3A_178 = vector.extract %reduce_min3A_177[15] : i32 from vector<16xi32>
    %eq3A_179 = arith.constant 3 : i32
    %eq3A_180 = vector.broadcast %eq3A_179 : i32 to vector<16xi32>
    %eq3A_181 = arith.cmpi eq, %iota3A, %eq3A_180 : vector<16xi32>
    %broadcast_in_dim3A_182 = vector.broadcast %reduce_min3A_178 : i32 to vector<16xi32>
    %select_n3A_183 = arith.select %eq3A_181, %broadcast_in_dim3A_182, %select_n3A_148 : vector<16xi1>, vector<16xi32>
    %broadcast_in_dim3A_184 = vector.broadcast %reduce_min3A_178 : i32 to vector<16xi32>
    %eq3A_185 = arith.constant 0 : i32
    %eq3A_186 = vector.broadcast %eq3A_185 : i32 to vector<16xi32>
    %eq3A_187 = arith.cmpi eq, %iota3A, %eq3A_186 : vector<16xi32>
    tpu.vector_store_idx %arg7[%broadcast_in_dim3A_184], %broadcast_in_dim3A_1 masked %eq3A_187 : memref<4112xf32, #tpu.memory_space<vmem>>[vector<16xi32>], vector<16xf32>, vector<16xi1>
    %while3A_188 = arith.constant 0 : i32
    %while3A_189 = arith.subi %select_n3A, %while3A_188 : i32
    %while3A_190 = arith.addi %while3A_188, %while3A_189 : i32
    %while3A_191 = arith.constant 1 : i32
    %while3A_192 = arith.divsi %while3A_189, %while3A_191 : i32
    %while3A_193 = arith.muli %while3A_192, %while3A_191 : i32
    %while3A_194 = arith.addi %while3A_188, %while3A_193 : i32
    %while3A_195 = arith.constant 1 : i32
    %while3A_196:2 = scf.for %while3A_616 = %while3A_188 to %while3A_194 step %while3A_195 iter_args(%while3A_617 = %broadcast_in_dim3A_1, %while3A_618 = %broadcast_in_dim3A_3) -> (vector<16xf32>, vector<16xi32>)  : i32 {
      %mul3A_619 = arith.constant 16 : i32
      %mul3A_620 = arith.muli %while3A_616, %mul3A_619 : i32
      %get3A = arith.index_cast %mul3A_620 : i32 to index
      %get3A_621 = tpu.vector_load %arg8[%get3A] {strides = array<i32>} : memref<4112xi32, #tpu.memory_space<vmem>>, vector<16xi32>,
      %gather3A = tpu.vector_load_idx %arg7[%get3A_621] : memref<4112xf32, #tpu.memory_space<vmem>>[vector<16xi32>], vector<16xf32>,
      %gt3A = arith.cmpf ogt, %gather3A, %while3A_617 : vector<16xf32>
      %eq3A_622 = arith.cmpf oeq, %gather3A, %while3A_617 : vector<16xf32>
      %lt3A = arith.cmpi slt, %get3A_621, %while3A_618 : vector<16xi32>
      %and3A_623 = arith.andi %eq3A_622, %lt3A : vector<16xi1>
      %or3A = arith.ori %gt3A, %and3A_623 : vector<16xi1>
      %select_n3A_624 = arith.select %or3A, %gather3A, %while3A_617 : vector<16xi1>, vector<16xf32>
      %select_n3A_625 = arith.select %or3A, %get3A_621, %while3A_618 : vector<16xi1>, vector<16xi32>
      scf.yield %select_n3A_624, %select_n3A_625 : vector<16xf32>, vector<16xi32>
    }
    %while3A_197 = arith.constant 1 : i32
    %while3A_198:2 = scf.for %while3A_616 = %while3A_194 to %while3A_190 step %while3A_197 iter_args(%while3A_617 = %while3A_196#0, %while3A_618 = %while3A_196#1) -> (vector<16xf32>, vector<16xi32>)  : i32 {
      %mul3A_619 = arith.constant 16 : i32
      %mul3A_620 = arith.muli %while3A_616, %mul3A_619 : i32
      %get3A = arith.index_cast %mul3A_620 : i32 to index
      %get3A_621 = tpu.vector_load %arg8[%get3A] {strides = array<i32>} : memref<4112xi32, #tpu.memory_space<vmem>>, vector<16xi32>,
      %gather3A = tpu.vector_load_idx %arg7[%get3A_621] : memref<4112xf32, #tpu.memory_space<vmem>>[vector<16xi32>], vector<16xf32>,
      %gt3A = arith.cmpf ogt, %gather3A, %while3A_617 : vector<16xf32>
      %eq3A_622 = arith.cmpf oeq, %gather3A, %while3A_617 : vector<16xf32>
      %lt3A = arith.cmpi slt, %get3A_621, %while3A_618 : vector<16xi32>
      %and3A_623 = arith.andi %eq3A_622, %lt3A : vector<16xi1>
      %or3A = arith.ori %gt3A, %and3A_623 : vector<16xi1>
      %select_n3A_624 = arith.select %or3A, %gather3A, %while3A_617 : vector<16xi1>, vector<16xf32>
      %select_n3A_625 = arith.select %or3A, %get3A_621, %while3A_618 : vector<16xi1>, vector<16xi32>
      scf.yield %select_n3A_624, %select_n3A_625 : vector<16xf32>, vector<16xi32>
    }
    %reduce_max3A_199 = arith.constant true
    %reduce_max3A_200 = vector.broadcast %reduce_max3A_199 : i1 to vector<16xi1>
    %reduce_max3A_201 = tpu.scan <max>, %while3A_198#0 masked %reduce_max3A_200 : vector<16xf32>, vector<16xi1> -> vector<16xf32>
    %reduce_max3A_202 = vector.extract %reduce_max3A_201[15] : f32 from vector<16xf32>
    %eq3A_203 = vector.broadcast %reduce_max3A_202 : f32 to vector<16xf32>
    %eq3A_204 = arith.cmpf oeq, %while3A_198#0, %eq3A_203 : vector<16xf32>
    %select_n3A_205 = arith.select %eq3A_204, %while3A_198#1, %broadcast_in_dim3A_3 : vector<16xi1>, vector<16xi32>
    %reduce_min3A_206 = arith.constant true
    %reduce_min3A_207 = vector.broadcast %reduce_min3A_206 : i1 to vector<16xi1>
    %reduce_min3A_208 = arith.constant -2147483648 : i32
    %reduce_min3A_209 = vector.broadcast %reduce_min3A_208 : i32 to vector<16xi32>
    %reduce_min3A_210 = arith.xori %select_n3A_205, %reduce_min3A_209 : vector<16xi32>
    %reduce_min3A_211 = tpu.scan <min>, %reduce_min3A_210 masked %reduce_min3A_207 : vector<16xi32>, vector<16xi1> -> vector<16xi32>
    %reduce_min3A_212 = arith.xori %reduce_min3A_211, %reduce_min3A_209 : vector<16xi32>
    %reduce_min3A_213 = vector.extract %reduce_min3A_212[15] : i32 from vector<16xi32>
    %eq3A_214 = arith.constant 4 : i32
    %eq3A_215 = vector.broadcast %eq3A_214 : i32 to vector<16xi32>
    %eq3A_216 = arith.cmpi eq, %iota3A, %eq3A_215 : vector<16xi32>
    %broadcast_in_dim3A_217 = vector.broadcast %reduce_min3A_213 : i32 to vector<16xi32>
    %select_n3A_218 = arith.select %eq3A_216, %broadcast_in_dim3A_217, %select_n3A_183 : vector<16xi1>, vector<16xi32>
    %broadcast_in_dim3A_219 = vector.broadcast %reduce_min3A_213 : i32 to vector<16xi32>
    %eq3A_220 = arith.constant 0 : i32
    %eq3A_221 = vector.broadcast %eq3A_220 : i32 to vector<16xi32>
    %eq3A_222 = arith.cmpi eq, %iota3A, %eq3A_221 : vector<16xi32>
    tpu.vector_store_idx %arg7[%broadcast_in_dim3A_219], %broadcast_in_dim3A_1 masked %eq3A_222 : memref<4112xf32, #tpu.memory_space<vmem>>[vector<16xi32>], vector<16xf32>, vector<16xi1>
    %while3A_223 = arith.constant 0 : i32
    %while3A_224 = arith.subi %select_n3A, %while3A_223 : i32
    %while3A_225 = arith.addi %while3A_223, %while3A_224 : i32
    %while3A_226 = arith.constant 1 : i32
    %while3A_227 = arith.divsi %while3A_224, %while3A_226 : i32
    %while3A_228 = arith.muli %while3A_227, %while3A_226 : i32
    %while3A_229 = arith.addi %while3A_223, %while3A_228 : i32
    %while3A_230 = arith.constant 1 : i32
    %while3A_231:2 = scf.for %while3A_616 = %while3A_223 to %while3A_229 step %while3A_230 iter_args(%while3A_617 = %broadcast_in_dim3A_1, %while3A_618 = %broadcast_in_dim3A_3) -> (vector<16xf32>, vector<16xi32>)  : i32 {
      %mul3A_619 = arith.constant 16 : i32
      %mul3A_620 = arith.muli %while3A_616, %mul3A_619 : i32
      %get3A = arith.index_cast %mul3A_620 : i32 to index
      %get3A_621 = tpu.vector_load %arg8[%get3A] {strides = array<i32>} : memref<4112xi32, #tpu.memory_space<vmem>>, vector<16xi32>,
      %gather3A = tpu.vector_load_idx %arg7[%get3A_621] : memref<4112xf32, #tpu.memory_space<vmem>>[vector<16xi32>], vector<16xf32>,
      %gt3A = arith.cmpf ogt, %gather3A, %while3A_617 : vector<16xf32>
      %eq3A_622 = arith.cmpf oeq, %gather3A, %while3A_617 : vector<16xf32>
      %lt3A = arith.cmpi slt, %get3A_621, %while3A_618 : vector<16xi32>
      %and3A_623 = arith.andi %eq3A_622, %lt3A : vector<16xi1>
      %or3A = arith.ori %gt3A, %and3A_623 : vector<16xi1>
      %select_n3A_624 = arith.select %or3A, %gather3A, %while3A_617 : vector<16xi1>, vector<16xf32>
      %select_n3A_625 = arith.select %or3A, %get3A_621, %while3A_618 : vector<16xi1>, vector<16xi32>
      scf.yield %select_n3A_624, %select_n3A_625 : vector<16xf32>, vector<16xi32>
    }
    %while3A_232 = arith.constant 1 : i32
    %while3A_233:2 = scf.for %while3A_616 = %while3A_229 to %while3A_225 step %while3A_232 iter_args(%while3A_617 = %while3A_231#0, %while3A_618 = %while3A_231#1) -> (vector<16xf32>, vector<16xi32>)  : i32 {
      %mul3A_619 = arith.constant 16 : i32
      %mul3A_620 = arith.muli %while3A_616, %mul3A_619 : i32
      %get3A = arith.index_cast %mul3A_620 : i32 to index
      %get3A_621 = tpu.vector_load %arg8[%get3A] {strides = array<i32>} : memref<4112xi32, #tpu.memory_space<vmem>>, vector<16xi32>,
      %gather3A = tpu.vector_load_idx %arg7[%get3A_621] : memref<4112xf32, #tpu.memory_space<vmem>>[vector<16xi32>], vector<16xf32>,
      %gt3A = arith.cmpf ogt, %gather3A, %while3A_617 : vector<16xf32>
      %eq3A_622 = arith.cmpf oeq, %gather3A, %while3A_617 : vector<16xf32>
      %lt3A = arith.cmpi slt, %get3A_621, %while3A_618 : vector<16xi32>
      %and3A_623 = arith.andi %eq3A_622, %lt3A : vector<16xi1>
      %or3A = arith.ori %gt3A, %and3A_623 : vector<16xi1>
      %select_n3A_624 = arith.select %or3A, %gather3A, %while3A_617 : vector<16xi1>, vector<16xf32>
      %select_n3A_625 = arith.select %or3A, %get3A_621, %while3A_618 : vector<16xi1>, vector<16xi32>
      scf.yield %select_n3A_624, %select_n3A_625 : vector<16xf32>, vector<16xi32>
    }
    %reduce_max3A_234 = arith.constant true
    %reduce_max3A_235 = vector.broadcast %reduce_max3A_234 : i1 to vector<16xi1>
    %reduce_max3A_236 = tpu.scan <max>, %while3A_233#0 masked %reduce_max3A_235 : vector<16xf32>, vector<16xi1> -> vector<16xf32>
    %reduce_max3A_237 = vector.extract %reduce_max3A_236[15] : f32 from vector<16xf32>
    %eq3A_238 = vector.broadcast %reduce_max3A_237 : f32 to vector<16xf32>
    %eq3A_239 = arith.cmpf oeq, %while3A_233#0, %eq3A_238 : vector<16xf32>
    %select_n3A_240 = arith.select %eq3A_239, %while3A_233#1, %broadcast_in_dim3A_3 : vector<16xi1>, vector<16xi32>
    %reduce_min3A_241 = arith.constant true
    %reduce_min3A_242 = vector.broadcast %reduce_min3A_241 : i1 to vector<16xi1>
    %reduce_min3A_243 = arith.constant -2147483648 : i32
    %reduce_min3A_244 = vector.broadcast %reduce_min3A_243 : i32 to vector<16xi32>
    %reduce_min3A_245 = arith.xori %select_n3A_240, %reduce_min3A_244 : vector<16xi32>
    %reduce_min3A_246 = tpu.scan <min>, %reduce_min3A_245 masked %reduce_min3A_242 : vector<16xi32>, vector<16xi1> -> vector<16xi32>
    %reduce_min3A_247 = arith.xori %reduce_min3A_246, %reduce_min3A_244 : vector<16xi32>
    %reduce_min3A_248 = vector.extract %reduce_min3A_247[15] : i32 from vector<16xi32>
    %eq3A_249 = arith.constant 5 : i32
    %eq3A_250 = vector.broadcast %eq3A_249 : i32 to vector<16xi32>
    %eq3A_251 = arith.cmpi eq, %iota3A, %eq3A_250 : vector<16xi32>
    %broadcast_in_dim3A_252 = vector.broadcast %reduce_min3A_248 : i32 to vector<16xi32>
    %select_n3A_253 = arith.select %eq3A_251, %broadcast_in_dim3A_252, %select_n3A_218 : vector<16xi1>, vector<16xi32>
    %broadcast_in_dim3A_254 = vector.broadcast %reduce_min3A_248 : i32 to vector<16xi32>
    %eq3A_255 = arith.constant 0 : i32
    %eq3A_256 = vector.broadcast %eq3A_255 : i32 to vector<16xi32>
    %eq3A_257 = arith.cmpi eq, %iota3A, %eq3A_256 : vector<16xi32>
    tpu.vector_store_idx %arg7[%broadcast_in_dim3A_254], %broadcast_in_dim3A_1 masked %eq3A_257 : memref<4112xf32, #tpu.memory_space<vmem>>[vector<16xi32>], vector<16xf32>, vector<16xi1>
    %while3A_258 = arith.constant 0 : i32
    %while3A_259 = arith.subi %select_n3A, %while3A_258 : i32
    %while3A_260 = arith.addi %while3A_258, %while3A_259 : i32
    %while3A_261 = arith.constant 1 : i32
    %while3A_262 = arith.divsi %while3A_259, %while3A_261 : i32
    %while3A_263 = arith.muli %while3A_262, %while3A_261 : i32
    %while3A_264 = arith.addi %while3A_258, %while3A_263 : i32
    %while3A_265 = arith.constant 1 : i32
    %while3A_266:2 = scf.for %while3A_616 = %while3A_258 to %while3A_264 step %while3A_265 iter_args(%while3A_617 = %broadcast_in_dim3A_1, %while3A_618 = %broadcast_in_dim3A_3) -> (vector<16xf32>, vector<16xi32>)  : i32 {
      %mul3A_619 = arith.constant 16 : i32
      %mul3A_620 = arith.muli %while3A_616, %mul3A_619 : i32
      %get3A = arith.index_cast %mul3A_620 : i32 to index
      %get3A_621 = tpu.vector_load %arg8[%get3A] {strides = array<i32>} : memref<4112xi32, #tpu.memory_space<vmem>>, vector<16xi32>,
      %gather3A = tpu.vector_load_idx %arg7[%get3A_621] : memref<4112xf32, #tpu.memory_space<vmem>>[vector<16xi32>], vector<16xf32>,
      %gt3A = arith.cmpf ogt, %gather3A, %while3A_617 : vector<16xf32>
      %eq3A_622 = arith.cmpf oeq, %gather3A, %while3A_617 : vector<16xf32>
      %lt3A = arith.cmpi slt, %get3A_621, %while3A_618 : vector<16xi32>
      %and3A_623 = arith.andi %eq3A_622, %lt3A : vector<16xi1>
      %or3A = arith.ori %gt3A, %and3A_623 : vector<16xi1>
      %select_n3A_624 = arith.select %or3A, %gather3A, %while3A_617 : vector<16xi1>, vector<16xf32>
      %select_n3A_625 = arith.select %or3A, %get3A_621, %while3A_618 : vector<16xi1>, vector<16xi32>
      scf.yield %select_n3A_624, %select_n3A_625 : vector<16xf32>, vector<16xi32>
    }
    %while3A_267 = arith.constant 1 : i32
    %while3A_268:2 = scf.for %while3A_616 = %while3A_264 to %while3A_260 step %while3A_267 iter_args(%while3A_617 = %while3A_266#0, %while3A_618 = %while3A_266#1) -> (vector<16xf32>, vector<16xi32>)  : i32 {
      %mul3A_619 = arith.constant 16 : i32
      %mul3A_620 = arith.muli %while3A_616, %mul3A_619 : i32
      %get3A = arith.index_cast %mul3A_620 : i32 to index
      %get3A_621 = tpu.vector_load %arg8[%get3A] {strides = array<i32>} : memref<4112xi32, #tpu.memory_space<vmem>>, vector<16xi32>,
      %gather3A = tpu.vector_load_idx %arg7[%get3A_621] : memref<4112xf32, #tpu.memory_space<vmem>>[vector<16xi32>], vector<16xf32>,
      %gt3A = arith.cmpf ogt, %gather3A, %while3A_617 : vector<16xf32>
      %eq3A_622 = arith.cmpf oeq, %gather3A, %while3A_617 : vector<16xf32>
      %lt3A = arith.cmpi slt, %get3A_621, %while3A_618 : vector<16xi32>
      %and3A_623 = arith.andi %eq3A_622, %lt3A : vector<16xi1>
      %or3A = arith.ori %gt3A, %and3A_623 : vector<16xi1>
      %select_n3A_624 = arith.select %or3A, %gather3A, %while3A_617 : vector<16xi1>, vector<16xf32>
      %select_n3A_625 = arith.select %or3A, %get3A_621, %while3A_618 : vector<16xi1>, vector<16xi32>
      scf.yield %select_n3A_624, %select_n3A_625 : vector<16xf32>, vector<16xi32>
    }
    %reduce_max3A_269 = arith.constant true
    %reduce_max3A_270 = vector.broadcast %reduce_max3A_269 : i1 to vector<16xi1>
    %reduce_max3A_271 = tpu.scan <max>, %while3A_268#0 masked %reduce_max3A_270 : vector<16xf32>, vector<16xi1> -> vector<16xf32>
    %reduce_max3A_272 = vector.extract %reduce_max3A_271[15] : f32 from vector<16xf32>
    %eq3A_273 = vector.broadcast %reduce_max3A_272 : f32 to vector<16xf32>
    %eq3A_274 = arith.cmpf oeq, %while3A_268#0, %eq3A_273 : vector<16xf32>
    %select_n3A_275 = arith.select %eq3A_274, %while3A_268#1, %broadcast_in_dim3A_3 : vector<16xi1>, vector<16xi32>
    %reduce_min3A_276 = arith.constant true
    %reduce_min3A_277 = vector.broadcast %reduce_min3A_276 : i1 to vector<16xi1>
    %reduce_min3A_278 = arith.constant -2147483648 : i32
    %reduce_min3A_279 = vector.broadcast %reduce_min3A_278 : i32 to vector<16xi32>
    %reduce_min3A_280 = arith.xori %select_n3A_275, %reduce_min3A_279 : vector<16xi32>
    %reduce_min3A_281 = tpu.scan <min>, %reduce_min3A_280 masked %reduce_min3A_277 : vector<16xi32>, vector<16xi1> -> vector<16xi32>
    %reduce_min3A_282 = arith.xori %reduce_min3A_281, %reduce_min3A_279 : vector<16xi32>
    %reduce_min3A_283 = vector.extract %reduce_min3A_282[15] : i32 from vector<16xi32>
    %eq3A_284 = arith.constant 6 : i32
    %eq3A_285 = vector.broadcast %eq3A_284 : i32 to vector<16xi32>
    %eq3A_286 = arith.cmpi eq, %iota3A, %eq3A_285 : vector<16xi32>
    %broadcast_in_dim3A_287 = vector.broadcast %reduce_min3A_283 : i32 to vector<16xi32>
    %select_n3A_288 = arith.select %eq3A_286, %broadcast_in_dim3A_287, %select_n3A_253 : vector<16xi1>, vector<16xi32>
    %broadcast_in_dim3A_289 = vector.broadcast %reduce_min3A_283 : i32 to vector<16xi32>
    %eq3A_290 = arith.constant 0 : i32
    %eq3A_291 = vector.broadcast %eq3A_290 : i32 to vector<16xi32>
    %eq3A_292 = arith.cmpi eq, %iota3A, %eq3A_291 : vector<16xi32>
    tpu.vector_store_idx %arg7[%broadcast_in_dim3A_289], %broadcast_in_dim3A_1 masked %eq3A_292 : memref<4112xf32, #tpu.memory_space<vmem>>[vector<16xi32>], vector<16xf32>, vector<16xi1>
    %while3A_293 = arith.constant 0 : i32
    %while3A_294 = arith.subi %select_n3A, %while3A_293 : i32
    %while3A_295 = arith.addi %while3A_293, %while3A_294 : i32
    %while3A_296 = arith.constant 1 : i32
    %while3A_297 = arith.divsi %while3A_294, %while3A_296 : i32
    %while3A_298 = arith.muli %while3A_297, %while3A_296 : i32
    %while3A_299 = arith.addi %while3A_293, %while3A_298 : i32
    %while3A_300 = arith.constant 1 : i32
    %while3A_301:2 = scf.for %while3A_616 = %while3A_293 to %while3A_299 step %while3A_300 iter_args(%while3A_617 = %broadcast_in_dim3A_1, %while3A_618 = %broadcast_in_dim3A_3) -> (vector<16xf32>, vector<16xi32>)  : i32 {
      %mul3A_619 = arith.constant 16 : i32
      %mul3A_620 = arith.muli %while3A_616, %mul3A_619 : i32
      %get3A = arith.index_cast %mul3A_620 : i32 to index
      %get3A_621 = tpu.vector_load %arg8[%get3A] {strides = array<i32>} : memref<4112xi32, #tpu.memory_space<vmem>>, vector<16xi32>,
      %gather3A = tpu.vector_load_idx %arg7[%get3A_621] : memref<4112xf32, #tpu.memory_space<vmem>>[vector<16xi32>], vector<16xf32>,
      %gt3A = arith.cmpf ogt, %gather3A, %while3A_617 : vector<16xf32>
      %eq3A_622 = arith.cmpf oeq, %gather3A, %while3A_617 : vector<16xf32>
      %lt3A = arith.cmpi slt, %get3A_621, %while3A_618 : vector<16xi32>
      %and3A_623 = arith.andi %eq3A_622, %lt3A : vector<16xi1>
      %or3A = arith.ori %gt3A, %and3A_623 : vector<16xi1>
      %select_n3A_624 = arith.select %or3A, %gather3A, %while3A_617 : vector<16xi1>, vector<16xf32>
      %select_n3A_625 = arith.select %or3A, %get3A_621, %while3A_618 : vector<16xi1>, vector<16xi32>
      scf.yield %select_n3A_624, %select_n3A_625 : vector<16xf32>, vector<16xi32>
    }
    %while3A_302 = arith.constant 1 : i32
    %while3A_303:2 = scf.for %while3A_616 = %while3A_299 to %while3A_295 step %while3A_302 iter_args(%while3A_617 = %while3A_301#0, %while3A_618 = %while3A_301#1) -> (vector<16xf32>, vector<16xi32>)  : i32 {
      %mul3A_619 = arith.constant 16 : i32
      %mul3A_620 = arith.muli %while3A_616, %mul3A_619 : i32
      %get3A = arith.index_cast %mul3A_620 : i32 to index
      %get3A_621 = tpu.vector_load %arg8[%get3A] {strides = array<i32>} : memref<4112xi32, #tpu.memory_space<vmem>>, vector<16xi32>,
      %gather3A = tpu.vector_load_idx %arg7[%get3A_621] : memref<4112xf32, #tpu.memory_space<vmem>>[vector<16xi32>], vector<16xf32>,
      %gt3A = arith.cmpf ogt, %gather3A, %while3A_617 : vector<16xf32>
      %eq3A_622 = arith.cmpf oeq, %gather3A, %while3A_617 : vector<16xf32>
      %lt3A = arith.cmpi slt, %get3A_621, %while3A_618 : vector<16xi32>
      %and3A_623 = arith.andi %eq3A_622, %lt3A : vector<16xi1>
      %or3A = arith.ori %gt3A, %and3A_623 : vector<16xi1>
      %select_n3A_624 = arith.select %or3A, %gather3A, %while3A_617 : vector<16xi1>, vector<16xf32>
      %select_n3A_625 = arith.select %or3A, %get3A_621, %while3A_618 : vector<16xi1>, vector<16xi32>
      scf.yield %select_n3A_624, %select_n3A_625 : vector<16xf32>, vector<16xi32>
    }
    %reduce_max3A_304 = arith.constant true
    %reduce_max3A_305 = vector.broadcast %reduce_max3A_304 : i1 to vector<16xi1>
    %reduce_max3A_306 = tpu.scan <max>, %while3A_303#0 masked %reduce_max3A_305 : vector<16xf32>, vector<16xi1> -> vector<16xf32>
    %reduce_max3A_307 = vector.extract %reduce_max3A_306[15] : f32 from vector<16xf32>
    %eq3A_308 = vector.broadcast %reduce_max3A_307 : f32 to vector<16xf32>
    %eq3A_309 = arith.cmpf oeq, %while3A_303#0, %eq3A_308 : vector<16xf32>
    %select_n3A_310 = arith.select %eq3A_309, %while3A_303#1, %broadcast_in_dim3A_3 : vector<16xi1>, vector<16xi32>
    %reduce_min3A_311 = arith.constant true
    %reduce_min3A_312 = vector.broadcast %reduce_min3A_311 : i1 to vector<16xi1>
    %reduce_min3A_313 = arith.constant -2147483648 : i32
    %reduce_min3A_314 = vector.broadcast %reduce_min3A_313 : i32 to vector<16xi32>
    %reduce_min3A_315 = arith.xori %select_n3A_310, %reduce_min3A_314 : vector<16xi32>
    %reduce_min3A_316 = tpu.scan <min>, %reduce_min3A_315 masked %reduce_min3A_312 : vector<16xi32>, vector<16xi1> -> vector<16xi32>
    %reduce_min3A_317 = arith.xori %reduce_min3A_316, %reduce_min3A_314 : vector<16xi32>
    %reduce_min3A_318 = vector.extract %reduce_min3A_317[15] : i32 from vector<16xi32>
    %eq3A_319 = arith.constant 7 : i32
    %eq3A_320 = vector.broadcast %eq3A_319 : i32 to vector<16xi32>
    %eq3A_321 = arith.cmpi eq, %iota3A, %eq3A_320 : vector<16xi32>
    %broadcast_in_dim3A_322 = vector.broadcast %reduce_min3A_318 : i32 to vector<16xi32>
    %select_n3A_323 = arith.select %eq3A_321, %broadcast_in_dim3A_322, %select_n3A_288 : vector<16xi1>, vector<16xi32>
    %broadcast_in_dim3A_324 = vector.broadcast %reduce_min3A_318 : i32 to vector<16xi32>
    %eq3A_325 = arith.constant 0 : i32
    %eq3A_326 = vector.broadcast %eq3A_325 : i32 to vector<16xi32>
    %eq3A_327 = arith.cmpi eq, %iota3A, %eq3A_326 : vector<16xi32>
    tpu.vector_store_idx %arg7[%broadcast_in_dim3A_324], %broadcast_in_dim3A_1 masked %eq3A_327 : memref<4112xf32, #tpu.memory_space<vmem>>[vector<16xi32>], vector<16xf32>, vector<16xi1>
    %while3A_328 = arith.constant 0 : i32
    %while3A_329 = arith.subi %select_n3A, %while3A_328 : i32
    %while3A_330 = arith.addi %while3A_328, %while3A_329 : i32
    %while3A_331 = arith.constant 1 : i32
    %while3A_332 = arith.divsi %while3A_329, %while3A_331 : i32
    %while3A_333 = arith.muli %while3A_332, %while3A_331 : i32
    %while3A_334 = arith.addi %while3A_328, %while3A_333 : i32
    %while3A_335 = arith.constant 1 : i32
    %while3A_336:2 = scf.for %while3A_616 = %while3A_328 to %while3A_334 step %while3A_335 iter_args(%while3A_617 = %broadcast_in_dim3A_1, %while3A_618 = %broadcast_in_dim3A_3) -> (vector<16xf32>, vector<16xi32>)  : i32 {
      %mul3A_619 = arith.constant 16 : i32
      %mul3A_620 = arith.muli %while3A_616, %mul3A_619 : i32
      %get3A = arith.index_cast %mul3A_620 : i32 to index
      %get3A_621 = tpu.vector_load %arg8[%get3A] {strides = array<i32>} : memref<4112xi32, #tpu.memory_space<vmem>>, vector<16xi32>,
      %gather3A = tpu.vector_load_idx %arg7[%get3A_621] : memref<4112xf32, #tpu.memory_space<vmem>>[vector<16xi32>], vector<16xf32>,
      %gt3A = arith.cmpf ogt, %gather3A, %while3A_617 : vector<16xf32>
      %eq3A_622 = arith.cmpf oeq, %gather3A, %while3A_617 : vector<16xf32>
      %lt3A = arith.cmpi slt, %get3A_621, %while3A_618 : vector<16xi32>
      %and3A_623 = arith.andi %eq3A_622, %lt3A : vector<16xi1>
      %or3A = arith.ori %gt3A, %and3A_623 : vector<16xi1>
      %select_n3A_624 = arith.select %or3A, %gather3A, %while3A_617 : vector<16xi1>, vector<16xf32>
      %select_n3A_625 = arith.select %or3A, %get3A_621, %while3A_618 : vector<16xi1>, vector<16xi32>
      scf.yield %select_n3A_624, %select_n3A_625 : vector<16xf32>, vector<16xi32>
    }
    %while3A_337 = arith.constant 1 : i32
    %while3A_338:2 = scf.for %while3A_616 = %while3A_334 to %while3A_330 step %while3A_337 iter_args(%while3A_617 = %while3A_336#0, %while3A_618 = %while3A_336#1) -> (vector<16xf32>, vector<16xi32>)  : i32 {
      %mul3A_619 = arith.constant 16 : i32
      %mul3A_620 = arith.muli %while3A_616, %mul3A_619 : i32
      %get3A = arith.index_cast %mul3A_620 : i32 to index
      %get3A_621 = tpu.vector_load %arg8[%get3A] {strides = array<i32>} : memref<4112xi32, #tpu.memory_space<vmem>>, vector<16xi32>,
      %gather3A = tpu.vector_load_idx %arg7[%get3A_621] : memref<4112xf32, #tpu.memory_space<vmem>>[vector<16xi32>], vector<16xf32>,
      %gt3A = arith.cmpf ogt, %gather3A, %while3A_617 : vector<16xf32>
      %eq3A_622 = arith.cmpf oeq, %gather3A, %while3A_617 : vector<16xf32>
      %lt3A = arith.cmpi slt, %get3A_621, %while3A_618 : vector<16xi32>
      %and3A_623 = arith.andi %eq3A_622, %lt3A : vector<16xi1>
      %or3A = arith.ori %gt3A, %and3A_623 : vector<16xi1>
      %select_n3A_624 = arith.select %or3A, %gather3A, %while3A_617 : vector<16xi1>, vector<16xf32>
      %select_n3A_625 = arith.select %or3A, %get3A_621, %while3A_618 : vector<16xi1>, vector<16xi32>
      scf.yield %select_n3A_624, %select_n3A_625 : vector<16xf32>, vector<16xi32>
    }
    %reduce_max3A_339 = arith.constant true
    %reduce_max3A_340 = vector.broadcast %reduce_max3A_339 : i1 to vector<16xi1>
    %reduce_max3A_341 = tpu.scan <max>, %while3A_338#0 masked %reduce_max3A_340 : vector<16xf32>, vector<16xi1> -> vector<16xf32>
    %reduce_max3A_342 = vector.extract %reduce_max3A_341[15] : f32 from vector<16xf32>
    %eq3A_343 = vector.broadcast %reduce_max3A_342 : f32 to vector<16xf32>
    %eq3A_344 = arith.cmpf oeq, %while3A_338#0, %eq3A_343 : vector<16xf32>
    %select_n3A_345 = arith.select %eq3A_344, %while3A_338#1, %broadcast_in_dim3A_3 : vector<16xi1>, vector<16xi32>
    %reduce_min3A_346 = arith.constant true
    %reduce_min3A_347 = vector.broadcast %reduce_min3A_346 : i1 to vector<16xi1>
    %reduce_min3A_348 = arith.constant -2147483648 : i32
    %reduce_min3A_349 = vector.broadcast %reduce_min3A_348 : i32 to vector<16xi32>
    %reduce_min3A_350 = arith.xori %select_n3A_345, %reduce_min3A_349 : vector<16xi32>
    %reduce_min3A_351 = tpu.scan <min>, %reduce_min3A_350 masked %reduce_min3A_347 : vector<16xi32>, vector<16xi1> -> vector<16xi32>
    %reduce_min3A_352 = arith.xori %reduce_min3A_351, %reduce_min3A_349 : vector<16xi32>
    %reduce_min3A_353 = vector.extract %reduce_min3A_352[15] : i32 from vector<16xi32>
    %eq3A_354 = arith.constant 8 : i32
    %eq3A_355 = vector.broadcast %eq3A_354 : i32 to vector<16xi32>
    %eq3A_356 = arith.cmpi eq, %iota3A, %eq3A_355 : vector<16xi32>
    %broadcast_in_dim3A_357 = vector.broadcast %reduce_min3A_353 : i32 to vector<16xi32>
    %select_n3A_358 = arith.select %eq3A_356, %broadcast_in_dim3A_357, %select_n3A_323 : vector<16xi1>, vector<16xi32>
    %broadcast_in_dim3A_359 = vector.broadcast %reduce_min3A_353 : i32 to vector<16xi32>
    %eq3A_360 = arith.constant 0 : i32
    %eq3A_361 = vector.broadcast %eq3A_360 : i32 to vector<16xi32>
    %eq3A_362 = arith.cmpi eq, %iota3A, %eq3A_361 : vector<16xi32>
    tpu.vector_store_idx %arg7[%broadcast_in_dim3A_359], %broadcast_in_dim3A_1 masked %eq3A_362 : memref<4112xf32, #tpu.memory_space<vmem>>[vector<16xi32>], vector<16xf32>, vector<16xi1>
    %while3A_363 = arith.constant 0 : i32
    %while3A_364 = arith.subi %select_n3A, %while3A_363 : i32
    %while3A_365 = arith.addi %while3A_363, %while3A_364 : i32
    %while3A_366 = arith.constant 1 : i32
    %while3A_367 = arith.divsi %while3A_364, %while3A_366 : i32
    %while3A_368 = arith.muli %while3A_367, %while3A_366 : i32
    %while3A_369 = arith.addi %while3A_363, %while3A_368 : i32
    %while3A_370 = arith.constant 1 : i32
    %while3A_371:2 = scf.for %while3A_616 = %while3A_363 to %while3A_369 step %while3A_370 iter_args(%while3A_617 = %broadcast_in_dim3A_1, %while3A_618 = %broadcast_in_dim3A_3) -> (vector<16xf32>, vector<16xi32>)  : i32 {
      %mul3A_619 = arith.constant 16 : i32
      %mul3A_620 = arith.muli %while3A_616, %mul3A_619 : i32
      %get3A = arith.index_cast %mul3A_620 : i32 to index
      %get3A_621 = tpu.vector_load %arg8[%get3A] {strides = array<i32>} : memref<4112xi32, #tpu.memory_space<vmem>>, vector<16xi32>,
      %gather3A = tpu.vector_load_idx %arg7[%get3A_621] : memref<4112xf32, #tpu.memory_space<vmem>>[vector<16xi32>], vector<16xf32>,
      %gt3A = arith.cmpf ogt, %gather3A, %while3A_617 : vector<16xf32>
      %eq3A_622 = arith.cmpf oeq, %gather3A, %while3A_617 : vector<16xf32>
      %lt3A = arith.cmpi slt, %get3A_621, %while3A_618 : vector<16xi32>
      %and3A_623 = arith.andi %eq3A_622, %lt3A : vector<16xi1>
      %or3A = arith.ori %gt3A, %and3A_623 : vector<16xi1>
      %select_n3A_624 = arith.select %or3A, %gather3A, %while3A_617 : vector<16xi1>, vector<16xf32>
      %select_n3A_625 = arith.select %or3A, %get3A_621, %while3A_618 : vector<16xi1>, vector<16xi32>
      scf.yield %select_n3A_624, %select_n3A_625 : vector<16xf32>, vector<16xi32>
    }
    %while3A_372 = arith.constant 1 : i32
    %while3A_373:2 = scf.for %while3A_616 = %while3A_369 to %while3A_365 step %while3A_372 iter_args(%while3A_617 = %while3A_371#0, %while3A_618 = %while3A_371#1) -> (vector<16xf32>, vector<16xi32>)  : i32 {
      %mul3A_619 = arith.constant 16 : i32
      %mul3A_620 = arith.muli %while3A_616, %mul3A_619 : i32
      %get3A = arith.index_cast %mul3A_620 : i32 to index
      %get3A_621 = tpu.vector_load %arg8[%get3A] {strides = array<i32>} : memref<4112xi32, #tpu.memory_space<vmem>>, vector<16xi32>,
      %gather3A = tpu.vector_load_idx %arg7[%get3A_621] : memref<4112xf32, #tpu.memory_space<vmem>>[vector<16xi32>], vector<16xf32>,
      %gt3A = arith.cmpf ogt, %gather3A, %while3A_617 : vector<16xf32>
      %eq3A_622 = arith.cmpf oeq, %gather3A, %while3A_617 : vector<16xf32>
      %lt3A = arith.cmpi slt, %get3A_621, %while3A_618 : vector<16xi32>
      %and3A_623 = arith.andi %eq3A_622, %lt3A : vector<16xi1>
      %or3A = arith.ori %gt3A, %and3A_623 : vector<16xi1>
      %select_n3A_624 = arith.select %or3A, %gather3A, %while3A_617 : vector<16xi1>, vector<16xf32>
      %select_n3A_625 = arith.select %or3A, %get3A_621, %while3A_618 : vector<16xi1>, vector<16xi32>
      scf.yield %select_n3A_624, %select_n3A_625 : vector<16xf32>, vector<16xi32>
    }
    %reduce_max3A_374 = arith.constant true
    %reduce_max3A_375 = vector.broadcast %reduce_max3A_374 : i1 to vector<16xi1>
    %reduce_max3A_376 = tpu.scan <max>, %while3A_373#0 masked %reduce_max3A_375 : vector<16xf32>, vector<16xi1> -> vector<16xf32>
    %reduce_max3A_377 = vector.extract %reduce_max3A_376[15] : f32 from vector<16xf32>
    %eq3A_378 = vector.broadcast %reduce_max3A_377 : f32 to vector<16xf32>
    %eq3A_379 = arith.cmpf oeq, %while3A_373#0, %eq3A_378 : vector<16xf32>
    %select_n3A_380 = arith.select %eq3A_379, %while3A_373#1, %broadcast_in_dim3A_3 : vector<16xi1>, vector<16xi32>
    %reduce_min3A_381 = arith.constant true
    %reduce_min3A_382 = vector.broadcast %reduce_min3A_381 : i1 to vector<16xi1>
    %reduce_min3A_383 = arith.constant -2147483648 : i32
    %reduce_min3A_384 = vector.broadcast %reduce_min3A_383 : i32 to vector<16xi32>
    %reduce_min3A_385 = arith.xori %select_n3A_380, %reduce_min3A_384 : vector<16xi32>
    %reduce_min3A_386 = tpu.scan <min>, %reduce_min3A_385 masked %reduce_min3A_382 : vector<16xi32>, vector<16xi1> -> vector<16xi32>
    %reduce_min3A_387 = arith.xori %reduce_min3A_386, %reduce_min3A_384 : vector<16xi32>
    %reduce_min3A_388 = vector.extract %reduce_min3A_387[15] : i32 from vector<16xi32>
    %eq3A_389 = arith.constant 9 : i32
    %eq3A_390 = vector.broadcast %eq3A_389 : i32 to vector<16xi32>
    %eq3A_391 = arith.cmpi eq, %iota3A, %eq3A_390 : vector<16xi32>
    %broadcast_in_dim3A_392 = vector.broadcast %reduce_min3A_388 : i32 to vector<16xi32>
    %select_n3A_393 = arith.select %eq3A_391, %broadcast_in_dim3A_392, %select_n3A_358 : vector<16xi1>, vector<16xi32>
    %broadcast_in_dim3A_394 = vector.broadcast %reduce_min3A_388 : i32 to vector<16xi32>
    %eq3A_395 = arith.constant 0 : i32
    %eq3A_396 = vector.broadcast %eq3A_395 : i32 to vector<16xi32>
    %eq3A_397 = arith.cmpi eq, %iota3A, %eq3A_396 : vector<16xi32>
    tpu.vector_store_idx %arg7[%broadcast_in_dim3A_394], %broadcast_in_dim3A_1 masked %eq3A_397 : memref<4112xf32, #tpu.memory_space<vmem>>[vector<16xi32>], vector<16xf32>, vector<16xi1>
    %while3A_398 = arith.constant 0 : i32
    %while3A_399 = arith.subi %select_n3A, %while3A_398 : i32
    %while3A_400 = arith.addi %while3A_398, %while3A_399 : i32
    %while3A_401 = arith.constant 1 : i32
    %while3A_402 = arith.divsi %while3A_399, %while3A_401 : i32
    %while3A_403 = arith.muli %while3A_402, %while3A_401 : i32
    %while3A_404 = arith.addi %while3A_398, %while3A_403 : i32
    %while3A_405 = arith.constant 1 : i32
    %while3A_406:2 = scf.for %while3A_616 = %while3A_398 to %while3A_404 step %while3A_405 iter_args(%while3A_617 = %broadcast_in_dim3A_1, %while3A_618 = %broadcast_in_dim3A_3) -> (vector<16xf32>, vector<16xi32>)  : i32 {
      %mul3A_619 = arith.constant 16 : i32
      %mul3A_620 = arith.muli %while3A_616, %mul3A_619 : i32
      %get3A = arith.index_cast %mul3A_620 : i32 to index
      %get3A_621 = tpu.vector_load %arg8[%get3A] {strides = array<i32>} : memref<4112xi32, #tpu.memory_space<vmem>>, vector<16xi32>,
      %gather3A = tpu.vector_load_idx %arg7[%get3A_621] : memref<4112xf32, #tpu.memory_space<vmem>>[vector<16xi32>], vector<16xf32>,
      %gt3A = arith.cmpf ogt, %gather3A, %while3A_617 : vector<16xf32>
      %eq3A_622 = arith.cmpf oeq, %gather3A, %while3A_617 : vector<16xf32>
      %lt3A = arith.cmpi slt, %get3A_621, %while3A_618 : vector<16xi32>
      %and3A_623 = arith.andi %eq3A_622, %lt3A : vector<16xi1>
      %or3A = arith.ori %gt3A, %and3A_623 : vector<16xi1>
      %select_n3A_624 = arith.select %or3A, %gather3A, %while3A_617 : vector<16xi1>, vector<16xf32>
      %select_n3A_625 = arith.select %or3A, %get3A_621, %while3A_618 : vector<16xi1>, vector<16xi32>
      scf.yield %select_n3A_624, %select_n3A_625 : vector<16xf32>, vector<16xi32>
    }
    %while3A_407 = arith.constant 1 : i32
    %while3A_408:2 = scf.for %while3A_616 = %while3A_404 to %while3A_400 step %while3A_407 iter_args(%while3A_617 = %while3A_406#0, %while3A_618 = %while3A_406#1) -> (vector<16xf32>, vector<16xi32>)  : i32 {
      %mul3A_619 = arith.constant 16 : i32
      %mul3A_620 = arith.muli %while3A_616, %mul3A_619 : i32
      %get3A = arith.index_cast %mul3A_620 : i32 to index
      %get3A_621 = tpu.vector_load %arg8[%get3A] {strides = array<i32>} : memref<4112xi32, #tpu.memory_space<vmem>>, vector<16xi32>,
      %gather3A = tpu.vector_load_idx %arg7[%get3A_621] : memref<4112xf32, #tpu.memory_space<vmem>>[vector<16xi32>], vector<16xf32>,
      %gt3A = arith.cmpf ogt, %gather3A, %while3A_617 : vector<16xf32>
      %eq3A_622 = arith.cmpf oeq, %gather3A, %while3A_617 : vector<16xf32>
      %lt3A = arith.cmpi slt, %get3A_621, %while3A_618 : vector<16xi32>
      %and3A_623 = arith.andi %eq3A_622, %lt3A : vector<16xi1>
      %or3A = arith.ori %gt3A, %and3A_623 : vector<16xi1>
      %select_n3A_624 = arith.select %or3A, %gather3A, %while3A_617 : vector<16xi1>, vector<16xf32>
      %select_n3A_625 = arith.select %or3A, %get3A_621, %while3A_618 : vector<16xi1>, vector<16xi32>
      scf.yield %select_n3A_624, %select_n3A_625 : vector<16xf32>, vector<16xi32>
    }
    %reduce_max3A_409 = arith.constant true
    %reduce_max3A_410 = vector.broadcast %reduce_max3A_409 : i1 to vector<16xi1>
    %reduce_max3A_411 = tpu.scan <max>, %while3A_408#0 masked %reduce_max3A_410 : vector<16xf32>, vector<16xi1> -> vector<16xf32>
    %reduce_max3A_412 = vector.extract %reduce_max3A_411[15] : f32 from vector<16xf32>
    %eq3A_413 = vector.broadcast %reduce_max3A_412 : f32 to vector<16xf32>
    %eq3A_414 = arith.cmpf oeq, %while3A_408#0, %eq3A_413 : vector<16xf32>
    %select_n3A_415 = arith.select %eq3A_414, %while3A_408#1, %broadcast_in_dim3A_3 : vector<16xi1>, vector<16xi32>
    %reduce_min3A_416 = arith.constant true
    %reduce_min3A_417 = vector.broadcast %reduce_min3A_416 : i1 to vector<16xi1>
    %reduce_min3A_418 = arith.constant -2147483648 : i32
    %reduce_min3A_419 = vector.broadcast %reduce_min3A_418 : i32 to vector<16xi32>
    %reduce_min3A_420 = arith.xori %select_n3A_415, %reduce_min3A_419 : vector<16xi32>
    %reduce_min3A_421 = tpu.scan <min>, %reduce_min3A_420 masked %reduce_min3A_417 : vector<16xi32>, vector<16xi1> -> vector<16xi32>
    %reduce_min3A_422 = arith.xori %reduce_min3A_421, %reduce_min3A_419 : vector<16xi32>
    %reduce_min3A_423 = vector.extract %reduce_min3A_422[15] : i32 from vector<16xi32>
    %eq3A_424 = arith.constant 10 : i32
    %eq3A_425 = vector.broadcast %eq3A_424 : i32 to vector<16xi32>
    %eq3A_426 = arith.cmpi eq, %iota3A, %eq3A_425 : vector<16xi32>
    %broadcast_in_dim3A_427 = vector.broadcast %reduce_min3A_423 : i32 to vector<16xi32>
    %select_n3A_428 = arith.select %eq3A_426, %broadcast_in_dim3A_427, %select_n3A_393 : vector<16xi1>, vector<16xi32>
    %broadcast_in_dim3A_429 = vector.broadcast %reduce_min3A_423 : i32 to vector<16xi32>
    %eq3A_430 = arith.constant 0 : i32
    %eq3A_431 = vector.broadcast %eq3A_430 : i32 to vector<16xi32>
    %eq3A_432 = arith.cmpi eq, %iota3A, %eq3A_431 : vector<16xi32>
    tpu.vector_store_idx %arg7[%broadcast_in_dim3A_429], %broadcast_in_dim3A_1 masked %eq3A_432 : memref<4112xf32, #tpu.memory_space<vmem>>[vector<16xi32>], vector<16xf32>, vector<16xi1>
    %while3A_433 = arith.constant 0 : i32
    %while3A_434 = arith.subi %select_n3A, %while3A_433 : i32
    %while3A_435 = arith.addi %while3A_433, %while3A_434 : i32
    %while3A_436 = arith.constant 1 : i32
    %while3A_437 = arith.divsi %while3A_434, %while3A_436 : i32
    %while3A_438 = arith.muli %while3A_437, %while3A_436 : i32
    %while3A_439 = arith.addi %while3A_433, %while3A_438 : i32
    %while3A_440 = arith.constant 1 : i32
    %while3A_441:2 = scf.for %while3A_616 = %while3A_433 to %while3A_439 step %while3A_440 iter_args(%while3A_617 = %broadcast_in_dim3A_1, %while3A_618 = %broadcast_in_dim3A_3) -> (vector<16xf32>, vector<16xi32>)  : i32 {
      %mul3A_619 = arith.constant 16 : i32
      %mul3A_620 = arith.muli %while3A_616, %mul3A_619 : i32
      %get3A = arith.index_cast %mul3A_620 : i32 to index
      %get3A_621 = tpu.vector_load %arg8[%get3A] {strides = array<i32>} : memref<4112xi32, #tpu.memory_space<vmem>>, vector<16xi32>,
      %gather3A = tpu.vector_load_idx %arg7[%get3A_621] : memref<4112xf32, #tpu.memory_space<vmem>>[vector<16xi32>], vector<16xf32>,
      %gt3A = arith.cmpf ogt, %gather3A, %while3A_617 : vector<16xf32>
      %eq3A_622 = arith.cmpf oeq, %gather3A, %while3A_617 : vector<16xf32>
      %lt3A = arith.cmpi slt, %get3A_621, %while3A_618 : vector<16xi32>
      %and3A_623 = arith.andi %eq3A_622, %lt3A : vector<16xi1>
      %or3A = arith.ori %gt3A, %and3A_623 : vector<16xi1>
      %select_n3A_624 = arith.select %or3A, %gather3A, %while3A_617 : vector<16xi1>, vector<16xf32>
      %select_n3A_625 = arith.select %or3A, %get3A_621, %while3A_618 : vector<16xi1>, vector<16xi32>
      scf.yield %select_n3A_624, %select_n3A_625 : vector<16xf32>, vector<16xi32>
    }
    %while3A_442 = arith.constant 1 : i32
    %while3A_443:2 = scf.for %while3A_616 = %while3A_439 to %while3A_435 step %while3A_442 iter_args(%while3A_617 = %while3A_441#0, %while3A_618 = %while3A_441#1) -> (vector<16xf32>, vector<16xi32>)  : i32 {
      %mul3A_619 = arith.constant 16 : i32
      %mul3A_620 = arith.muli %while3A_616, %mul3A_619 : i32
      %get3A = arith.index_cast %mul3A_620 : i32 to index
      %get3A_621 = tpu.vector_load %arg8[%get3A] {strides = array<i32>} : memref<4112xi32, #tpu.memory_space<vmem>>, vector<16xi32>,
      %gather3A = tpu.vector_load_idx %arg7[%get3A_621] : memref<4112xf32, #tpu.memory_space<vmem>>[vector<16xi32>], vector<16xf32>,
      %gt3A = arith.cmpf ogt, %gather3A, %while3A_617 : vector<16xf32>
      %eq3A_622 = arith.cmpf oeq, %gather3A, %while3A_617 : vector<16xf32>
      %lt3A = arith.cmpi slt, %get3A_621, %while3A_618 : vector<16xi32>
      %and3A_623 = arith.andi %eq3A_622, %lt3A : vector<16xi1>
      %or3A = arith.ori %gt3A, %and3A_623 : vector<16xi1>
      %select_n3A_624 = arith.select %or3A, %gather3A, %while3A_617 : vector<16xi1>, vector<16xf32>
      %select_n3A_625 = arith.select %or3A, %get3A_621, %while3A_618 : vector<16xi1>, vector<16xi32>
      scf.yield %select_n3A_624, %select_n3A_625 : vector<16xf32>, vector<16xi32>
    }
    %reduce_max3A_444 = arith.constant true
    %reduce_max3A_445 = vector.broadcast %reduce_max3A_444 : i1 to vector<16xi1>
    %reduce_max3A_446 = tpu.scan <max>, %while3A_443#0 masked %reduce_max3A_445 : vector<16xf32>, vector<16xi1> -> vector<16xf32>
    %reduce_max3A_447 = vector.extract %reduce_max3A_446[15] : f32 from vector<16xf32>
    %eq3A_448 = vector.broadcast %reduce_max3A_447 : f32 to vector<16xf32>
    %eq3A_449 = arith.cmpf oeq, %while3A_443#0, %eq3A_448 : vector<16xf32>
    %select_n3A_450 = arith.select %eq3A_449, %while3A_443#1, %broadcast_in_dim3A_3 : vector<16xi1>, vector<16xi32>
    %reduce_min3A_451 = arith.constant true
    %reduce_min3A_452 = vector.broadcast %reduce_min3A_451 : i1 to vector<16xi1>
    %reduce_min3A_453 = arith.constant -2147483648 : i32
    %reduce_min3A_454 = vector.broadcast %reduce_min3A_453 : i32 to vector<16xi32>
    %reduce_min3A_455 = arith.xori %select_n3A_450, %reduce_min3A_454 : vector<16xi32>
    %reduce_min3A_456 = tpu.scan <min>, %reduce_min3A_455 masked %reduce_min3A_452 : vector<16xi32>, vector<16xi1> -> vector<16xi32>
    %reduce_min3A_457 = arith.xori %reduce_min3A_456, %reduce_min3A_454 : vector<16xi32>
    %reduce_min3A_458 = vector.extract %reduce_min3A_457[15] : i32 from vector<16xi32>
    %eq3A_459 = arith.constant 11 : i32
    %eq3A_460 = vector.broadcast %eq3A_459 : i32 to vector<16xi32>
    %eq3A_461 = arith.cmpi eq, %iota3A, %eq3A_460 : vector<16xi32>
    %broadcast_in_dim3A_462 = vector.broadcast %reduce_min3A_458 : i32 to vector<16xi32>
    %select_n3A_463 = arith.select %eq3A_461, %broadcast_in_dim3A_462, %select_n3A_428 : vector<16xi1>, vector<16xi32>
    %broadcast_in_dim3A_464 = vector.broadcast %reduce_min3A_458 : i32 to vector<16xi32>
    %eq3A_465 = arith.constant 0 : i32
    %eq3A_466 = vector.broadcast %eq3A_465 : i32 to vector<16xi32>
    %eq3A_467 = arith.cmpi eq, %iota3A, %eq3A_466 : vector<16xi32>
    tpu.vector_store_idx %arg7[%broadcast_in_dim3A_464], %broadcast_in_dim3A_1 masked %eq3A_467 : memref<4112xf32, #tpu.memory_space<vmem>>[vector<16xi32>], vector<16xf32>, vector<16xi1>
    %while3A_468 = arith.constant 0 : i32
    %while3A_469 = arith.subi %select_n3A, %while3A_468 : i32
    %while3A_470 = arith.addi %while3A_468, %while3A_469 : i32
    %while3A_471 = arith.constant 1 : i32
    %while3A_472 = arith.divsi %while3A_469, %while3A_471 : i32
    %while3A_473 = arith.muli %while3A_472, %while3A_471 : i32
    %while3A_474 = arith.addi %while3A_468, %while3A_473 : i32
    %while3A_475 = arith.constant 1 : i32
    %while3A_476:2 = scf.for %while3A_616 = %while3A_468 to %while3A_474 step %while3A_475 iter_args(%while3A_617 = %broadcast_in_dim3A_1, %while3A_618 = %broadcast_in_dim3A_3) -> (vector<16xf32>, vector<16xi32>)  : i32 {
      %mul3A_619 = arith.constant 16 : i32
      %mul3A_620 = arith.muli %while3A_616, %mul3A_619 : i32
      %get3A = arith.index_cast %mul3A_620 : i32 to index
      %get3A_621 = tpu.vector_load %arg8[%get3A] {strides = array<i32>} : memref<4112xi32, #tpu.memory_space<vmem>>, vector<16xi32>,
      %gather3A = tpu.vector_load_idx %arg7[%get3A_621] : memref<4112xf32, #tpu.memory_space<vmem>>[vector<16xi32>], vector<16xf32>,
      %gt3A = arith.cmpf ogt, %gather3A, %while3A_617 : vector<16xf32>
      %eq3A_622 = arith.cmpf oeq, %gather3A, %while3A_617 : vector<16xf32>
      %lt3A = arith.cmpi slt, %get3A_621, %while3A_618 : vector<16xi32>
      %and3A_623 = arith.andi %eq3A_622, %lt3A : vector<16xi1>
      %or3A = arith.ori %gt3A, %and3A_623 : vector<16xi1>
      %select_n3A_624 = arith.select %or3A, %gather3A, %while3A_617 : vector<16xi1>, vector<16xf32>
      %select_n3A_625 = arith.select %or3A, %get3A_621, %while3A_618 : vector<16xi1>, vector<16xi32>
      scf.yield %select_n3A_624, %select_n3A_625 : vector<16xf32>, vector<16xi32>
    }
    %while3A_477 = arith.constant 1 : i32
    %while3A_478:2 = scf.for %while3A_616 = %while3A_474 to %while3A_470 step %while3A_477 iter_args(%while3A_617 = %while3A_476#0, %while3A_618 = %while3A_476#1) -> (vector<16xf32>, vector<16xi32>)  : i32 {
      %mul3A_619 = arith.constant 16 : i32
      %mul3A_620 = arith.muli %while3A_616, %mul3A_619 : i32
      %get3A = arith.index_cast %mul3A_620 : i32 to index
      %get3A_621 = tpu.vector_load %arg8[%get3A] {strides = array<i32>} : memref<4112xi32, #tpu.memory_space<vmem>>, vector<16xi32>,
      %gather3A = tpu.vector_load_idx %arg7[%get3A_621] : memref<4112xf32, #tpu.memory_space<vmem>>[vector<16xi32>], vector<16xf32>,
      %gt3A = arith.cmpf ogt, %gather3A, %while3A_617 : vector<16xf32>
      %eq3A_622 = arith.cmpf oeq, %gather3A, %while3A_617 : vector<16xf32>
      %lt3A = arith.cmpi slt, %get3A_621, %while3A_618 : vector<16xi32>
      %and3A_623 = arith.andi %eq3A_622, %lt3A : vector<16xi1>
      %or3A = arith.ori %gt3A, %and3A_623 : vector<16xi1>
      %select_n3A_624 = arith.select %or3A, %gather3A, %while3A_617 : vector<16xi1>, vector<16xf32>
      %select_n3A_625 = arith.select %or3A, %get3A_621, %while3A_618 : vector<16xi1>, vector<16xi32>
      scf.yield %select_n3A_624, %select_n3A_625 : vector<16xf32>, vector<16xi32>
    }
    %reduce_max3A_479 = arith.constant true
    %reduce_max3A_480 = vector.broadcast %reduce_max3A_479 : i1 to vector<16xi1>
    %reduce_max3A_481 = tpu.scan <max>, %while3A_478#0 masked %reduce_max3A_480 : vector<16xf32>, vector<16xi1> -> vector<16xf32>
    %reduce_max3A_482 = vector.extract %reduce_max3A_481[15] : f32 from vector<16xf32>
    %eq3A_483 = vector.broadcast %reduce_max3A_482 : f32 to vector<16xf32>
    %eq3A_484 = arith.cmpf oeq, %while3A_478#0, %eq3A_483 : vector<16xf32>
    %select_n3A_485 = arith.select %eq3A_484, %while3A_478#1, %broadcast_in_dim3A_3 : vector<16xi1>, vector<16xi32>
    %reduce_min3A_486 = arith.constant true
    %reduce_min3A_487 = vector.broadcast %reduce_min3A_486 : i1 to vector<16xi1>
    %reduce_min3A_488 = arith.constant -2147483648 : i32
    %reduce_min3A_489 = vector.broadcast %reduce_min3A_488 : i32 to vector<16xi32>
    %reduce_min3A_490 = arith.xori %select_n3A_485, %reduce_min3A_489 : vector<16xi32>
    %reduce_min3A_491 = tpu.scan <min>, %reduce_min3A_490 masked %reduce_min3A_487 : vector<16xi32>, vector<16xi1> -> vector<16xi32>
    %reduce_min3A_492 = arith.xori %reduce_min3A_491, %reduce_min3A_489 : vector<16xi32>
    %reduce_min3A_493 = vector.extract %reduce_min3A_492[15] : i32 from vector<16xi32>
    %eq3A_494 = arith.constant 12 : i32
    %eq3A_495 = vector.broadcast %eq3A_494 : i32 to vector<16xi32>
    %eq3A_496 = arith.cmpi eq, %iota3A, %eq3A_495 : vector<16xi32>
    %broadcast_in_dim3A_497 = vector.broadcast %reduce_min3A_493 : i32 to vector<16xi32>
    %select_n3A_498 = arith.select %eq3A_496, %broadcast_in_dim3A_497, %select_n3A_463 : vector<16xi1>, vector<16xi32>
    %broadcast_in_dim3A_499 = vector.broadcast %reduce_min3A_493 : i32 to vector<16xi32>
    %eq3A_500 = arith.constant 0 : i32
    %eq3A_501 = vector.broadcast %eq3A_500 : i32 to vector<16xi32>
    %eq3A_502 = arith.cmpi eq, %iota3A, %eq3A_501 : vector<16xi32>
    tpu.vector_store_idx %arg7[%broadcast_in_dim3A_499], %broadcast_in_dim3A_1 masked %eq3A_502 : memref<4112xf32, #tpu.memory_space<vmem>>[vector<16xi32>], vector<16xf32>, vector<16xi1>
    %while3A_503 = arith.constant 0 : i32
    %while3A_504 = arith.subi %select_n3A, %while3A_503 : i32
    %while3A_505 = arith.addi %while3A_503, %while3A_504 : i32
    %while3A_506 = arith.constant 1 : i32
    %while3A_507 = arith.divsi %while3A_504, %while3A_506 : i32
    %while3A_508 = arith.muli %while3A_507, %while3A_506 : i32
    %while3A_509 = arith.addi %while3A_503, %while3A_508 : i32
    %while3A_510 = arith.constant 1 : i32
    %while3A_511:2 = scf.for %while3A_616 = %while3A_503 to %while3A_509 step %while3A_510 iter_args(%while3A_617 = %broadcast_in_dim3A_1, %while3A_618 = %broadcast_in_dim3A_3) -> (vector<16xf32>, vector<16xi32>)  : i32 {
      %mul3A_619 = arith.constant 16 : i32
      %mul3A_620 = arith.muli %while3A_616, %mul3A_619 : i32
      %get3A = arith.index_cast %mul3A_620 : i32 to index
      %get3A_621 = tpu.vector_load %arg8[%get3A] {strides = array<i32>} : memref<4112xi32, #tpu.memory_space<vmem>>, vector<16xi32>,
      %gather3A = tpu.vector_load_idx %arg7[%get3A_621] : memref<4112xf32, #tpu.memory_space<vmem>>[vector<16xi32>], vector<16xf32>,
      %gt3A = arith.cmpf ogt, %gather3A, %while3A_617 : vector<16xf32>
      %eq3A_622 = arith.cmpf oeq, %gather3A, %while3A_617 : vector<16xf32>
      %lt3A = arith.cmpi slt, %get3A_621, %while3A_618 : vector<16xi32>
      %and3A_623 = arith.andi %eq3A_622, %lt3A : vector<16xi1>
      %or3A = arith.ori %gt3A, %and3A_623 : vector<16xi1>
      %select_n3A_624 = arith.select %or3A, %gather3A, %while3A_617 : vector<16xi1>, vector<16xf32>
      %select_n3A_625 = arith.select %or3A, %get3A_621, %while3A_618 : vector<16xi1>, vector<16xi32>
      scf.yield %select_n3A_624, %select_n3A_625 : vector<16xf32>, vector<16xi32>
    }
    %while3A_512 = arith.constant 1 : i32
    %while3A_513:2 = scf.for %while3A_616 = %while3A_509 to %while3A_505 step %while3A_512 iter_args(%while3A_617 = %while3A_511#0, %while3A_618 = %while3A_511#1) -> (vector<16xf32>, vector<16xi32>)  : i32 {
      %mul3A_619 = arith.constant 16 : i32
      %mul3A_620 = arith.muli %while3A_616, %mul3A_619 : i32
      %get3A = arith.index_cast %mul3A_620 : i32 to index
      %get3A_621 = tpu.vector_load %arg8[%get3A] {strides = array<i32>} : memref<4112xi32, #tpu.memory_space<vmem>>, vector<16xi32>,
      %gather3A = tpu.vector_load_idx %arg7[%get3A_621] : memref<4112xf32, #tpu.memory_space<vmem>>[vector<16xi32>], vector<16xf32>,
      %gt3A = arith.cmpf ogt, %gather3A, %while3A_617 : vector<16xf32>
      %eq3A_622 = arith.cmpf oeq, %gather3A, %while3A_617 : vector<16xf32>
      %lt3A = arith.cmpi slt, %get3A_621, %while3A_618 : vector<16xi32>
      %and3A_623 = arith.andi %eq3A_622, %lt3A : vector<16xi1>
      %or3A = arith.ori %gt3A, %and3A_623 : vector<16xi1>
      %select_n3A_624 = arith.select %or3A, %gather3A, %while3A_617 : vector<16xi1>, vector<16xf32>
      %select_n3A_625 = arith.select %or3A, %get3A_621, %while3A_618 : vector<16xi1>, vector<16xi32>
      scf.yield %select_n3A_624, %select_n3A_625 : vector<16xf32>, vector<16xi32>
    }
    %reduce_max3A_514 = arith.constant true
    %reduce_max3A_515 = vector.broadcast %reduce_max3A_514 : i1 to vector<16xi1>
    %reduce_max3A_516 = tpu.scan <max>, %while3A_513#0 masked %reduce_max3A_515 : vector<16xf32>, vector<16xi1> -> vector<16xf32>
    %reduce_max3A_517 = vector.extract %reduce_max3A_516[15] : f32 from vector<16xf32>
    %eq3A_518 = vector.broadcast %reduce_max3A_517 : f32 to vector<16xf32>
    %eq3A_519 = arith.cmpf oeq, %while3A_513#0, %eq3A_518 : vector<16xf32>
    %select_n3A_520 = arith.select %eq3A_519, %while3A_513#1, %broadcast_in_dim3A_3 : vector<16xi1>, vector<16xi32>
    %reduce_min3A_521 = arith.constant true
    %reduce_min3A_522 = vector.broadcast %reduce_min3A_521 : i1 to vector<16xi1>
    %reduce_min3A_523 = arith.constant -2147483648 : i32
    %reduce_min3A_524 = vector.broadcast %reduce_min3A_523 : i32 to vector<16xi32>
    %reduce_min3A_525 = arith.xori %select_n3A_520, %reduce_min3A_524 : vector<16xi32>
    %reduce_min3A_526 = tpu.scan <min>, %reduce_min3A_525 masked %reduce_min3A_522 : vector<16xi32>, vector<16xi1> -> vector<16xi32>
    %reduce_min3A_527 = arith.xori %reduce_min3A_526, %reduce_min3A_524 : vector<16xi32>
    %reduce_min3A_528 = vector.extract %reduce_min3A_527[15] : i32 from vector<16xi32>
    %eq3A_529 = arith.constant 13 : i32
    %eq3A_530 = vector.broadcast %eq3A_529 : i32 to vector<16xi32>
    %eq3A_531 = arith.cmpi eq, %iota3A, %eq3A_530 : vector<16xi32>
    %broadcast_in_dim3A_532 = vector.broadcast %reduce_min3A_528 : i32 to vector<16xi32>
    %select_n3A_533 = arith.select %eq3A_531, %broadcast_in_dim3A_532, %select_n3A_498 : vector<16xi1>, vector<16xi32>
    %broadcast_in_dim3A_534 = vector.broadcast %reduce_min3A_528 : i32 to vector<16xi32>
    %eq3A_535 = arith.constant 0 : i32
    %eq3A_536 = vector.broadcast %eq3A_535 : i32 to vector<16xi32>
    %eq3A_537 = arith.cmpi eq, %iota3A, %eq3A_536 : vector<16xi32>
    tpu.vector_store_idx %arg7[%broadcast_in_dim3A_534], %broadcast_in_dim3A_1 masked %eq3A_537 : memref<4112xf32, #tpu.memory_space<vmem>>[vector<16xi32>], vector<16xf32>, vector<16xi1>
    %while3A_538 = arith.constant 0 : i32
    %while3A_539 = arith.subi %select_n3A, %while3A_538 : i32
    %while3A_540 = arith.addi %while3A_538, %while3A_539 : i32
    %while3A_541 = arith.constant 1 : i32
    %while3A_542 = arith.divsi %while3A_539, %while3A_541 : i32
    %while3A_543 = arith.muli %while3A_542, %while3A_541 : i32
    %while3A_544 = arith.addi %while3A_538, %while3A_543 : i32
    %while3A_545 = arith.constant 1 : i32
    %while3A_546:2 = scf.for %while3A_616 = %while3A_538 to %while3A_544 step %while3A_545 iter_args(%while3A_617 = %broadcast_in_dim3A_1, %while3A_618 = %broadcast_in_dim3A_3) -> (vector<16xf32>, vector<16xi32>)  : i32 {
      %mul3A_619 = arith.constant 16 : i32
      %mul3A_620 = arith.muli %while3A_616, %mul3A_619 : i32
      %get3A = arith.index_cast %mul3A_620 : i32 to index
      %get3A_621 = tpu.vector_load %arg8[%get3A] {strides = array<i32>} : memref<4112xi32, #tpu.memory_space<vmem>>, vector<16xi32>,
      %gather3A = tpu.vector_load_idx %arg7[%get3A_621] : memref<4112xf32, #tpu.memory_space<vmem>>[vector<16xi32>], vector<16xf32>,
      %gt3A = arith.cmpf ogt, %gather3A, %while3A_617 : vector<16xf32>
      %eq3A_622 = arith.cmpf oeq, %gather3A, %while3A_617 : vector<16xf32>
      %lt3A = arith.cmpi slt, %get3A_621, %while3A_618 : vector<16xi32>
      %and3A_623 = arith.andi %eq3A_622, %lt3A : vector<16xi1>
      %or3A = arith.ori %gt3A, %and3A_623 : vector<16xi1>
      %select_n3A_624 = arith.select %or3A, %gather3A, %while3A_617 : vector<16xi1>, vector<16xf32>
      %select_n3A_625 = arith.select %or3A, %get3A_621, %while3A_618 : vector<16xi1>, vector<16xi32>
      scf.yield %select_n3A_624, %select_n3A_625 : vector<16xf32>, vector<16xi32>
    }
    %while3A_547 = arith.constant 1 : i32
    %while3A_548:2 = scf.for %while3A_616 = %while3A_544 to %while3A_540 step %while3A_547 iter_args(%while3A_617 = %while3A_546#0, %while3A_618 = %while3A_546#1) -> (vector<16xf32>, vector<16xi32>)  : i32 {
      %mul3A_619 = arith.constant 16 : i32
      %mul3A_620 = arith.muli %while3A_616, %mul3A_619 : i32
      %get3A = arith.index_cast %mul3A_620 : i32 to index
      %get3A_621 = tpu.vector_load %arg8[%get3A] {strides = array<i32>} : memref<4112xi32, #tpu.memory_space<vmem>>, vector<16xi32>,
      %gather3A = tpu.vector_load_idx %arg7[%get3A_621] : memref<4112xf32, #tpu.memory_space<vmem>>[vector<16xi32>], vector<16xf32>,
      %gt3A = arith.cmpf ogt, %gather3A, %while3A_617 : vector<16xf32>
      %eq3A_622 = arith.cmpf oeq, %gather3A, %while3A_617 : vector<16xf32>
      %lt3A = arith.cmpi slt, %get3A_621, %while3A_618 : vector<16xi32>
      %and3A_623 = arith.andi %eq3A_622, %lt3A : vector<16xi1>
      %or3A = arith.ori %gt3A, %and3A_623 : vector<16xi1>
      %select_n3A_624 = arith.select %or3A, %gather3A, %while3A_617 : vector<16xi1>, vector<16xf32>
      %select_n3A_625 = arith.select %or3A, %get3A_621, %while3A_618 : vector<16xi1>, vector<16xi32>
      scf.yield %select_n3A_624, %select_n3A_625 : vector<16xf32>, vector<16xi32>
    }
    %reduce_max3A_549 = arith.constant true
    %reduce_max3A_550 = vector.broadcast %reduce_max3A_549 : i1 to vector<16xi1>
    %reduce_max3A_551 = tpu.scan <max>, %while3A_548#0 masked %reduce_max3A_550 : vector<16xf32>, vector<16xi1> -> vector<16xf32>
    %reduce_max3A_552 = vector.extract %reduce_max3A_551[15] : f32 from vector<16xf32>
    %eq3A_553 = vector.broadcast %reduce_max3A_552 : f32 to vector<16xf32>
    %eq3A_554 = arith.cmpf oeq, %while3A_548#0, %eq3A_553 : vector<16xf32>
    %select_n3A_555 = arith.select %eq3A_554, %while3A_548#1, %broadcast_in_dim3A_3 : vector<16xi1>, vector<16xi32>
    %reduce_min3A_556 = arith.constant true
    %reduce_min3A_557 = vector.broadcast %reduce_min3A_556 : i1 to vector<16xi1>
    %reduce_min3A_558 = arith.constant -2147483648 : i32
    %reduce_min3A_559 = vector.broadcast %reduce_min3A_558 : i32 to vector<16xi32>
    %reduce_min3A_560 = arith.xori %select_n3A_555, %reduce_min3A_559 : vector<16xi32>
    %reduce_min3A_561 = tpu.scan <min>, %reduce_min3A_560 masked %reduce_min3A_557 : vector<16xi32>, vector<16xi1> -> vector<16xi32>
    %reduce_min3A_562 = arith.xori %reduce_min3A_561, %reduce_min3A_559 : vector<16xi32>
    %reduce_min3A_563 = vector.extract %reduce_min3A_562[15] : i32 from vector<16xi32>
    %eq3A_564 = arith.constant 14 : i32
    %eq3A_565 = vector.broadcast %eq3A_564 : i32 to vector<16xi32>
    %eq3A_566 = arith.cmpi eq, %iota3A, %eq3A_565 : vector<16xi32>
    %broadcast_in_dim3A_567 = vector.broadcast %reduce_min3A_563 : i32 to vector<16xi32>
    %select_n3A_568 = arith.select %eq3A_566, %broadcast_in_dim3A_567, %select_n3A_533 : vector<16xi1>, vector<16xi32>
    %broadcast_in_dim3A_569 = vector.broadcast %reduce_min3A_563 : i32 to vector<16xi32>
    %eq3A_570 = arith.constant 0 : i32
    %eq3A_571 = vector.broadcast %eq3A_570 : i32 to vector<16xi32>
    %eq3A_572 = arith.cmpi eq, %iota3A, %eq3A_571 : vector<16xi32>
    tpu.vector_store_idx %arg7[%broadcast_in_dim3A_569], %broadcast_in_dim3A_1 masked %eq3A_572 : memref<4112xf32, #tpu.memory_space<vmem>>[vector<16xi32>], vector<16xf32>, vector<16xi1>
    %while3A_573 = arith.constant 0 : i32
    %while3A_574 = arith.subi %select_n3A, %while3A_573 : i32
    %while3A_575 = arith.addi %while3A_573, %while3A_574 : i32
    %while3A_576 = arith.constant 1 : i32
    %while3A_577 = arith.divsi %while3A_574, %while3A_576 : i32
    %while3A_578 = arith.muli %while3A_577, %while3A_576 : i32
    %while3A_579 = arith.addi %while3A_573, %while3A_578 : i32
    %while3A_580 = arith.constant 1 : i32
    %while3A_581:2 = scf.for %while3A_616 = %while3A_573 to %while3A_579 step %while3A_580 iter_args(%while3A_617 = %broadcast_in_dim3A_1, %while3A_618 = %broadcast_in_dim3A_3) -> (vector<16xf32>, vector<16xi32>)  : i32 {
      %mul3A_619 = arith.constant 16 : i32
      %mul3A_620 = arith.muli %while3A_616, %mul3A_619 : i32
      %get3A = arith.index_cast %mul3A_620 : i32 to index
      %get3A_621 = tpu.vector_load %arg8[%get3A] {strides = array<i32>} : memref<4112xi32, #tpu.memory_space<vmem>>, vector<16xi32>,
      %gather3A = tpu.vector_load_idx %arg7[%get3A_621] : memref<4112xf32, #tpu.memory_space<vmem>>[vector<16xi32>], vector<16xf32>,
      %gt3A = arith.cmpf ogt, %gather3A, %while3A_617 : vector<16xf32>
      %eq3A_622 = arith.cmpf oeq, %gather3A, %while3A_617 : vector<16xf32>
      %lt3A = arith.cmpi slt, %get3A_621, %while3A_618 : vector<16xi32>
      %and3A_623 = arith.andi %eq3A_622, %lt3A : vector<16xi1>
      %or3A = arith.ori %gt3A, %and3A_623 : vector<16xi1>
      %select_n3A_624 = arith.select %or3A, %gather3A, %while3A_617 : vector<16xi1>, vector<16xf32>
      %select_n3A_625 = arith.select %or3A, %get3A_621, %while3A_618 : vector<16xi1>, vector<16xi32>
      scf.yield %select_n3A_624, %select_n3A_625 : vector<16xf32>, vector<16xi32>
    }
    %while3A_582 = arith.constant 1 : i32
    %while3A_583:2 = scf.for %while3A_616 = %while3A_579 to %while3A_575 step %while3A_582 iter_args(%while3A_617 = %while3A_581#0, %while3A_618 = %while3A_581#1) -> (vector<16xf32>, vector<16xi32>)  : i32 {
      %mul3A_619 = arith.constant 16 : i32
      %mul3A_620 = arith.muli %while3A_616, %mul3A_619 : i32
      %get3A = arith.index_cast %mul3A_620 : i32 to index
      %get3A_621 = tpu.vector_load %arg8[%get3A] {strides = array<i32>} : memref<4112xi32, #tpu.memory_space<vmem>>, vector<16xi32>,
      %gather3A = tpu.vector_load_idx %arg7[%get3A_621] : memref<4112xf32, #tpu.memory_space<vmem>>[vector<16xi32>], vector<16xf32>,
      %gt3A = arith.cmpf ogt, %gather3A, %while3A_617 : vector<16xf32>
      %eq3A_622 = arith.cmpf oeq, %gather3A, %while3A_617 : vector<16xf32>
      %lt3A = arith.cmpi slt, %get3A_621, %while3A_618 : vector<16xi32>
      %and3A_623 = arith.andi %eq3A_622, %lt3A : vector<16xi1>
      %or3A = arith.ori %gt3A, %and3A_623 : vector<16xi1>
      %select_n3A_624 = arith.select %or3A, %gather3A, %while3A_617 : vector<16xi1>, vector<16xf32>
      %select_n3A_625 = arith.select %or3A, %get3A_621, %while3A_618 : vector<16xi1>, vector<16xi32>
      scf.yield %select_n3A_624, %select_n3A_625 : vector<16xf32>, vector<16xi32>
    }
    %reduce_max3A_584 = arith.constant true
    %reduce_max3A_585 = vector.broadcast %reduce_max3A_584 : i1 to vector<16xi1>
    %reduce_max3A_586 = tpu.scan <max>, %while3A_583#0 masked %reduce_max3A_585 : vector<16xf32>, vector<16xi1> -> vector<16xf32>
    %reduce_max3A_587 = vector.extract %reduce_max3A_586[15] : f32 from vector<16xf32>
    %eq3A_588 = vector.broadcast %reduce_max3A_587 : f32 to vector<16xf32>
    %eq3A_589 = arith.cmpf oeq, %while3A_583#0, %eq3A_588 : vector<16xf32>
    %select_n3A_590 = arith.select %eq3A_589, %while3A_583#1, %broadcast_in_dim3A_3 : vector<16xi1>, vector<16xi32>
    %reduce_min3A_591 = arith.constant true
    %reduce_min3A_592 = vector.broadcast %reduce_min3A_591 : i1 to vector<16xi1>
    %reduce_min3A_593 = arith.constant -2147483648 : i32
    %reduce_min3A_594 = vector.broadcast %reduce_min3A_593 : i32 to vector<16xi32>
    %reduce_min3A_595 = arith.xori %select_n3A_590, %reduce_min3A_594 : vector<16xi32>
    %reduce_min3A_596 = tpu.scan <min>, %reduce_min3A_595 masked %reduce_min3A_592 : vector<16xi32>, vector<16xi1> -> vector<16xi32>
    %reduce_min3A_597 = arith.xori %reduce_min3A_596, %reduce_min3A_594 : vector<16xi32>
    %reduce_min3A_598 = vector.extract %reduce_min3A_597[15] : i32 from vector<16xi32>
    %eq3A_599 = arith.constant 15 : i32
    %eq3A_600 = vector.broadcast %eq3A_599 : i32 to vector<16xi32>
    %eq3A_601 = arith.cmpi eq, %iota3A, %eq3A_600 : vector<16xi32>
    %broadcast_in_dim3A_602 = vector.broadcast %reduce_min3A_598 : i32 to vector<16xi32>
    %select_n3A_603 = arith.select %eq3A_601, %broadcast_in_dim3A_602, %select_n3A_568 : vector<16xi1>, vector<16xi32>
    %broadcast_in_dim3A_604 = vector.broadcast %reduce_min3A_598 : i32 to vector<16xi32>
    %eq3A_605 = arith.constant 0 : i32
    %eq3A_606 = vector.broadcast %eq3A_605 : i32 to vector<16xi32>
    %eq3A_607 = arith.cmpi eq, %iota3A, %eq3A_606 : vector<16xi32>
    tpu.vector_store_idx %arg7[%broadcast_in_dim3A_604], %broadcast_in_dim3A_1 masked %eq3A_607 : memref<4112xf32, #tpu.memory_space<vmem>>[vector<16xi32>], vector<16xf32>, vector<16xi1>
    %mul3A_608 = arith.constant 4096 : i32
    %mul3A_609 = arith.muli %add3A, %mul3A_608 : i32
    %add3A_610 = vector.broadcast %mul3A_609 : i32 to vector<16xi32>
    %add3A_611 = arith.addi %select_n3A_603, %add3A_610 : vector<16xi32>
    %dma_start3A = arith.constant 0 : i32
    %dma_start3A_612 = arith.constant 0 : i32
    %dma_start3A_613 = tpu.memref_slice %arg3[%dma_start3A, %dma_start3A_612] : memref<131072x128xf32, #tpu.memory_space<hbm>> -> memref<131072x128xf32, #tpu.memory_space<hbm>>
    tpu.enqueue_indirect_dma source(%dma_start3A_613 : memref<131072x128xf32, #tpu.memory_space<hbm>>) target(%arg9 : memref<16x128xf32, #tpu.memory_space<vmem>>) offsets(%add3A_611 : vector<16xi32>) semaphore(%arg11 : memref<!tpu.dma_semaphore, #tpu.memory_space<semaphore_mem>>)
    %dma_wait3A = arith.constant 0 : i32
    %dma_wait3A_614 = arith.constant 0 : i32
    %dma_wait3A_615 = tpu.memref_slice %arg3[%dma_wait3A, %dma_wait3A_614] : memref<131072x128xf32, #tpu.memory_space<hbm>> -> memref<131072x128xf32, #tpu.memory_space<hbm>>
    tpu.wait_indirect_dma semaphore(%arg11 : memref<!tpu.dma_semaphore, #tpu.memory_space<semaphore_mem>>) src(%dma_wait3A_615 : memref<131072x128xf32, #tpu.memory_space<hbm>>) dst(%arg9 : memref<16x128xf32, #tpu.memory_space<vmem>>)
    "tpu.region"() ({
      %run_scoped3A = tpu.sem_alloc : memref<!tpu.dma_semaphore, #tpu.memory_space<semaphore_mem>>
      %dma_start3A_616 = arith.constant 0 : i32
      %dma_start3A_617 = arith.constant 0 : i32
      %dma_start3A_618 = tpu.memref_slice %arg4[%add3A, %dma_start3A_616, %dma_start3A_617] : memref<32x16x128xf32, #tpu.memory_space<hbm>> -> memref<1x16x128xf32, #tpu.memory_space<hbm>>
      %dma_start3A_619 = tpu.memref_squeeze %dma_start3A_618 : memref<1x16x128xf32, #tpu.memory_space<hbm>> -> memref<16x128xf32, #tpu.memory_space<hbm>>
      %dma_start3A_620 = arith.constant 0 : i32
      %dma_start3A_621 = arith.constant 0 : i32
      %dma_start3A_622 = tpu.memref_slice %arg4[%add3A, %dma_start3A_620, %dma_start3A_621] : memref<32x16x128xf32, #tpu.memory_space<hbm>> -> memref<1x16x128xf32, #tpu.memory_space<hbm>>
      %dma_start3A_623 = tpu.memref_squeeze %dma_start3A_622 : memref<1x16x128xf32, #tpu.memory_space<hbm>> -> memref<16x128xf32, #tpu.memory_space<hbm>>
      tpu.enqueue_dma source(%arg9 : memref<16x128xf32, #tpu.memory_space<vmem>>) target(%dma_start3A_623 : memref<16x128xf32, #tpu.memory_space<hbm>>) target_semaphore(%run_scoped3A : memref<!tpu.dma_semaphore, #tpu.memory_space<semaphore_mem>>)
      %dma_wait3A_624 = arith.constant 0 : i32
      %dma_wait3A_625 = arith.constant 0 : i32
      %dma_wait3A_626 = tpu.memref_slice %arg4[%add3A, %dma_wait3A_624, %dma_wait3A_625] : memref<32x16x128xf32, #tpu.memory_space<hbm>> -> memref<1x16x128xf32, #tpu.memory_space<hbm>>
      %dma_wait3A_627 = tpu.memref_squeeze %dma_wait3A_626 : memref<1x16x128xf32, #tpu.memory_space<hbm>> -> memref<16x128xf32, #tpu.memory_space<hbm>>
      %dma_wait3A_628 = arith.constant 0 : i32
      %dma_wait3A_629 = arith.constant 0 : i32
      %dma_wait3A_630 = tpu.memref_slice %arg4[%add3A, %dma_wait3A_628, %dma_wait3A_629] : memref<32x16x128xf32, #tpu.memory_space<hbm>> -> memref<1x16x128xf32, #tpu.memory_space<hbm>>
      %dma_wait3A_631 = tpu.memref_squeeze %dma_wait3A_630 : memref<1x16x128xf32, #tpu.memory_space<hbm>> -> memref<16x128xf32, #tpu.memory_space<hbm>>
      tpu.wait_dma2 semaphore(%run_scoped3A : memref<!tpu.dma_semaphore, #tpu.memory_space<semaphore_mem>>) src(%arg9 : memref<16x128xf32, #tpu.memory_space<vmem>>) dst(%dma_wait3A_631 : memref<16x128xf32, #tpu.memory_space<hbm>>)
      tpu.yield
    }) : () -> ()
    return
  }
}

module attributes {stable_mosaic.version = 14 : i64} {
  func.func @_a_body(%arg0: i32, %arg1: memref<1x4096x128xf32, #tpu.memory_space<vmem>>, %arg2: memref<1x64x128xf32, #tpu.memory_space<vmem>>, %arg3: memref<1x1x4096xf32, #tpu.memory_space<vmem>>) attributes {dimension_semantics = [#tpu.dimension_semantics<arbitrary>], iteration_bounds = array<i64: 32>, scalar_prefetch = 0 : i64, scratch_operands = 0 : i64, tpu.core_type = #tpu.core_type<tc>, window_params = [{transform_indices = @transform_0, window_bounds = array<i64: 1, 4096, 128>}, {transform_indices = @transform_1, window_bounds = array<i64: 1, 64, 128>}, {transform_indices = @transform_2, window_bounds = array<i64: 1, 1, 4096>}]} {
    %get3A = arith.constant 0 : index
    %get3A_0 = arith.constant 0 : index
    %get3A_1 = arith.constant 0 : index
    %get3A_2 = vector.load %arg2[%get3A, %get3A_0, %get3A_1] : memref<1x64x128xf32, #tpu.memory_space<vmem>>, vector<1x64x128xf32>
    %get3A_3 = vector.shape_cast %get3A_2 : vector<1x64x128xf32> to vector<64x128xf32>
    %mul3A = arith.mulf %get3A_3, %get3A_3 : vector<64x128xf32>
    %reduce_sum3A = arith.constant dense<0.000000e+00> : vector<64xf32>
    %reduce_sum3A_4 = vector.multi_reduction <add>, %mul3A, %reduce_sum3A [1] : vector<64x128xf32> to vector<64xf32>
    %broadcast_in_dim3A = vector.shape_cast %reduce_sum3A_4 : vector<64xf32> to vector<64x1xf32>
    %sqrt3A = math.sqrt %broadcast_in_dim3A : vector<64x1xf32>
    %add3A = arith.constant 9.99999997E-7 : f32
    %add3A_5 = vector.broadcast %add3A : f32 to vector<64x1xf32>
    %add3A_6 = arith.addf %sqrt3A, %add3A_5 : vector<64x1xf32>
    %div3A = vector.broadcast %add3A_6 : vector<64x1xf32> to vector<64x128xf32>
    %div3A_7 = arith.divf %get3A_3, %div3A : vector<64x128xf32>
    %get3A_8 = arith.constant 0 : index
    %get3A_9 = arith.constant 0 : index
    %get3A_10 = arith.constant 0 : index
    %get3A_11 = vector.load %arg1[%get3A_8, %get3A_9, %get3A_10] : memref<1x4096x128xf32, #tpu.memory_space<vmem>>, vector<1x4096x128xf32>
    %get3A_12 = vector.shape_cast %get3A_11 : vector<1x4096x128xf32> to vector<4096x128xf32>
    %mul3A_13 = arith.mulf %get3A_12, %get3A_12 : vector<4096x128xf32>
    %reduce_sum3A_14 = arith.constant dense<0.000000e+00> : vector<4096xf32>
    %reduce_sum3A_15 = vector.multi_reduction <add>, %mul3A_13, %reduce_sum3A_14 [1] : vector<4096x128xf32> to vector<4096xf32>
    %broadcast_in_dim3A_16 = vector.shape_cast %reduce_sum3A_15 : vector<4096xf32> to vector<4096x1xf32>
    %sqrt3A_17 = math.sqrt %broadcast_in_dim3A_16 : vector<4096x1xf32>
    %add3A_18 = arith.constant 9.99999997E-7 : f32
    %add3A_19 = vector.broadcast %add3A_18 : f32 to vector<4096x1xf32>
    %add3A_20 = arith.addf %sqrt3A_17, %add3A_19 : vector<4096x1xf32>
    %div3A_21 = vector.broadcast %add3A_20 : vector<4096x1xf32> to vector<4096x128xf32>
    %div3A_22 = arith.divf %get3A_12, %div3A_21 : vector<4096x128xf32>
    %dot_general3A = arith.constant dense<0.000000e+00> : vector<64x4096xf32>
    %dot_general3A_23 = tpu.matmul %div3A_7, %div3A_22, %dot_general3A {dimension_numbers = #tpu.dot_dimension_numbers<[1], [1], [0], [0], [0, 0, 1, 0], [], []>, transpose_lhs_hint = false} : vector<64x128xf32>, vector<4096x128xf32>, vector<64x4096xf32> -> vector<64x4096xf32>
    %reduce_max3A = arith.constant dense<0xFF800000> : vector<4096xf32>
    %reduce_max3A_24 = vector.multi_reduction <maximumf>, %dot_general3A_23, %reduce_max3A [0] : vector<64x4096xf32> to vector<4096xf32>
    %broadcast_in_dim3A_25 = vector.shape_cast %reduce_max3A_24 : vector<4096xf32> to vector<1x4096xf32>
    %swap3A = arith.constant 0 : index
    %swap3A_26 = arith.constant 0 : index
    %swap3A_27 = arith.constant 0 : index
    %swap3A_28 = vector.load %arg3[%swap3A, %swap3A_26, %swap3A_27] : memref<1x1x4096xf32, #tpu.memory_space<vmem>>, vector<1x1x4096xf32>
    %swap3A_29 = vector.shape_cast %swap3A_28 : vector<1x1x4096xf32> to vector<1x4096xf32>
    %swap3A_30 = vector.shape_cast %broadcast_in_dim3A_25 : vector<1x4096xf32> to vector<1x1x4096xf32>
    tpu.vector_store %arg3[%swap3A, %swap3A_26, %swap3A_27], %swap3A_30 {strides = array<i32>} : memref<1x1x4096xf32, #tpu.memory_space<vmem>>, vector<1x1x4096xf32>,
    return
  }
  func.func @transform_0(%arg0: i32) -> (i32, i32, i32) {
    %c0_i32 = arith.constant 0 : i32
    %c0_i32_0 = arith.constant 0 : i32
    %c0_i32_1 = arith.constant 0 : i32
    return %arg0, %c0_i32, %c0_i32_0 : i32, i32, i32
  }
  func.func @transform_1(%arg0: i32) -> (i32, i32, i32) {
    %c0_i32 = arith.constant 0 : i32
    %c0_i32_0 = arith.constant 0 : i32
    %c0_i32_1 = arith.constant 0 : i32
    return %arg0, %c0_i32, %c0_i32_0 : i32, i32, i32
  }
  func.func @transform_2(%arg0: i32) -> (i32, i32, i32) {
    %c0_i32 = arith.constant 0 : i32
    %c0_i32_0 = arith.constant 0 : i32
    %c0_i32_1 = arith.constant 0 : i32
    return %arg0, %c0_i32, %c0_i32_0 : i32, i32, i32
  }
}

module attributes {stable_mosaic.version = 14 : i64} {
  func.func @_d_body(%arg0: memref<32x16x128xf32, #tpu.memory_space<vmem>>, %arg1: memref<32x64x128xf32, #tpu.memory_space<vmem>>, %arg2: memref<32x16xf32, #tpu.memory_space<vmem>>, %arg3: memref<32x16x128xf32, #tpu.memory_space<vmem>>, %arg4: memref<1x1xf32, #tpu.memory_space<vmem>>) attributes {dimension_semantics = [], scalar_prefetch = 0 : i64, scratch_operands = 0 : i64, tpu.core_type = #tpu.core_type<tc>} {
    %get3A = arith.constant 0 : index
    %get3A_0 = arith.constant 0 : index
    %get3A_1 = arith.constant 0 : index
    %get3A_2 = vector.load %arg1[%get3A, %get3A_0, %get3A_1] : memref<32x64x128xf32, #tpu.memory_space<vmem>>, vector<32x64x128xf32>
    %reshape3A = vector.shape_cast %get3A_2 : vector<32x64x128xf32> to vector<2048x128xf32>
    %mul3A = arith.mulf %reshape3A, %reshape3A : vector<2048x128xf32>
    %reduce_sum3A = arith.constant dense<0.000000e+00> : vector<2048xf32>
    %reduce_sum3A_3 = vector.multi_reduction <add>, %mul3A, %reduce_sum3A [1] : vector<2048x128xf32> to vector<2048xf32>
    %broadcast_in_dim3A = vector.shape_cast %reduce_sum3A_3 : vector<2048xf32> to vector<2048x1xf32>
    %sqrt3A = math.sqrt %broadcast_in_dim3A : vector<2048x1xf32>
    %add3A = arith.constant 9.99999997E-7 : f32
    %add3A_4 = vector.broadcast %add3A : f32 to vector<2048x1xf32>
    %add3A_5 = arith.addf %sqrt3A, %add3A_4 : vector<2048x1xf32>
    %div3A = vector.broadcast %add3A_5 : vector<2048x1xf32> to vector<2048x128xf32>
    %div3A_6 = arith.divf %reshape3A, %div3A : vector<2048x128xf32>
    %get3A_7 = arith.constant 0 : index
    %get3A_8 = arith.constant 0 : index
    %get3A_9 = arith.constant 0 : index
    %get3A_10 = vector.load %arg0[%get3A_7, %get3A_8, %get3A_9] : memref<32x16x128xf32, #tpu.memory_space<vmem>>, vector<32x16x128xf32>
    %reshape3A_11 = vector.shape_cast %get3A_10 : vector<32x16x128xf32> to vector<512x128xf32>
    %mul3A_12 = arith.mulf %reshape3A_11, %reshape3A_11 : vector<512x128xf32>
    %reduce_sum3A_13 = arith.constant dense<0.000000e+00> : vector<512xf32>
    %reduce_sum3A_14 = vector.multi_reduction <add>, %mul3A_12, %reduce_sum3A_13 [1] : vector<512x128xf32> to vector<512xf32>
    %broadcast_in_dim3A_15 = vector.shape_cast %reduce_sum3A_14 : vector<512xf32> to vector<512x1xf32>
    %sqrt3A_16 = math.sqrt %broadcast_in_dim3A_15 : vector<512x1xf32>
    %add3A_17 = arith.constant 9.99999997E-7 : f32
    %add3A_18 = vector.broadcast %add3A_17 : f32 to vector<512x1xf32>
    %add3A_19 = arith.addf %sqrt3A_16, %add3A_18 : vector<512x1xf32>
    %div3A_20 = vector.broadcast %add3A_19 : vector<512x1xf32> to vector<512x128xf32>
    %div3A_21 = arith.divf %reshape3A_11, %div3A_20 : vector<512x128xf32>
    %slice3A = vector.extract_strided_slice %div3A_6 {offsets = [0, 0], sizes = [64, 128], strides = [1, 1]} : vector<2048x128xf32> to vector<64x128xf32>
    %slice3A_22 = vector.extract_strided_slice %div3A_21 {offsets = [0, 0], sizes = [16, 128], strides = [1, 1]} : vector<512x128xf32> to vector<16x128xf32>
    %dot_general3A = arith.constant dense<0.000000e+00> : vector<16x64xf32>
    %dot_general3A_23 = tpu.matmul %slice3A_22, %slice3A, %dot_general3A {dimension_numbers = #tpu.dot_dimension_numbers<[1], [1], [0], [0], [0, 0, 1, 0], [], []>, transpose_lhs_hint = false} : vector<16x128xf32>, vector<64x128xf32>, vector<16x64xf32> -> vector<16x64xf32>
    %dot_general3A_24 = arith.constant dense<0.000000e+00> : vector<16x128xf32>
    %dot_general3A_25 = tpu.matmul %dot_general3A_23, %slice3A, %dot_general3A_24 {dimension_numbers = #tpu.dot_dimension_numbers<[1], [0], [0], [1], [0, 0, 1, 1], [], []>, transpose_lhs_hint = false} : vector<16x64xf32>, vector<64x128xf32>, vector<16x128xf32> -> vector<16x128xf32>
    %sub3A = arith.subf %slice3A_22, %dot_general3A_25 : vector<16x128xf32>
    %mul3A_26 = arith.mulf %sub3A, %sub3A : vector<16x128xf32>
    %reduce_sum3A_27 = arith.constant dense<0.000000e+00> : vector<16xf32>
    %reduce_sum3A_28 = vector.multi_reduction <add>, %mul3A_26, %reduce_sum3A_27 [1] : vector<16x128xf32> to vector<16xf32>
    %broadcast_in_dim3A_29 = vector.shape_cast %reduce_sum3A_28 : vector<16xf32> to vector<16x1xf32>
    %sqrt3A_30 = math.sqrt %broadcast_in_dim3A_29 : vector<16x1xf32>
    %add3A_31 = arith.constant 9.99999997E-7 : f32
    %add3A_32 = vector.broadcast %add3A_31 : f32 to vector<16x1xf32>
    %add3A_33 = arith.addf %sqrt3A_30, %add3A_32 : vector<16x1xf32>
    %div3A_34 = vector.broadcast %add3A_33 : vector<16x1xf32> to vector<16x128xf32>
    %div3A_35 = arith.divf %sub3A, %div3A_34 : vector<16x128xf32>
    %swap3A = arith.constant 0 : index
    %swap3A_36 = arith.constant 0 : index
    %swap3A_37 = arith.constant 0 : index
    %swap3A_38 = vector.load %arg3[%swap3A, %swap3A_36, %swap3A_37] : memref<32x16x128xf32, #tpu.memory_space<vmem>>, vector<1x16x128xf32>
    %swap3A_39 = vector.shape_cast %swap3A_38 : vector<1x16x128xf32> to vector<16x128xf32>
    %swap3A_40 = vector.shape_cast %div3A_35 : vector<16x128xf32> to vector<1x16x128xf32>
    tpu.vector_store %arg3[%swap3A, %swap3A_36, %swap3A_37], %swap3A_40 {strides = array<i32>} : memref<32x16x128xf32, #tpu.memory_space<vmem>>, vector<1x16x128xf32>,
    %slice3A_41 = vector.extract_strided_slice %div3A_6 {offsets = [64, 0], sizes = [64, 128], strides = [1, 1]} : vector<2048x128xf32> to vector<64x128xf32>
    %slice3A_42 = vector.extract_strided_slice %div3A_21 {offsets = [16, 0], sizes = [16, 128], strides = [1, 1]} : vector<512x128xf32> to vector<16x128xf32>
    %dot_general3A_43 = arith.constant dense<0.000000e+00> : vector<16x64xf32>
    %dot_general3A_44 = tpu.matmul %slice3A_42, %slice3A_41, %dot_general3A_43 {dimension_numbers = #tpu.dot_dimension_numbers<[1], [1], [0], [0], [0, 0, 1, 0], [], []>, transpose_lhs_hint = false} : vector<16x128xf32>, vector<64x128xf32>, vector<16x64xf32> -> vector<16x64xf32>
    %dot_general3A_45 = arith.constant dense<0.000000e+00> : vector<16x128xf32>
    %dot_general3A_46 = tpu.matmul %dot_general3A_44, %slice3A_41, %dot_general3A_45 {dimension_numbers = #tpu.dot_dimension_numbers<[1], [0], [0], [1], [0, 0, 1, 1], [], []>, transpose_lhs_hint = false} : vector<16x64xf32>, vector<64x128xf32>, vector<16x128xf32> -> vector<16x128xf32>
    %sub3A_47 = arith.subf %slice3A_42, %dot_general3A_46 : vector<16x128xf32>
    %mul3A_48 = arith.mulf %sub3A_47, %sub3A_47 : vector<16x128xf32>
    %reduce_sum3A_49 = arith.constant dense<0.000000e+00> : vector<16xf32>
    %reduce_sum3A_50 = vector.multi_reduction <add>, %mul3A_48, %reduce_sum3A_49 [1] : vector<16x128xf32> to vector<16xf32>
    %broadcast_in_dim3A_51 = vector.shape_cast %reduce_sum3A_50 : vector<16xf32> to vector<16x1xf32>
    %sqrt3A_52 = math.sqrt %broadcast_in_dim3A_51 : vector<16x1xf32>
    %add3A_53 = arith.constant 9.99999997E-7 : f32
    %add3A_54 = vector.broadcast %add3A_53 : f32 to vector<16x1xf32>
    %add3A_55 = arith.addf %sqrt3A_52, %add3A_54 : vector<16x1xf32>
    %div3A_56 = vector.broadcast %add3A_55 : vector<16x1xf32> to vector<16x128xf32>
    %div3A_57 = arith.divf %sub3A_47, %div3A_56 : vector<16x128xf32>
    %swap3A_58 = arith.constant 1 : index
    %swap3A_59 = arith.constant 0 : index
    %swap3A_60 = arith.constant 0 : index
    %swap3A_61 = vector.load %arg3[%swap3A_58, %swap3A_59, %swap3A_60] : memref<32x16x128xf32, #tpu.memory_space<vmem>>, vector<1x16x128xf32>
    %swap3A_62 = vector.shape_cast %swap3A_61 : vector<1x16x128xf32> to vector<16x128xf32>
    %swap3A_63 = vector.shape_cast %div3A_57 : vector<16x128xf32> to vector<1x16x128xf32>
    tpu.vector_store %arg3[%swap3A_58, %swap3A_59, %swap3A_60], %swap3A_63 {strides = array<i32>} : memref<32x16x128xf32, #tpu.memory_space<vmem>>, vector<1x16x128xf32>,
    %slice3A_64 = vector.extract_strided_slice %div3A_6 {offsets = [128, 0], sizes = [64, 128], strides = [1, 1]} : vector<2048x128xf32> to vector<64x128xf32>
    %slice3A_65 = vector.extract_strided_slice %div3A_21 {offsets = [32, 0], sizes = [16, 128], strides = [1, 1]} : vector<512x128xf32> to vector<16x128xf32>
    %dot_general3A_66 = arith.constant dense<0.000000e+00> : vector<16x64xf32>
    %dot_general3A_67 = tpu.matmul %slice3A_65, %slice3A_64, %dot_general3A_66 {dimension_numbers = #tpu.dot_dimension_numbers<[1], [1], [0], [0], [0, 0, 1, 0], [], []>, transpose_lhs_hint = false} : vector<16x128xf32>, vector<64x128xf32>, vector<16x64xf32> -> vector<16x64xf32>
    %dot_general3A_68 = arith.constant dense<0.000000e+00> : vector<16x128xf32>
    %dot_general3A_69 = tpu.matmul %dot_general3A_67, %slice3A_64, %dot_general3A_68 {dimension_numbers = #tpu.dot_dimension_numbers<[1], [0], [0], [1], [0, 0, 1, 1], [], []>, transpose_lhs_hint = false} : vector<16x64xf32>, vector<64x128xf32>, vector<16x128xf32> -> vector<16x128xf32>
    %sub3A_70 = arith.subf %slice3A_65, %dot_general3A_69 : vector<16x128xf32>
    %mul3A_71 = arith.mulf %sub3A_70, %sub3A_70 : vector<16x128xf32>
    %reduce_sum3A_72 = arith.constant dense<0.000000e+00> : vector<16xf32>
    %reduce_sum3A_73 = vector.multi_reduction <add>, %mul3A_71, %reduce_sum3A_72 [1] : vector<16x128xf32> to vector<16xf32>
    %broadcast_in_dim3A_74 = vector.shape_cast %reduce_sum3A_73 : vector<16xf32> to vector<16x1xf32>
    %sqrt3A_75 = math.sqrt %broadcast_in_dim3A_74 : vector<16x1xf32>
    %add3A_76 = arith.constant 9.99999997E-7 : f32
    %add3A_77 = vector.broadcast %add3A_76 : f32 to vector<16x1xf32>
    %add3A_78 = arith.addf %sqrt3A_75, %add3A_77 : vector<16x1xf32>
    %div3A_79 = vector.broadcast %add3A_78 : vector<16x1xf32> to vector<16x128xf32>
    %div3A_80 = arith.divf %sub3A_70, %div3A_79 : vector<16x128xf32>
    %swap3A_81 = arith.constant 2 : index
    %swap3A_82 = arith.constant 0 : index
    %swap3A_83 = arith.constant 0 : index
    %swap3A_84 = vector.load %arg3[%swap3A_81, %swap3A_82, %swap3A_83] : memref<32x16x128xf32, #tpu.memory_space<vmem>>, vector<1x16x128xf32>
    %swap3A_85 = vector.shape_cast %swap3A_84 : vector<1x16x128xf32> to vector<16x128xf32>
    %swap3A_86 = vector.shape_cast %div3A_80 : vector<16x128xf32> to vector<1x16x128xf32>
    tpu.vector_store %arg3[%swap3A_81, %swap3A_82, %swap3A_83], %swap3A_86 {strides = array<i32>} : memref<32x16x128xf32, #tpu.memory_space<vmem>>, vector<1x16x128xf32>,
    %slice3A_87 = vector.extract_strided_slice %div3A_6 {offsets = [192, 0], sizes = [64, 128], strides = [1, 1]} : vector<2048x128xf32> to vector<64x128xf32>
    %slice3A_88 = vector.extract_strided_slice %div3A_21 {offsets = [48, 0], sizes = [16, 128], strides = [1, 1]} : vector<512x128xf32> to vector<16x128xf32>
    %dot_general3A_89 = arith.constant dense<0.000000e+00> : vector<16x64xf32>
    %dot_general3A_90 = tpu.matmul %slice3A_88, %slice3A_87, %dot_general3A_89 {dimension_numbers = #tpu.dot_dimension_numbers<[1], [1], [0], [0], [0, 0, 1, 0], [], []>, transpose_lhs_hint = false} : vector<16x128xf32>, vector<64x128xf32>, vector<16x64xf32> -> vector<16x64xf32>
    %dot_general3A_91 = arith.constant dense<0.000000e+00> : vector<16x128xf32>
    %dot_general3A_92 = tpu.matmul %dot_general3A_90, %slice3A_87, %dot_general3A_91 {dimension_numbers = #tpu.dot_dimension_numbers<[1], [0], [0], [1], [0, 0, 1, 1], [], []>, transpose_lhs_hint = false} : vector<16x64xf32>, vector<64x128xf32>, vector<16x128xf32> -> vector<16x128xf32>
    %sub3A_93 = arith.subf %slice3A_88, %dot_general3A_92 : vector<16x128xf32>
    %mul3A_94 = arith.mulf %sub3A_93, %sub3A_93 : vector<16x128xf32>
    %reduce_sum3A_95 = arith.constant dense<0.000000e+00> : vector<16xf32>
    %reduce_sum3A_96 = vector.multi_reduction <add>, %mul3A_94, %reduce_sum3A_95 [1] : vector<16x128xf32> to vector<16xf32>
    %broadcast_in_dim3A_97 = vector.shape_cast %reduce_sum3A_96 : vector<16xf32> to vector<16x1xf32>
    %sqrt3A_98 = math.sqrt %broadcast_in_dim3A_97 : vector<16x1xf32>
    %add3A_99 = arith.constant 9.99999997E-7 : f32
    %add3A_100 = vector.broadcast %add3A_99 : f32 to vector<16x1xf32>
    %add3A_101 = arith.addf %sqrt3A_98, %add3A_100 : vector<16x1xf32>
    %div3A_102 = vector.broadcast %add3A_101 : vector<16x1xf32> to vector<16x128xf32>
    %div3A_103 = arith.divf %sub3A_93, %div3A_102 : vector<16x128xf32>
    %swap3A_104 = arith.constant 3 : index
    %swap3A_105 = arith.constant 0 : index
    %swap3A_106 = arith.constant 0 : index
    %swap3A_107 = vector.load %arg3[%swap3A_104, %swap3A_105, %swap3A_106] : memref<32x16x128xf32, #tpu.memory_space<vmem>>, vector<1x16x128xf32>
    %swap3A_108 = vector.shape_cast %swap3A_107 : vector<1x16x128xf32> to vector<16x128xf32>
    %swap3A_109 = vector.shape_cast %div3A_103 : vector<16x128xf32> to vector<1x16x128xf32>
    tpu.vector_store %arg3[%swap3A_104, %swap3A_105, %swap3A_106], %swap3A_109 {strides = array<i32>} : memref<32x16x128xf32, #tpu.memory_space<vmem>>, vector<1x16x128xf32>,
    %slice3A_110 = vector.extract_strided_slice %div3A_6 {offsets = [256, 0], sizes = [64, 128], strides = [1, 1]} : vector<2048x128xf32> to vector<64x128xf32>
    %slice3A_111 = vector.extract_strided_slice %div3A_21 {offsets = [64, 0], sizes = [16, 128], strides = [1, 1]} : vector<512x128xf32> to vector<16x128xf32>
    %dot_general3A_112 = arith.constant dense<0.000000e+00> : vector<16x64xf32>
    %dot_general3A_113 = tpu.matmul %slice3A_111, %slice3A_110, %dot_general3A_112 {dimension_numbers = #tpu.dot_dimension_numbers<[1], [1], [0], [0], [0, 0, 1, 0], [], []>, transpose_lhs_hint = false} : vector<16x128xf32>, vector<64x128xf32>, vector<16x64xf32> -> vector<16x64xf32>
    %dot_general3A_114 = arith.constant dense<0.000000e+00> : vector<16x128xf32>
    %dot_general3A_115 = tpu.matmul %dot_general3A_113, %slice3A_110, %dot_general3A_114 {dimension_numbers = #tpu.dot_dimension_numbers<[1], [0], [0], [1], [0, 0, 1, 1], [], []>, transpose_lhs_hint = false} : vector<16x64xf32>, vector<64x128xf32>, vector<16x128xf32> -> vector<16x128xf32>
    %sub3A_116 = arith.subf %slice3A_111, %dot_general3A_115 : vector<16x128xf32>
    %mul3A_117 = arith.mulf %sub3A_116, %sub3A_116 : vector<16x128xf32>
    %reduce_sum3A_118 = arith.constant dense<0.000000e+00> : vector<16xf32>
    %reduce_sum3A_119 = vector.multi_reduction <add>, %mul3A_117, %reduce_sum3A_118 [1] : vector<16x128xf32> to vector<16xf32>
    %broadcast_in_dim3A_120 = vector.shape_cast %reduce_sum3A_119 : vector<16xf32> to vector<16x1xf32>
    %sqrt3A_121 = math.sqrt %broadcast_in_dim3A_120 : vector<16x1xf32>
    %add3A_122 = arith.constant 9.99999997E-7 : f32
    %add3A_123 = vector.broadcast %add3A_122 : f32 to vector<16x1xf32>
    %add3A_124 = arith.addf %sqrt3A_121, %add3A_123 : vector<16x1xf32>
    %div3A_125 = vector.broadcast %add3A_124 : vector<16x1xf32> to vector<16x128xf32>
    %div3A_126 = arith.divf %sub3A_116, %div3A_125 : vector<16x128xf32>
    %swap3A_127 = arith.constant 4 : index
    %swap3A_128 = arith.constant 0 : index
    %swap3A_129 = arith.constant 0 : index
    %swap3A_130 = vector.load %arg3[%swap3A_127, %swap3A_128, %swap3A_129] : memref<32x16x128xf32, #tpu.memory_space<vmem>>, vector<1x16x128xf32>
    %swap3A_131 = vector.shape_cast %swap3A_130 : vector<1x16x128xf32> to vector<16x128xf32>
    %swap3A_132 = vector.shape_cast %div3A_126 : vector<16x128xf32> to vector<1x16x128xf32>
    tpu.vector_store %arg3[%swap3A_127, %swap3A_128, %swap3A_129], %swap3A_132 {strides = array<i32>} : memref<32x16x128xf32, #tpu.memory_space<vmem>>, vector<1x16x128xf32>,
    %slice3A_133 = vector.extract_strided_slice %div3A_6 {offsets = [320, 0], sizes = [64, 128], strides = [1, 1]} : vector<2048x128xf32> to vector<64x128xf32>
    %slice3A_134 = vector.extract_strided_slice %div3A_21 {offsets = [80, 0], sizes = [16, 128], strides = [1, 1]} : vector<512x128xf32> to vector<16x128xf32>
    %dot_general3A_135 = arith.constant dense<0.000000e+00> : vector<16x64xf32>
    %dot_general3A_136 = tpu.matmul %slice3A_134, %slice3A_133, %dot_general3A_135 {dimension_numbers = #tpu.dot_dimension_numbers<[1], [1], [0], [0], [0, 0, 1, 0], [], []>, transpose_lhs_hint = false} : vector<16x128xf32>, vector<64x128xf32>, vector<16x64xf32> -> vector<16x64xf32>
    %dot_general3A_137 = arith.constant dense<0.000000e+00> : vector<16x128xf32>
    %dot_general3A_138 = tpu.matmul %dot_general3A_136, %slice3A_133, %dot_general3A_137 {dimension_numbers = #tpu.dot_dimension_numbers<[1], [0], [0], [1], [0, 0, 1, 1], [], []>, transpose_lhs_hint = false} : vector<16x64xf32>, vector<64x128xf32>, vector<16x128xf32> -> vector<16x128xf32>
    %sub3A_139 = arith.subf %slice3A_134, %dot_general3A_138 : vector<16x128xf32>
    %mul3A_140 = arith.mulf %sub3A_139, %sub3A_139 : vector<16x128xf32>
    %reduce_sum3A_141 = arith.constant dense<0.000000e+00> : vector<16xf32>
    %reduce_sum3A_142 = vector.multi_reduction <add>, %mul3A_140, %reduce_sum3A_141 [1] : vector<16x128xf32> to vector<16xf32>
    %broadcast_in_dim3A_143 = vector.shape_cast %reduce_sum3A_142 : vector<16xf32> to vector<16x1xf32>
    %sqrt3A_144 = math.sqrt %broadcast_in_dim3A_143 : vector<16x1xf32>
    %add3A_145 = arith.constant 9.99999997E-7 : f32
    %add3A_146 = vector.broadcast %add3A_145 : f32 to vector<16x1xf32>
    %add3A_147 = arith.addf %sqrt3A_144, %add3A_146 : vector<16x1xf32>
    %div3A_148 = vector.broadcast %add3A_147 : vector<16x1xf32> to vector<16x128xf32>
    %div3A_149 = arith.divf %sub3A_139, %div3A_148 : vector<16x128xf32>
    %swap3A_150 = arith.constant 5 : index
    %swap3A_151 = arith.constant 0 : index
    %swap3A_152 = arith.constant 0 : index
    %swap3A_153 = vector.load %arg3[%swap3A_150, %swap3A_151, %swap3A_152] : memref<32x16x128xf32, #tpu.memory_space<vmem>>, vector<1x16x128xf32>
    %swap3A_154 = vector.shape_cast %swap3A_153 : vector<1x16x128xf32> to vector<16x128xf32>
    %swap3A_155 = vector.shape_cast %div3A_149 : vector<16x128xf32> to vector<1x16x128xf32>
    tpu.vector_store %arg3[%swap3A_150, %swap3A_151, %swap3A_152], %swap3A_155 {strides = array<i32>} : memref<32x16x128xf32, #tpu.memory_space<vmem>>, vector<1x16x128xf32>,
    %slice3A_156 = vector.extract_strided_slice %div3A_6 {offsets = [384, 0], sizes = [64, 128], strides = [1, 1]} : vector<2048x128xf32> to vector<64x128xf32>
    %slice3A_157 = vector.extract_strided_slice %div3A_21 {offsets = [96, 0], sizes = [16, 128], strides = [1, 1]} : vector<512x128xf32> to vector<16x128xf32>
    %dot_general3A_158 = arith.constant dense<0.000000e+00> : vector<16x64xf32>
    %dot_general3A_159 = tpu.matmul %slice3A_157, %slice3A_156, %dot_general3A_158 {dimension_numbers = #tpu.dot_dimension_numbers<[1], [1], [0], [0], [0, 0, 1, 0], [], []>, transpose_lhs_hint = false} : vector<16x128xf32>, vector<64x128xf32>, vector<16x64xf32> -> vector<16x64xf32>
    %dot_general3A_160 = arith.constant dense<0.000000e+00> : vector<16x128xf32>
    %dot_general3A_161 = tpu.matmul %dot_general3A_159, %slice3A_156, %dot_general3A_160 {dimension_numbers = #tpu.dot_dimension_numbers<[1], [0], [0], [1], [0, 0, 1, 1], [], []>, transpose_lhs_hint = false} : vector<16x64xf32>, vector<64x128xf32>, vector<16x128xf32> -> vector<16x128xf32>
    %sub3A_162 = arith.subf %slice3A_157, %dot_general3A_161 : vector<16x128xf32>
    %mul3A_163 = arith.mulf %sub3A_162, %sub3A_162 : vector<16x128xf32>
    %reduce_sum3A_164 = arith.constant dense<0.000000e+00> : vector<16xf32>
    %reduce_sum3A_165 = vector.multi_reduction <add>, %mul3A_163, %reduce_sum3A_164 [1] : vector<16x128xf32> to vector<16xf32>
    %broadcast_in_dim3A_166 = vector.shape_cast %reduce_sum3A_165 : vector<16xf32> to vector<16x1xf32>
    %sqrt3A_167 = math.sqrt %broadcast_in_dim3A_166 : vector<16x1xf32>
    %add3A_168 = arith.constant 9.99999997E-7 : f32
    %add3A_169 = vector.broadcast %add3A_168 : f32 to vector<16x1xf32>
    %add3A_170 = arith.addf %sqrt3A_167, %add3A_169 : vector<16x1xf32>
    %div3A_171 = vector.broadcast %add3A_170 : vector<16x1xf32> to vector<16x128xf32>
    %div3A_172 = arith.divf %sub3A_162, %div3A_171 : vector<16x128xf32>
    %swap3A_173 = arith.constant 6 : index
    %swap3A_174 = arith.constant 0 : index
    %swap3A_175 = arith.constant 0 : index
    %swap3A_176 = vector.load %arg3[%swap3A_173, %swap3A_174, %swap3A_175] : memref<32x16x128xf32, #tpu.memory_space<vmem>>, vector<1x16x128xf32>
    %swap3A_177 = vector.shape_cast %swap3A_176 : vector<1x16x128xf32> to vector<16x128xf32>
    %swap3A_178 = vector.shape_cast %div3A_172 : vector<16x128xf32> to vector<1x16x128xf32>
    tpu.vector_store %arg3[%swap3A_173, %swap3A_174, %swap3A_175], %swap3A_178 {strides = array<i32>} : memref<32x16x128xf32, #tpu.memory_space<vmem>>, vector<1x16x128xf32>,
    %slice3A_179 = vector.extract_strided_slice %div3A_6 {offsets = [448, 0], sizes = [64, 128], strides = [1, 1]} : vector<2048x128xf32> to vector<64x128xf32>
    %slice3A_180 = vector.extract_strided_slice %div3A_21 {offsets = [112, 0], sizes = [16, 128], strides = [1, 1]} : vector<512x128xf32> to vector<16x128xf32>
    %dot_general3A_181 = arith.constant dense<0.000000e+00> : vector<16x64xf32>
    %dot_general3A_182 = tpu.matmul %slice3A_180, %slice3A_179, %dot_general3A_181 {dimension_numbers = #tpu.dot_dimension_numbers<[1], [1], [0], [0], [0, 0, 1, 0], [], []>, transpose_lhs_hint = false} : vector<16x128xf32>, vector<64x128xf32>, vector<16x64xf32> -> vector<16x64xf32>
    %dot_general3A_183 = arith.constant dense<0.000000e+00> : vector<16x128xf32>
    %dot_general3A_184 = tpu.matmul %dot_general3A_182, %slice3A_179, %dot_general3A_183 {dimension_numbers = #tpu.dot_dimension_numbers<[1], [0], [0], [1], [0, 0, 1, 1], [], []>, transpose_lhs_hint = false} : vector<16x64xf32>, vector<64x128xf32>, vector<16x128xf32> -> vector<16x128xf32>
    %sub3A_185 = arith.subf %slice3A_180, %dot_general3A_184 : vector<16x128xf32>
    %mul3A_186 = arith.mulf %sub3A_185, %sub3A_185 : vector<16x128xf32>
    %reduce_sum3A_187 = arith.constant dense<0.000000e+00> : vector<16xf32>
    %reduce_sum3A_188 = vector.multi_reduction <add>, %mul3A_186, %reduce_sum3A_187 [1] : vector<16x128xf32> to vector<16xf32>
    %broadcast_in_dim3A_189 = vector.shape_cast %reduce_sum3A_188 : vector<16xf32> to vector<16x1xf32>
    %sqrt3A_190 = math.sqrt %broadcast_in_dim3A_189 : vector<16x1xf32>
    %add3A_191 = arith.constant 9.99999997E-7 : f32
    %add3A_192 = vector.broadcast %add3A_191 : f32 to vector<16x1xf32>
    %add3A_193 = arith.addf %sqrt3A_190, %add3A_192 : vector<16x1xf32>
    %div3A_194 = vector.broadcast %add3A_193 : vector<16x1xf32> to vector<16x128xf32>
    %div3A_195 = arith.divf %sub3A_185, %div3A_194 : vector<16x128xf32>
    %swap3A_196 = arith.constant 7 : index
    %swap3A_197 = arith.constant 0 : index
    %swap3A_198 = arith.constant 0 : index
    %swap3A_199 = vector.load %arg3[%swap3A_196, %swap3A_197, %swap3A_198] : memref<32x16x128xf32, #tpu.memory_space<vmem>>, vector<1x16x128xf32>
    %swap3A_200 = vector.shape_cast %swap3A_199 : vector<1x16x128xf32> to vector<16x128xf32>
    %swap3A_201 = vector.shape_cast %div3A_195 : vector<16x128xf32> to vector<1x16x128xf32>
    tpu.vector_store %arg3[%swap3A_196, %swap3A_197, %swap3A_198], %swap3A_201 {strides = array<i32>} : memref<32x16x128xf32, #tpu.memory_space<vmem>>, vector<1x16x128xf32>,
    %slice3A_202 = vector.extract_strided_slice %div3A_6 {offsets = [512, 0], sizes = [64, 128], strides = [1, 1]} : vector<2048x128xf32> to vector<64x128xf32>
    %slice3A_203 = vector.extract_strided_slice %div3A_21 {offsets = [128, 0], sizes = [16, 128], strides = [1, 1]} : vector<512x128xf32> to vector<16x128xf32>
    %dot_general3A_204 = arith.constant dense<0.000000e+00> : vector<16x64xf32>
    %dot_general3A_205 = tpu.matmul %slice3A_203, %slice3A_202, %dot_general3A_204 {dimension_numbers = #tpu.dot_dimension_numbers<[1], [1], [0], [0], [0, 0, 1, 0], [], []>, transpose_lhs_hint = false} : vector<16x128xf32>, vector<64x128xf32>, vector<16x64xf32> -> vector<16x64xf32>
    %dot_general3A_206 = arith.constant dense<0.000000e+00> : vector<16x128xf32>
    %dot_general3A_207 = tpu.matmul %dot_general3A_205, %slice3A_202, %dot_general3A_206 {dimension_numbers = #tpu.dot_dimension_numbers<[1], [0], [0], [1], [0, 0, 1, 1], [], []>, transpose_lhs_hint = false} : vector<16x64xf32>, vector<64x128xf32>, vector<16x128xf32> -> vector<16x128xf32>
    %sub3A_208 = arith.subf %slice3A_203, %dot_general3A_207 : vector<16x128xf32>
    %mul3A_209 = arith.mulf %sub3A_208, %sub3A_208 : vector<16x128xf32>
    %reduce_sum3A_210 = arith.constant dense<0.000000e+00> : vector<16xf32>
    %reduce_sum3A_211 = vector.multi_reduction <add>, %mul3A_209, %reduce_sum3A_210 [1] : vector<16x128xf32> to vector<16xf32>
    %broadcast_in_dim3A_212 = vector.shape_cast %reduce_sum3A_211 : vector<16xf32> to vector<16x1xf32>
    %sqrt3A_213 = math.sqrt %broadcast_in_dim3A_212 : vector<16x1xf32>
    %add3A_214 = arith.constant 9.99999997E-7 : f32
    %add3A_215 = vector.broadcast %add3A_214 : f32 to vector<16x1xf32>
    %add3A_216 = arith.addf %sqrt3A_213, %add3A_215 : vector<16x1xf32>
    %div3A_217 = vector.broadcast %add3A_216 : vector<16x1xf32> to vector<16x128xf32>
    %div3A_218 = arith.divf %sub3A_208, %div3A_217 : vector<16x128xf32>
    %swap3A_219 = arith.constant 8 : index
    %swap3A_220 = arith.constant 0 : index
    %swap3A_221 = arith.constant 0 : index
    %swap3A_222 = vector.load %arg3[%swap3A_219, %swap3A_220, %swap3A_221] : memref<32x16x128xf32, #tpu.memory_space<vmem>>, vector<1x16x128xf32>
    %swap3A_223 = vector.shape_cast %swap3A_222 : vector<1x16x128xf32> to vector<16x128xf32>
    %swap3A_224 = vector.shape_cast %div3A_218 : vector<16x128xf32> to vector<1x16x128xf32>
    tpu.vector_store %arg3[%swap3A_219, %swap3A_220, %swap3A_221], %swap3A_224 {strides = array<i32>} : memref<32x16x128xf32, #tpu.memory_space<vmem>>, vector<1x16x128xf32>,
    %slice3A_225 = vector.extract_strided_slice %div3A_6 {offsets = [576, 0], sizes = [64, 128], strides = [1, 1]} : vector<2048x128xf32> to vector<64x128xf32>
    %slice3A_226 = vector.extract_strided_slice %div3A_21 {offsets = [144, 0], sizes = [16, 128], strides = [1, 1]} : vector<512x128xf32> to vector<16x128xf32>
    %dot_general3A_227 = arith.constant dense<0.000000e+00> : vector<16x64xf32>
    %dot_general3A_228 = tpu.matmul %slice3A_226, %slice3A_225, %dot_general3A_227 {dimension_numbers = #tpu.dot_dimension_numbers<[1], [1], [0], [0], [0, 0, 1, 0], [], []>, transpose_lhs_hint = false} : vector<16x128xf32>, vector<64x128xf32>, vector<16x64xf32> -> vector<16x64xf32>
    %dot_general3A_229 = arith.constant dense<0.000000e+00> : vector<16x128xf32>
    %dot_general3A_230 = tpu.matmul %dot_general3A_228, %slice3A_225, %dot_general3A_229 {dimension_numbers = #tpu.dot_dimension_numbers<[1], [0], [0], [1], [0, 0, 1, 1], [], []>, transpose_lhs_hint = false} : vector<16x64xf32>, vector<64x128xf32>, vector<16x128xf32> -> vector<16x128xf32>
    %sub3A_231 = arith.subf %slice3A_226, %dot_general3A_230 : vector<16x128xf32>
    %mul3A_232 = arith.mulf %sub3A_231, %sub3A_231 : vector<16x128xf32>
    %reduce_sum3A_233 = arith.constant dense<0.000000e+00> : vector<16xf32>
    %reduce_sum3A_234 = vector.multi_reduction <add>, %mul3A_232, %reduce_sum3A_233 [1] : vector<16x128xf32> to vector<16xf32>
    %broadcast_in_dim3A_235 = vector.shape_cast %reduce_sum3A_234 : vector<16xf32> to vector<16x1xf32>
    %sqrt3A_236 = math.sqrt %broadcast_in_dim3A_235 : vector<16x1xf32>
    %add3A_237 = arith.constant 9.99999997E-7 : f32
    %add3A_238 = vector.broadcast %add3A_237 : f32 to vector<16x1xf32>
    %add3A_239 = arith.addf %sqrt3A_236, %add3A_238 : vector<16x1xf32>
    %div3A_240 = vector.broadcast %add3A_239 : vector<16x1xf32> to vector<16x128xf32>
    %div3A_241 = arith.divf %sub3A_231, %div3A_240 : vector<16x128xf32>
    %swap3A_242 = arith.constant 9 : index
    %swap3A_243 = arith.constant 0 : index
    %swap3A_244 = arith.constant 0 : index
    %swap3A_245 = vector.load %arg3[%swap3A_242, %swap3A_243, %swap3A_244] : memref<32x16x128xf32, #tpu.memory_space<vmem>>, vector<1x16x128xf32>
    %swap3A_246 = vector.shape_cast %swap3A_245 : vector<1x16x128xf32> to vector<16x128xf32>
    %swap3A_247 = vector.shape_cast %div3A_241 : vector<16x128xf32> to vector<1x16x128xf32>
    tpu.vector_store %arg3[%swap3A_242, %swap3A_243, %swap3A_244], %swap3A_247 {strides = array<i32>} : memref<32x16x128xf32, #tpu.memory_space<vmem>>, vector<1x16x128xf32>,
    %slice3A_248 = vector.extract_strided_slice %div3A_6 {offsets = [640, 0], sizes = [64, 128], strides = [1, 1]} : vector<2048x128xf32> to vector<64x128xf32>
    %slice3A_249 = vector.extract_strided_slice %div3A_21 {offsets = [160, 0], sizes = [16, 128], strides = [1, 1]} : vector<512x128xf32> to vector<16x128xf32>
    %dot_general3A_250 = arith.constant dense<0.000000e+00> : vector<16x64xf32>
    %dot_general3A_251 = tpu.matmul %slice3A_249, %slice3A_248, %dot_general3A_250 {dimension_numbers = #tpu.dot_dimension_numbers<[1], [1], [0], [0], [0, 0, 1, 0], [], []>, transpose_lhs_hint = false} : vector<16x128xf32>, vector<64x128xf32>, vector<16x64xf32> -> vector<16x64xf32>
    %dot_general3A_252 = arith.constant dense<0.000000e+00> : vector<16x128xf32>
    %dot_general3A_253 = tpu.matmul %dot_general3A_251, %slice3A_248, %dot_general3A_252 {dimension_numbers = #tpu.dot_dimension_numbers<[1], [0], [0], [1], [0, 0, 1, 1], [], []>, transpose_lhs_hint = false} : vector<16x64xf32>, vector<64x128xf32>, vector<16x128xf32> -> vector<16x128xf32>
    %sub3A_254 = arith.subf %slice3A_249, %dot_general3A_253 : vector<16x128xf32>
    %mul3A_255 = arith.mulf %sub3A_254, %sub3A_254 : vector<16x128xf32>
    %reduce_sum3A_256 = arith.constant dense<0.000000e+00> : vector<16xf32>
    %reduce_sum3A_257 = vector.multi_reduction <add>, %mul3A_255, %reduce_sum3A_256 [1] : vector<16x128xf32> to vector<16xf32>
    %broadcast_in_dim3A_258 = vector.shape_cast %reduce_sum3A_257 : vector<16xf32> to vector<16x1xf32>
    %sqrt3A_259 = math.sqrt %broadcast_in_dim3A_258 : vector<16x1xf32>
    %add3A_260 = arith.constant 9.99999997E-7 : f32
    %add3A_261 = vector.broadcast %add3A_260 : f32 to vector<16x1xf32>
    %add3A_262 = arith.addf %sqrt3A_259, %add3A_261 : vector<16x1xf32>
    %div3A_263 = vector.broadcast %add3A_262 : vector<16x1xf32> to vector<16x128xf32>
    %div3A_264 = arith.divf %sub3A_254, %div3A_263 : vector<16x128xf32>
    %swap3A_265 = arith.constant 10 : index
    %swap3A_266 = arith.constant 0 : index
    %swap3A_267 = arith.constant 0 : index
    %swap3A_268 = vector.load %arg3[%swap3A_265, %swap3A_266, %swap3A_267] : memref<32x16x128xf32, #tpu.memory_space<vmem>>, vector<1x16x128xf32>
    %swap3A_269 = vector.shape_cast %swap3A_268 : vector<1x16x128xf32> to vector<16x128xf32>
    %swap3A_270 = vector.shape_cast %div3A_264 : vector<16x128xf32> to vector<1x16x128xf32>
    tpu.vector_store %arg3[%swap3A_265, %swap3A_266, %swap3A_267], %swap3A_270 {strides = array<i32>} : memref<32x16x128xf32, #tpu.memory_space<vmem>>, vector<1x16x128xf32>,
    %slice3A_271 = vector.extract_strided_slice %div3A_6 {offsets = [704, 0], sizes = [64, 128], strides = [1, 1]} : vector<2048x128xf32> to vector<64x128xf32>
    %slice3A_272 = vector.extract_strided_slice %div3A_21 {offsets = [176, 0], sizes = [16, 128], strides = [1, 1]} : vector<512x128xf32> to vector<16x128xf32>
    %dot_general3A_273 = arith.constant dense<0.000000e+00> : vector<16x64xf32>
    %dot_general3A_274 = tpu.matmul %slice3A_272, %slice3A_271, %dot_general3A_273 {dimension_numbers = #tpu.dot_dimension_numbers<[1], [1], [0], [0], [0, 0, 1, 0], [], []>, transpose_lhs_hint = false} : vector<16x128xf32>, vector<64x128xf32>, vector<16x64xf32> -> vector<16x64xf32>
    %dot_general3A_275 = arith.constant dense<0.000000e+00> : vector<16x128xf32>
    %dot_general3A_276 = tpu.matmul %dot_general3A_274, %slice3A_271, %dot_general3A_275 {dimension_numbers = #tpu.dot_dimension_numbers<[1], [0], [0], [1], [0, 0, 1, 1], [], []>, transpose_lhs_hint = false} : vector<16x64xf32>, vector<64x128xf32>, vector<16x128xf32> -> vector<16x128xf32>
    %sub3A_277 = arith.subf %slice3A_272, %dot_general3A_276 : vector<16x128xf32>
    %mul3A_278 = arith.mulf %sub3A_277, %sub3A_277 : vector<16x128xf32>
    %reduce_sum3A_279 = arith.constant dense<0.000000e+00> : vector<16xf32>
    %reduce_sum3A_280 = vector.multi_reduction <add>, %mul3A_278, %reduce_sum3A_279 [1] : vector<16x128xf32> to vector<16xf32>
    %broadcast_in_dim3A_281 = vector.shape_cast %reduce_sum3A_280 : vector<16xf32> to vector<16x1xf32>
    %sqrt3A_282 = math.sqrt %broadcast_in_dim3A_281 : vector<16x1xf32>
    %add3A_283 = arith.constant 9.99999997E-7 : f32
    %add3A_284 = vector.broadcast %add3A_283 : f32 to vector<16x1xf32>
    %add3A_285 = arith.addf %sqrt3A_282, %add3A_284 : vector<16x1xf32>
    %div3A_286 = vector.broadcast %add3A_285 : vector<16x1xf32> to vector<16x128xf32>
    %div3A_287 = arith.divf %sub3A_277, %div3A_286 : vector<16x128xf32>
    %swap3A_288 = arith.constant 11 : index
    %swap3A_289 = arith.constant 0 : index
    %swap3A_290 = arith.constant 0 : index
    %swap3A_291 = vector.load %arg3[%swap3A_288, %swap3A_289, %swap3A_290] : memref<32x16x128xf32, #tpu.memory_space<vmem>>, vector<1x16x128xf32>
    %swap3A_292 = vector.shape_cast %swap3A_291 : vector<1x16x128xf32> to vector<16x128xf32>
    %swap3A_293 = vector.shape_cast %div3A_287 : vector<16x128xf32> to vector<1x16x128xf32>
    tpu.vector_store %arg3[%swap3A_288, %swap3A_289, %swap3A_290], %swap3A_293 {strides = array<i32>} : memref<32x16x128xf32, #tpu.memory_space<vmem>>, vector<1x16x128xf32>,
    %slice3A_294 = vector.extract_strided_slice %div3A_6 {offsets = [768, 0], sizes = [64, 128], strides = [1, 1]} : vector<2048x128xf32> to vector<64x128xf32>
    %slice3A_295 = vector.extract_strided_slice %div3A_21 {offsets = [192, 0], sizes = [16, 128], strides = [1, 1]} : vector<512x128xf32> to vector<16x128xf32>
    %dot_general3A_296 = arith.constant dense<0.000000e+00> : vector<16x64xf32>
    %dot_general3A_297 = tpu.matmul %slice3A_295, %slice3A_294, %dot_general3A_296 {dimension_numbers = #tpu.dot_dimension_numbers<[1], [1], [0], [0], [0, 0, 1, 0], [], []>, transpose_lhs_hint = false} : vector<16x128xf32>, vector<64x128xf32>, vector<16x64xf32> -> vector<16x64xf32>
    %dot_general3A_298 = arith.constant dense<0.000000e+00> : vector<16x128xf32>
    %dot_general3A_299 = tpu.matmul %dot_general3A_297, %slice3A_294, %dot_general3A_298 {dimension_numbers = #tpu.dot_dimension_numbers<[1], [0], [0], [1], [0, 0, 1, 1], [], []>, transpose_lhs_hint = false} : vector<16x64xf32>, vector<64x128xf32>, vector<16x128xf32> -> vector<16x128xf32>
    %sub3A_300 = arith.subf %slice3A_295, %dot_general3A_299 : vector<16x128xf32>
    %mul3A_301 = arith.mulf %sub3A_300, %sub3A_300 : vector<16x128xf32>
    %reduce_sum3A_302 = arith.constant dense<0.000000e+00> : vector<16xf32>
    %reduce_sum3A_303 = vector.multi_reduction <add>, %mul3A_301, %reduce_sum3A_302 [1] : vector<16x128xf32> to vector<16xf32>
    %broadcast_in_dim3A_304 = vector.shape_cast %reduce_sum3A_303 : vector<16xf32> to vector<16x1xf32>
    %sqrt3A_305 = math.sqrt %broadcast_in_dim3A_304 : vector<16x1xf32>
    %add3A_306 = arith.constant 9.99999997E-7 : f32
    %add3A_307 = vector.broadcast %add3A_306 : f32 to vector<16x1xf32>
    %add3A_308 = arith.addf %sqrt3A_305, %add3A_307 : vector<16x1xf32>
    %div3A_309 = vector.broadcast %add3A_308 : vector<16x1xf32> to vector<16x128xf32>
    %div3A_310 = arith.divf %sub3A_300, %div3A_309 : vector<16x128xf32>
    %swap3A_311 = arith.constant 12 : index
    %swap3A_312 = arith.constant 0 : index
    %swap3A_313 = arith.constant 0 : index
    %swap3A_314 = vector.load %arg3[%swap3A_311, %swap3A_312, %swap3A_313] : memref<32x16x128xf32, #tpu.memory_space<vmem>>, vector<1x16x128xf32>
    %swap3A_315 = vector.shape_cast %swap3A_314 : vector<1x16x128xf32> to vector<16x128xf32>
    %swap3A_316 = vector.shape_cast %div3A_310 : vector<16x128xf32> to vector<1x16x128xf32>
    tpu.vector_store %arg3[%swap3A_311, %swap3A_312, %swap3A_313], %swap3A_316 {strides = array<i32>} : memref<32x16x128xf32, #tpu.memory_space<vmem>>, vector<1x16x128xf32>,
    %slice3A_317 = vector.extract_strided_slice %div3A_6 {offsets = [832, 0], sizes = [64, 128], strides = [1, 1]} : vector<2048x128xf32> to vector<64x128xf32>
    %slice3A_318 = vector.extract_strided_slice %div3A_21 {offsets = [208, 0], sizes = [16, 128], strides = [1, 1]} : vector<512x128xf32> to vector<16x128xf32>
    %dot_general3A_319 = arith.constant dense<0.000000e+00> : vector<16x64xf32>
    %dot_general3A_320 = tpu.matmul %slice3A_318, %slice3A_317, %dot_general3A_319 {dimension_numbers = #tpu.dot_dimension_numbers<[1], [1], [0], [0], [0, 0, 1, 0], [], []>, transpose_lhs_hint = false} : vector<16x128xf32>, vector<64x128xf32>, vector<16x64xf32> -> vector<16x64xf32>
    %dot_general3A_321 = arith.constant dense<0.000000e+00> : vector<16x128xf32>
    %dot_general3A_322 = tpu.matmul %dot_general3A_320, %slice3A_317, %dot_general3A_321 {dimension_numbers = #tpu.dot_dimension_numbers<[1], [0], [0], [1], [0, 0, 1, 1], [], []>, transpose_lhs_hint = false} : vector<16x64xf32>, vector<64x128xf32>, vector<16x128xf32> -> vector<16x128xf32>
    %sub3A_323 = arith.subf %slice3A_318, %dot_general3A_322 : vector<16x128xf32>
    %mul3A_324 = arith.mulf %sub3A_323, %sub3A_323 : vector<16x128xf32>
    %reduce_sum3A_325 = arith.constant dense<0.000000e+00> : vector<16xf32>
    %reduce_sum3A_326 = vector.multi_reduction <add>, %mul3A_324, %reduce_sum3A_325 [1] : vector<16x128xf32> to vector<16xf32>
    %broadcast_in_dim3A_327 = vector.shape_cast %reduce_sum3A_326 : vector<16xf32> to vector<16x1xf32>
    %sqrt3A_328 = math.sqrt %broadcast_in_dim3A_327 : vector<16x1xf32>
    %add3A_329 = arith.constant 9.99999997E-7 : f32
    %add3A_330 = vector.broadcast %add3A_329 : f32 to vector<16x1xf32>
    %add3A_331 = arith.addf %sqrt3A_328, %add3A_330 : vector<16x1xf32>
    %div3A_332 = vector.broadcast %add3A_331 : vector<16x1xf32> to vector<16x128xf32>
    %div3A_333 = arith.divf %sub3A_323, %div3A_332 : vector<16x128xf32>
    %swap3A_334 = arith.constant 13 : index
    %swap3A_335 = arith.constant 0 : index
    %swap3A_336 = arith.constant 0 : index
    %swap3A_337 = vector.load %arg3[%swap3A_334, %swap3A_335, %swap3A_336] : memref<32x16x128xf32, #tpu.memory_space<vmem>>, vector<1x16x128xf32>
    %swap3A_338 = vector.shape_cast %swap3A_337 : vector<1x16x128xf32> to vector<16x128xf32>
    %swap3A_339 = vector.shape_cast %div3A_333 : vector<16x128xf32> to vector<1x16x128xf32>
    tpu.vector_store %arg3[%swap3A_334, %swap3A_335, %swap3A_336], %swap3A_339 {strides = array<i32>} : memref<32x16x128xf32, #tpu.memory_space<vmem>>, vector<1x16x128xf32>,
    %slice3A_340 = vector.extract_strided_slice %div3A_6 {offsets = [896, 0], sizes = [64, 128], strides = [1, 1]} : vector<2048x128xf32> to vector<64x128xf32>
    %slice3A_341 = vector.extract_strided_slice %div3A_21 {offsets = [224, 0], sizes = [16, 128], strides = [1, 1]} : vector<512x128xf32> to vector<16x128xf32>
    %dot_general3A_342 = arith.constant dense<0.000000e+00> : vector<16x64xf32>
    %dot_general3A_343 = tpu.matmul %slice3A_341, %slice3A_340, %dot_general3A_342 {dimension_numbers = #tpu.dot_dimension_numbers<[1], [1], [0], [0], [0, 0, 1, 0], [], []>, transpose_lhs_hint = false} : vector<16x128xf32>, vector<64x128xf32>, vector<16x64xf32> -> vector<16x64xf32>
    %dot_general3A_344 = arith.constant dense<0.000000e+00> : vector<16x128xf32>
    %dot_general3A_345 = tpu.matmul %dot_general3A_343, %slice3A_340, %dot_general3A_344 {dimension_numbers = #tpu.dot_dimension_numbers<[1], [0], [0], [1], [0, 0, 1, 1], [], []>, transpose_lhs_hint = false} : vector<16x64xf32>, vector<64x128xf32>, vector<16x128xf32> -> vector<16x128xf32>
    %sub3A_346 = arith.subf %slice3A_341, %dot_general3A_345 : vector<16x128xf32>
    %mul3A_347 = arith.mulf %sub3A_346, %sub3A_346 : vector<16x128xf32>
    %reduce_sum3A_348 = arith.constant dense<0.000000e+00> : vector<16xf32>
    %reduce_sum3A_349 = vector.multi_reduction <add>, %mul3A_347, %reduce_sum3A_348 [1] : vector<16x128xf32> to vector<16xf32>
    %broadcast_in_dim3A_350 = vector.shape_cast %reduce_sum3A_349 : vector<16xf32> to vector<16x1xf32>
    %sqrt3A_351 = math.sqrt %broadcast_in_dim3A_350 : vector<16x1xf32>
    %add3A_352 = arith.constant 9.99999997E-7 : f32
    %add3A_353 = vector.broadcast %add3A_352 : f32 to vector<16x1xf32>
    %add3A_354 = arith.addf %sqrt3A_351, %add3A_353 : vector<16x1xf32>
    %div3A_355 = vector.broadcast %add3A_354 : vector<16x1xf32> to vector<16x128xf32>
    %div3A_356 = arith.divf %sub3A_346, %div3A_355 : vector<16x128xf32>
    %swap3A_357 = arith.constant 14 : index
    %swap3A_358 = arith.constant 0 : index
    %swap3A_359 = arith.constant 0 : index
    %swap3A_360 = vector.load %arg3[%swap3A_357, %swap3A_358, %swap3A_359] : memref<32x16x128xf32, #tpu.memory_space<vmem>>, vector<1x16x128xf32>
    %swap3A_361 = vector.shape_cast %swap3A_360 : vector<1x16x128xf32> to vector<16x128xf32>
    %swap3A_362 = vector.shape_cast %div3A_356 : vector<16x128xf32> to vector<1x16x128xf32>
    tpu.vector_store %arg3[%swap3A_357, %swap3A_358, %swap3A_359], %swap3A_362 {strides = array<i32>} : memref<32x16x128xf32, #tpu.memory_space<vmem>>, vector<1x16x128xf32>,
    %slice3A_363 = vector.extract_strided_slice %div3A_6 {offsets = [960, 0], sizes = [64, 128], strides = [1, 1]} : vector<2048x128xf32> to vector<64x128xf32>
    %slice3A_364 = vector.extract_strided_slice %div3A_21 {offsets = [240, 0], sizes = [16, 128], strides = [1, 1]} : vector<512x128xf32> to vector<16x128xf32>
    %dot_general3A_365 = arith.constant dense<0.000000e+00> : vector<16x64xf32>
    %dot_general3A_366 = tpu.matmul %slice3A_364, %slice3A_363, %dot_general3A_365 {dimension_numbers = #tpu.dot_dimension_numbers<[1], [1], [0], [0], [0, 0, 1, 0], [], []>, transpose_lhs_hint = false} : vector<16x128xf32>, vector<64x128xf32>, vector<16x64xf32> -> vector<16x64xf32>
    %dot_general3A_367 = arith.constant dense<0.000000e+00> : vector<16x128xf32>
    %dot_general3A_368 = tpu.matmul %dot_general3A_366, %slice3A_363, %dot_general3A_367 {dimension_numbers = #tpu.dot_dimension_numbers<[1], [0], [0], [1], [0, 0, 1, 1], [], []>, transpose_lhs_hint = false} : vector<16x64xf32>, vector<64x128xf32>, vector<16x128xf32> -> vector<16x128xf32>
    %sub3A_369 = arith.subf %slice3A_364, %dot_general3A_368 : vector<16x128xf32>
    %mul3A_370 = arith.mulf %sub3A_369, %sub3A_369 : vector<16x128xf32>
    %reduce_sum3A_371 = arith.constant dense<0.000000e+00> : vector<16xf32>
    %reduce_sum3A_372 = vector.multi_reduction <add>, %mul3A_370, %reduce_sum3A_371 [1] : vector<16x128xf32> to vector<16xf32>
    %broadcast_in_dim3A_373 = vector.shape_cast %reduce_sum3A_372 : vector<16xf32> to vector<16x1xf32>
    %sqrt3A_374 = math.sqrt %broadcast_in_dim3A_373 : vector<16x1xf32>
    %add3A_375 = arith.constant 9.99999997E-7 : f32
    %add3A_376 = vector.broadcast %add3A_375 : f32 to vector<16x1xf32>
    %add3A_377 = arith.addf %sqrt3A_374, %add3A_376 : vector<16x1xf32>
    %div3A_378 = vector.broadcast %add3A_377 : vector<16x1xf32> to vector<16x128xf32>
    %div3A_379 = arith.divf %sub3A_369, %div3A_378 : vector<16x128xf32>
    %swap3A_380 = arith.constant 15 : index
    %swap3A_381 = arith.constant 0 : index
    %swap3A_382 = arith.constant 0 : index
    %swap3A_383 = vector.load %arg3[%swap3A_380, %swap3A_381, %swap3A_382] : memref<32x16x128xf32, #tpu.memory_space<vmem>>, vector<1x16x128xf32>
    %swap3A_384 = vector.shape_cast %swap3A_383 : vector<1x16x128xf32> to vector<16x128xf32>
    %swap3A_385 = vector.shape_cast %div3A_379 : vector<16x128xf32> to vector<1x16x128xf32>
    tpu.vector_store %arg3[%swap3A_380, %swap3A_381, %swap3A_382], %swap3A_385 {strides = array<i32>} : memref<32x16x128xf32, #tpu.memory_space<vmem>>, vector<1x16x128xf32>,
    %slice3A_386 = vector.extract_strided_slice %div3A_6 {offsets = [1024, 0], sizes = [64, 128], strides = [1, 1]} : vector<2048x128xf32> to vector<64x128xf32>
    %slice3A_387 = vector.extract_strided_slice %div3A_21 {offsets = [256, 0], sizes = [16, 128], strides = [1, 1]} : vector<512x128xf32> to vector<16x128xf32>
    %dot_general3A_388 = arith.constant dense<0.000000e+00> : vector<16x64xf32>
    %dot_general3A_389 = tpu.matmul %slice3A_387, %slice3A_386, %dot_general3A_388 {dimension_numbers = #tpu.dot_dimension_numbers<[1], [1], [0], [0], [0, 0, 1, 0], [], []>, transpose_lhs_hint = false} : vector<16x128xf32>, vector<64x128xf32>, vector<16x64xf32> -> vector<16x64xf32>
    %dot_general3A_390 = arith.constant dense<0.000000e+00> : vector<16x128xf32>
    %dot_general3A_391 = tpu.matmul %dot_general3A_389, %slice3A_386, %dot_general3A_390 {dimension_numbers = #tpu.dot_dimension_numbers<[1], [0], [0], [1], [0, 0, 1, 1], [], []>, transpose_lhs_hint = false} : vector<16x64xf32>, vector<64x128xf32>, vector<16x128xf32> -> vector<16x128xf32>
    %sub3A_392 = arith.subf %slice3A_387, %dot_general3A_391 : vector<16x128xf32>
    %mul3A_393 = arith.mulf %sub3A_392, %sub3A_392 : vector<16x128xf32>
    %reduce_sum3A_394 = arith.constant dense<0.000000e+00> : vector<16xf32>
    %reduce_sum3A_395 = vector.multi_reduction <add>, %mul3A_393, %reduce_sum3A_394 [1] : vector<16x128xf32> to vector<16xf32>
    %broadcast_in_dim3A_396 = vector.shape_cast %reduce_sum3A_395 : vector<16xf32> to vector<16x1xf32>
    %sqrt3A_397 = math.sqrt %broadcast_in_dim3A_396 : vector<16x1xf32>
    %add3A_398 = arith.constant 9.99999997E-7 : f32
    %add3A_399 = vector.broadcast %add3A_398 : f32 to vector<16x1xf32>
    %add3A_400 = arith.addf %sqrt3A_397, %add3A_399 : vector<16x1xf32>
    %div3A_401 = vector.broadcast %add3A_400 : vector<16x1xf32> to vector<16x128xf32>
    %div3A_402 = arith.divf %sub3A_392, %div3A_401 : vector<16x128xf32>
    %swap3A_403 = arith.constant 16 : index
    %swap3A_404 = arith.constant 0 : index
    %swap3A_405 = arith.constant 0 : index
    %swap3A_406 = vector.load %arg3[%swap3A_403, %swap3A_404, %swap3A_405] : memref<32x16x128xf32, #tpu.memory_space<vmem>>, vector<1x16x128xf32>
    %swap3A_407 = vector.shape_cast %swap3A_406 : vector<1x16x128xf32> to vector<16x128xf32>
    %swap3A_408 = vector.shape_cast %div3A_402 : vector<16x128xf32> to vector<1x16x128xf32>
    tpu.vector_store %arg3[%swap3A_403, %swap3A_404, %swap3A_405], %swap3A_408 {strides = array<i32>} : memref<32x16x128xf32, #tpu.memory_space<vmem>>, vector<1x16x128xf32>,
    %slice3A_409 = vector.extract_strided_slice %div3A_6 {offsets = [1088, 0], sizes = [64, 128], strides = [1, 1]} : vector<2048x128xf32> to vector<64x128xf32>
    %slice3A_410 = vector.extract_strided_slice %div3A_21 {offsets = [272, 0], sizes = [16, 128], strides = [1, 1]} : vector<512x128xf32> to vector<16x128xf32>
    %dot_general3A_411 = arith.constant dense<0.000000e+00> : vector<16x64xf32>
    %dot_general3A_412 = tpu.matmul %slice3A_410, %slice3A_409, %dot_general3A_411 {dimension_numbers = #tpu.dot_dimension_numbers<[1], [1], [0], [0], [0, 0, 1, 0], [], []>, transpose_lhs_hint = false} : vector<16x128xf32>, vector<64x128xf32>, vector<16x64xf32> -> vector<16x64xf32>
    %dot_general3A_413 = arith.constant dense<0.000000e+00> : vector<16x128xf32>
    %dot_general3A_414 = tpu.matmul %dot_general3A_412, %slice3A_409, %dot_general3A_413 {dimension_numbers = #tpu.dot_dimension_numbers<[1], [0], [0], [1], [0, 0, 1, 1], [], []>, transpose_lhs_hint = false} : vector<16x64xf32>, vector<64x128xf32>, vector<16x128xf32> -> vector<16x128xf32>
    %sub3A_415 = arith.subf %slice3A_410, %dot_general3A_414 : vector<16x128xf32>
    %mul3A_416 = arith.mulf %sub3A_415, %sub3A_415 : vector<16x128xf32>
    %reduce_sum3A_417 = arith.constant dense<0.000000e+00> : vector<16xf32>
    %reduce_sum3A_418 = vector.multi_reduction <add>, %mul3A_416, %reduce_sum3A_417 [1] : vector<16x128xf32> to vector<16xf32>
    %broadcast_in_dim3A_419 = vector.shape_cast %reduce_sum3A_418 : vector<16xf32> to vector<16x1xf32>
    %sqrt3A_420 = math.sqrt %broadcast_in_dim3A_419 : vector<16x1xf32>
    %add3A_421 = arith.constant 9.99999997E-7 : f32
    %add3A_422 = vector.broadcast %add3A_421 : f32 to vector<16x1xf32>
    %add3A_423 = arith.addf %sqrt3A_420, %add3A_422 : vector<16x1xf32>
    %div3A_424 = vector.broadcast %add3A_423 : vector<16x1xf32> to vector<16x128xf32>
    %div3A_425 = arith.divf %sub3A_415, %div3A_424 : vector<16x128xf32>
    %swap3A_426 = arith.constant 17 : index
    %swap3A_427 = arith.constant 0 : index
    %swap3A_428 = arith.constant 0 : index
    %swap3A_429 = vector.load %arg3[%swap3A_426, %swap3A_427, %swap3A_428] : memref<32x16x128xf32, #tpu.memory_space<vmem>>, vector<1x16x128xf32>
    %swap3A_430 = vector.shape_cast %swap3A_429 : vector<1x16x128xf32> to vector<16x128xf32>
    %swap3A_431 = vector.shape_cast %div3A_425 : vector<16x128xf32> to vector<1x16x128xf32>
    tpu.vector_store %arg3[%swap3A_426, %swap3A_427, %swap3A_428], %swap3A_431 {strides = array<i32>} : memref<32x16x128xf32, #tpu.memory_space<vmem>>, vector<1x16x128xf32>,
    %slice3A_432 = vector.extract_strided_slice %div3A_6 {offsets = [1152, 0], sizes = [64, 128], strides = [1, 1]} : vector<2048x128xf32> to vector<64x128xf32>
    %slice3A_433 = vector.extract_strided_slice %div3A_21 {offsets = [288, 0], sizes = [16, 128], strides = [1, 1]} : vector<512x128xf32> to vector<16x128xf32>
    %dot_general3A_434 = arith.constant dense<0.000000e+00> : vector<16x64xf32>
    %dot_general3A_435 = tpu.matmul %slice3A_433, %slice3A_432, %dot_general3A_434 {dimension_numbers = #tpu.dot_dimension_numbers<[1], [1], [0], [0], [0, 0, 1, 0], [], []>, transpose_lhs_hint = false} : vector<16x128xf32>, vector<64x128xf32>, vector<16x64xf32> -> vector<16x64xf32>
    %dot_general3A_436 = arith.constant dense<0.000000e+00> : vector<16x128xf32>
    %dot_general3A_437 = tpu.matmul %dot_general3A_435, %slice3A_432, %dot_general3A_436 {dimension_numbers = #tpu.dot_dimension_numbers<[1], [0], [0], [1], [0, 0, 1, 1], [], []>, transpose_lhs_hint = false} : vector<16x64xf32>, vector<64x128xf32>, vector<16x128xf32> -> vector<16x128xf32>
    %sub3A_438 = arith.subf %slice3A_433, %dot_general3A_437 : vector<16x128xf32>
    %mul3A_439 = arith.mulf %sub3A_438, %sub3A_438 : vector<16x128xf32>
    %reduce_sum3A_440 = arith.constant dense<0.000000e+00> : vector<16xf32>
    %reduce_sum3A_441 = vector.multi_reduction <add>, %mul3A_439, %reduce_sum3A_440 [1] : vector<16x128xf32> to vector<16xf32>
    %broadcast_in_dim3A_442 = vector.shape_cast %reduce_sum3A_441 : vector<16xf32> to vector<16x1xf32>
    %sqrt3A_443 = math.sqrt %broadcast_in_dim3A_442 : vector<16x1xf32>
    %add3A_444 = arith.constant 9.99999997E-7 : f32
    %add3A_445 = vector.broadcast %add3A_444 : f32 to vector<16x1xf32>
    %add3A_446 = arith.addf %sqrt3A_443, %add3A_445 : vector<16x1xf32>
    %div3A_447 = vector.broadcast %add3A_446 : vector<16x1xf32> to vector<16x128xf32>
    %div3A_448 = arith.divf %sub3A_438, %div3A_447 : vector<16x128xf32>
    %swap3A_449 = arith.constant 18 : index
    %swap3A_450 = arith.constant 0 : index
    %swap3A_451 = arith.constant 0 : index
    %swap3A_452 = vector.load %arg3[%swap3A_449, %swap3A_450, %swap3A_451] : memref<32x16x128xf32, #tpu.memory_space<vmem>>, vector<1x16x128xf32>
    %swap3A_453 = vector.shape_cast %swap3A_452 : vector<1x16x128xf32> to vector<16x128xf32>
    %swap3A_454 = vector.shape_cast %div3A_448 : vector<16x128xf32> to vector<1x16x128xf32>
    tpu.vector_store %arg3[%swap3A_449, %swap3A_450, %swap3A_451], %swap3A_454 {strides = array<i32>} : memref<32x16x128xf32, #tpu.memory_space<vmem>>, vector<1x16x128xf32>,
    %slice3A_455 = vector.extract_strided_slice %div3A_6 {offsets = [1216, 0], sizes = [64, 128], strides = [1, 1]} : vector<2048x128xf32> to vector<64x128xf32>
    %slice3A_456 = vector.extract_strided_slice %div3A_21 {offsets = [304, 0], sizes = [16, 128], strides = [1, 1]} : vector<512x128xf32> to vector<16x128xf32>
    %dot_general3A_457 = arith.constant dense<0.000000e+00> : vector<16x64xf32>
    %dot_general3A_458 = tpu.matmul %slice3A_456, %slice3A_455, %dot_general3A_457 {dimension_numbers = #tpu.dot_dimension_numbers<[1], [1], [0], [0], [0, 0, 1, 0], [], []>, transpose_lhs_hint = false} : vector<16x128xf32>, vector<64x128xf32>, vector<16x64xf32> -> vector<16x64xf32>
    %dot_general3A_459 = arith.constant dense<0.000000e+00> : vector<16x128xf32>
    %dot_general3A_460 = tpu.matmul %dot_general3A_458, %slice3A_455, %dot_general3A_459 {dimension_numbers = #tpu.dot_dimension_numbers<[1], [0], [0], [1], [0, 0, 1, 1], [], []>, transpose_lhs_hint = false} : vector<16x64xf32>, vector<64x128xf32>, vector<16x128xf32> -> vector<16x128xf32>
    %sub3A_461 = arith.subf %slice3A_456, %dot_general3A_460 : vector<16x128xf32>
    %mul3A_462 = arith.mulf %sub3A_461, %sub3A_461 : vector<16x128xf32>
    %reduce_sum3A_463 = arith.constant dense<0.000000e+00> : vector<16xf32>
    %reduce_sum3A_464 = vector.multi_reduction <add>, %mul3A_462, %reduce_sum3A_463 [1] : vector<16x128xf32> to vector<16xf32>
    %broadcast_in_dim3A_465 = vector.shape_cast %reduce_sum3A_464 : vector<16xf32> to vector<16x1xf32>
    %sqrt3A_466 = math.sqrt %broadcast_in_dim3A_465 : vector<16x1xf32>
    %add3A_467 = arith.constant 9.99999997E-7 : f32
    %add3A_468 = vector.broadcast %add3A_467 : f32 to vector<16x1xf32>
    %add3A_469 = arith.addf %sqrt3A_466, %add3A_468 : vector<16x1xf32>
    %div3A_470 = vector.broadcast %add3A_469 : vector<16x1xf32> to vector<16x128xf32>
    %div3A_471 = arith.divf %sub3A_461, %div3A_470 : vector<16x128xf32>
    %swap3A_472 = arith.constant 19 : index
    %swap3A_473 = arith.constant 0 : index
    %swap3A_474 = arith.constant 0 : index
    %swap3A_475 = vector.load %arg3[%swap3A_472, %swap3A_473, %swap3A_474] : memref<32x16x128xf32, #tpu.memory_space<vmem>>, vector<1x16x128xf32>
    %swap3A_476 = vector.shape_cast %swap3A_475 : vector<1x16x128xf32> to vector<16x128xf32>
    %swap3A_477 = vector.shape_cast %div3A_471 : vector<16x128xf32> to vector<1x16x128xf32>
    tpu.vector_store %arg3[%swap3A_472, %swap3A_473, %swap3A_474], %swap3A_477 {strides = array<i32>} : memref<32x16x128xf32, #tpu.memory_space<vmem>>, vector<1x16x128xf32>,
    %slice3A_478 = vector.extract_strided_slice %div3A_6 {offsets = [1280, 0], sizes = [64, 128], strides = [1, 1]} : vector<2048x128xf32> to vector<64x128xf32>
    %slice3A_479 = vector.extract_strided_slice %div3A_21 {offsets = [320, 0], sizes = [16, 128], strides = [1, 1]} : vector<512x128xf32> to vector<16x128xf32>
    %dot_general3A_480 = arith.constant dense<0.000000e+00> : vector<16x64xf32>
    %dot_general3A_481 = tpu.matmul %slice3A_479, %slice3A_478, %dot_general3A_480 {dimension_numbers = #tpu.dot_dimension_numbers<[1], [1], [0], [0], [0, 0, 1, 0], [], []>, transpose_lhs_hint = false} : vector<16x128xf32>, vector<64x128xf32>, vector<16x64xf32> -> vector<16x64xf32>
    %dot_general3A_482 = arith.constant dense<0.000000e+00> : vector<16x128xf32>
    %dot_general3A_483 = tpu.matmul %dot_general3A_481, %slice3A_478, %dot_general3A_482 {dimension_numbers = #tpu.dot_dimension_numbers<[1], [0], [0], [1], [0, 0, 1, 1], [], []>, transpose_lhs_hint = false} : vector<16x64xf32>, vector<64x128xf32>, vector<16x128xf32> -> vector<16x128xf32>
    %sub3A_484 = arith.subf %slice3A_479, %dot_general3A_483 : vector<16x128xf32>
    %mul3A_485 = arith.mulf %sub3A_484, %sub3A_484 : vector<16x128xf32>
    %reduce_sum3A_486 = arith.constant dense<0.000000e+00> : vector<16xf32>
    %reduce_sum3A_487 = vector.multi_reduction <add>, %mul3A_485, %reduce_sum3A_486 [1] : vector<16x128xf32> to vector<16xf32>
    %broadcast_in_dim3A_488 = vector.shape_cast %reduce_sum3A_487 : vector<16xf32> to vector<16x1xf32>
    %sqrt3A_489 = math.sqrt %broadcast_in_dim3A_488 : vector<16x1xf32>
    %add3A_490 = arith.constant 9.99999997E-7 : f32
    %add3A_491 = vector.broadcast %add3A_490 : f32 to vector<16x1xf32>
    %add3A_492 = arith.addf %sqrt3A_489, %add3A_491 : vector<16x1xf32>
    %div3A_493 = vector.broadcast %add3A_492 : vector<16x1xf32> to vector<16x128xf32>
    %div3A_494 = arith.divf %sub3A_484, %div3A_493 : vector<16x128xf32>
    %swap3A_495 = arith.constant 20 : index
    %swap3A_496 = arith.constant 0 : index
    %swap3A_497 = arith.constant 0 : index
    %swap3A_498 = vector.load %arg3[%swap3A_495, %swap3A_496, %swap3A_497] : memref<32x16x128xf32, #tpu.memory_space<vmem>>, vector<1x16x128xf32>
    %swap3A_499 = vector.shape_cast %swap3A_498 : vector<1x16x128xf32> to vector<16x128xf32>
    %swap3A_500 = vector.shape_cast %div3A_494 : vector<16x128xf32> to vector<1x16x128xf32>
    tpu.vector_store %arg3[%swap3A_495, %swap3A_496, %swap3A_497], %swap3A_500 {strides = array<i32>} : memref<32x16x128xf32, #tpu.memory_space<vmem>>, vector<1x16x128xf32>,
    %slice3A_501 = vector.extract_strided_slice %div3A_6 {offsets = [1344, 0], sizes = [64, 128], strides = [1, 1]} : vector<2048x128xf32> to vector<64x128xf32>
    %slice3A_502 = vector.extract_strided_slice %div3A_21 {offsets = [336, 0], sizes = [16, 128], strides = [1, 1]} : vector<512x128xf32> to vector<16x128xf32>
    %dot_general3A_503 = arith.constant dense<0.000000e+00> : vector<16x64xf32>
    %dot_general3A_504 = tpu.matmul %slice3A_502, %slice3A_501, %dot_general3A_503 {dimension_numbers = #tpu.dot_dimension_numbers<[1], [1], [0], [0], [0, 0, 1, 0], [], []>, transpose_lhs_hint = false} : vector<16x128xf32>, vector<64x128xf32>, vector<16x64xf32> -> vector<16x64xf32>
    %dot_general3A_505 = arith.constant dense<0.000000e+00> : vector<16x128xf32>
    %dot_general3A_506 = tpu.matmul %dot_general3A_504, %slice3A_501, %dot_general3A_505 {dimension_numbers = #tpu.dot_dimension_numbers<[1], [0], [0], [1], [0, 0, 1, 1], [], []>, transpose_lhs_hint = false} : vector<16x64xf32>, vector<64x128xf32>, vector<16x128xf32> -> vector<16x128xf32>
    %sub3A_507 = arith.subf %slice3A_502, %dot_general3A_506 : vector<16x128xf32>
    %mul3A_508 = arith.mulf %sub3A_507, %sub3A_507 : vector<16x128xf32>
    %reduce_sum3A_509 = arith.constant dense<0.000000e+00> : vector<16xf32>
    %reduce_sum3A_510 = vector.multi_reduction <add>, %mul3A_508, %reduce_sum3A_509 [1] : vector<16x128xf32> to vector<16xf32>
    %broadcast_in_dim3A_511 = vector.shape_cast %reduce_sum3A_510 : vector<16xf32> to vector<16x1xf32>
    %sqrt3A_512 = math.sqrt %broadcast_in_dim3A_511 : vector<16x1xf32>
    %add3A_513 = arith.constant 9.99999997E-7 : f32
    %add3A_514 = vector.broadcast %add3A_513 : f32 to vector<16x1xf32>
    %add3A_515 = arith.addf %sqrt3A_512, %add3A_514 : vector<16x1xf32>
    %div3A_516 = vector.broadcast %add3A_515 : vector<16x1xf32> to vector<16x128xf32>
    %div3A_517 = arith.divf %sub3A_507, %div3A_516 : vector<16x128xf32>
    %swap3A_518 = arith.constant 21 : index
    %swap3A_519 = arith.constant 0 : index
    %swap3A_520 = arith.constant 0 : index
    %swap3A_521 = vector.load %arg3[%swap3A_518, %swap3A_519, %swap3A_520] : memref<32x16x128xf32, #tpu.memory_space<vmem>>, vector<1x16x128xf32>
    %swap3A_522 = vector.shape_cast %swap3A_521 : vector<1x16x128xf32> to vector<16x128xf32>
    %swap3A_523 = vector.shape_cast %div3A_517 : vector<16x128xf32> to vector<1x16x128xf32>
    tpu.vector_store %arg3[%swap3A_518, %swap3A_519, %swap3A_520], %swap3A_523 {strides = array<i32>} : memref<32x16x128xf32, #tpu.memory_space<vmem>>, vector<1x16x128xf32>,
    %slice3A_524 = vector.extract_strided_slice %div3A_6 {offsets = [1408, 0], sizes = [64, 128], strides = [1, 1]} : vector<2048x128xf32> to vector<64x128xf32>
    %slice3A_525 = vector.extract_strided_slice %div3A_21 {offsets = [352, 0], sizes = [16, 128], strides = [1, 1]} : vector<512x128xf32> to vector<16x128xf32>
    %dot_general3A_526 = arith.constant dense<0.000000e+00> : vector<16x64xf32>
    %dot_general3A_527 = tpu.matmul %slice3A_525, %slice3A_524, %dot_general3A_526 {dimension_numbers = #tpu.dot_dimension_numbers<[1], [1], [0], [0], [0, 0, 1, 0], [], []>, transpose_lhs_hint = false} : vector<16x128xf32>, vector<64x128xf32>, vector<16x64xf32> -> vector<16x64xf32>
    %dot_general3A_528 = arith.constant dense<0.000000e+00> : vector<16x128xf32>
    %dot_general3A_529 = tpu.matmul %dot_general3A_527, %slice3A_524, %dot_general3A_528 {dimension_numbers = #tpu.dot_dimension_numbers<[1], [0], [0], [1], [0, 0, 1, 1], [], []>, transpose_lhs_hint = false} : vector<16x64xf32>, vector<64x128xf32>, vector<16x128xf32> -> vector<16x128xf32>
    %sub3A_530 = arith.subf %slice3A_525, %dot_general3A_529 : vector<16x128xf32>
    %mul3A_531 = arith.mulf %sub3A_530, %sub3A_530 : vector<16x128xf32>
    %reduce_sum3A_532 = arith.constant dense<0.000000e+00> : vector<16xf32>
    %reduce_sum3A_533 = vector.multi_reduction <add>, %mul3A_531, %reduce_sum3A_532 [1] : vector<16x128xf32> to vector<16xf32>
    %broadcast_in_dim3A_534 = vector.shape_cast %reduce_sum3A_533 : vector<16xf32> to vector<16x1xf32>
    %sqrt3A_535 = math.sqrt %broadcast_in_dim3A_534 : vector<16x1xf32>
    %add3A_536 = arith.constant 9.99999997E-7 : f32
    %add3A_537 = vector.broadcast %add3A_536 : f32 to vector<16x1xf32>
    %add3A_538 = arith.addf %sqrt3A_535, %add3A_537 : vector<16x1xf32>
    %div3A_539 = vector.broadcast %add3A_538 : vector<16x1xf32> to vector<16x128xf32>
    %div3A_540 = arith.divf %sub3A_530, %div3A_539 : vector<16x128xf32>
    %swap3A_541 = arith.constant 22 : index
    %swap3A_542 = arith.constant 0 : index
    %swap3A_543 = arith.constant 0 : index
    %swap3A_544 = vector.load %arg3[%swap3A_541, %swap3A_542, %swap3A_543] : memref<32x16x128xf32, #tpu.memory_space<vmem>>, vector<1x16x128xf32>
    %swap3A_545 = vector.shape_cast %swap3A_544 : vector<1x16x128xf32> to vector<16x128xf32>
    %swap3A_546 = vector.shape_cast %div3A_540 : vector<16x128xf32> to vector<1x16x128xf32>
    tpu.vector_store %arg3[%swap3A_541, %swap3A_542, %swap3A_543], %swap3A_546 {strides = array<i32>} : memref<32x16x128xf32, #tpu.memory_space<vmem>>, vector<1x16x128xf32>,
    %slice3A_547 = vector.extract_strided_slice %div3A_6 {offsets = [1472, 0], sizes = [64, 128], strides = [1, 1]} : vector<2048x128xf32> to vector<64x128xf32>
    %slice3A_548 = vector.extract_strided_slice %div3A_21 {offsets = [368, 0], sizes = [16, 128], strides = [1, 1]} : vector<512x128xf32> to vector<16x128xf32>
    %dot_general3A_549 = arith.constant dense<0.000000e+00> : vector<16x64xf32>
    %dot_general3A_550 = tpu.matmul %slice3A_548, %slice3A_547, %dot_general3A_549 {dimension_numbers = #tpu.dot_dimension_numbers<[1], [1], [0], [0], [0, 0, 1, 0], [], []>, transpose_lhs_hint = false} : vector<16x128xf32>, vector<64x128xf32>, vector<16x64xf32> -> vector<16x64xf32>
    %dot_general3A_551 = arith.constant dense<0.000000e+00> : vector<16x128xf32>
    %dot_general3A_552 = tpu.matmul %dot_general3A_550, %slice3A_547, %dot_general3A_551 {dimension_numbers = #tpu.dot_dimension_numbers<[1], [0], [0], [1], [0, 0, 1, 1], [], []>, transpose_lhs_hint = false} : vector<16x64xf32>, vector<64x128xf32>, vector<16x128xf32> -> vector<16x128xf32>
    %sub3A_553 = arith.subf %slice3A_548, %dot_general3A_552 : vector<16x128xf32>
    %mul3A_554 = arith.mulf %sub3A_553, %sub3A_553 : vector<16x128xf32>
    %reduce_sum3A_555 = arith.constant dense<0.000000e+00> : vector<16xf32>
    %reduce_sum3A_556 = vector.multi_reduction <add>, %mul3A_554, %reduce_sum3A_555 [1] : vector<16x128xf32> to vector<16xf32>
    %broadcast_in_dim3A_557 = vector.shape_cast %reduce_sum3A_556 : vector<16xf32> to vector<16x1xf32>
    %sqrt3A_558 = math.sqrt %broadcast_in_dim3A_557 : vector<16x1xf32>
    %add3A_559 = arith.constant 9.99999997E-7 : f32
    %add3A_560 = vector.broadcast %add3A_559 : f32 to vector<16x1xf32>
    %add3A_561 = arith.addf %sqrt3A_558, %add3A_560 : vector<16x1xf32>
    %div3A_562 = vector.broadcast %add3A_561 : vector<16x1xf32> to vector<16x128xf32>
    %div3A_563 = arith.divf %sub3A_553, %div3A_562 : vector<16x128xf32>
    %swap3A_564 = arith.constant 23 : index
    %swap3A_565 = arith.constant 0 : index
    %swap3A_566 = arith.constant 0 : index
    %swap3A_567 = vector.load %arg3[%swap3A_564, %swap3A_565, %swap3A_566] : memref<32x16x128xf32, #tpu.memory_space<vmem>>, vector<1x16x128xf32>
    %swap3A_568 = vector.shape_cast %swap3A_567 : vector<1x16x128xf32> to vector<16x128xf32>
    %swap3A_569 = vector.shape_cast %div3A_563 : vector<16x128xf32> to vector<1x16x128xf32>
    tpu.vector_store %arg3[%swap3A_564, %swap3A_565, %swap3A_566], %swap3A_569 {strides = array<i32>} : memref<32x16x128xf32, #tpu.memory_space<vmem>>, vector<1x16x128xf32>,
    %slice3A_570 = vector.extract_strided_slice %div3A_6 {offsets = [1536, 0], sizes = [64, 128], strides = [1, 1]} : vector<2048x128xf32> to vector<64x128xf32>
    %slice3A_571 = vector.extract_strided_slice %div3A_21 {offsets = [384, 0], sizes = [16, 128], strides = [1, 1]} : vector<512x128xf32> to vector<16x128xf32>
    %dot_general3A_572 = arith.constant dense<0.000000e+00> : vector<16x64xf32>
    %dot_general3A_573 = tpu.matmul %slice3A_571, %slice3A_570, %dot_general3A_572 {dimension_numbers = #tpu.dot_dimension_numbers<[1], [1], [0], [0], [0, 0, 1, 0], [], []>, transpose_lhs_hint = false} : vector<16x128xf32>, vector<64x128xf32>, vector<16x64xf32> -> vector<16x64xf32>
    %dot_general3A_574 = arith.constant dense<0.000000e+00> : vector<16x128xf32>
    %dot_general3A_575 = tpu.matmul %dot_general3A_573, %slice3A_570, %dot_general3A_574 {dimension_numbers = #tpu.dot_dimension_numbers<[1], [0], [0], [1], [0, 0, 1, 1], [], []>, transpose_lhs_hint = false} : vector<16x64xf32>, vector<64x128xf32>, vector<16x128xf32> -> vector<16x128xf32>
    %sub3A_576 = arith.subf %slice3A_571, %dot_general3A_575 : vector<16x128xf32>
    %mul3A_577 = arith.mulf %sub3A_576, %sub3A_576 : vector<16x128xf32>
    %reduce_sum3A_578 = arith.constant dense<0.000000e+00> : vector<16xf32>
    %reduce_sum3A_579 = vector.multi_reduction <add>, %mul3A_577, %reduce_sum3A_578 [1] : vector<16x128xf32> to vector<16xf32>
    %broadcast_in_dim3A_580 = vector.shape_cast %reduce_sum3A_579 : vector<16xf32> to vector<16x1xf32>
    %sqrt3A_581 = math.sqrt %broadcast_in_dim3A_580 : vector<16x1xf32>
    %add3A_582 = arith.constant 9.99999997E-7 : f32
    %add3A_583 = vector.broadcast %add3A_582 : f32 to vector<16x1xf32>
    %add3A_584 = arith.addf %sqrt3A_581, %add3A_583 : vector<16x1xf32>
    %div3A_585 = vector.broadcast %add3A_584 : vector<16x1xf32> to vector<16x128xf32>
    %div3A_586 = arith.divf %sub3A_576, %div3A_585 : vector<16x128xf32>
    %swap3A_587 = arith.constant 24 : index
    %swap3A_588 = arith.constant 0 : index
    %swap3A_589 = arith.constant 0 : index
    %swap3A_590 = vector.load %arg3[%swap3A_587, %swap3A_588, %swap3A_589] : memref<32x16x128xf32, #tpu.memory_space<vmem>>, vector<1x16x128xf32>
    %swap3A_591 = vector.shape_cast %swap3A_590 : vector<1x16x128xf32> to vector<16x128xf32>
    %swap3A_592 = vector.shape_cast %div3A_586 : vector<16x128xf32> to vector<1x16x128xf32>
    tpu.vector_store %arg3[%swap3A_587, %swap3A_588, %swap3A_589], %swap3A_592 {strides = array<i32>} : memref<32x16x128xf32, #tpu.memory_space<vmem>>, vector<1x16x128xf32>,
    %slice3A_593 = vector.extract_strided_slice %div3A_6 {offsets = [1600, 0], sizes = [64, 128], strides = [1, 1]} : vector<2048x128xf32> to vector<64x128xf32>
    %slice3A_594 = vector.extract_strided_slice %div3A_21 {offsets = [400, 0], sizes = [16, 128], strides = [1, 1]} : vector<512x128xf32> to vector<16x128xf32>
    %dot_general3A_595 = arith.constant dense<0.000000e+00> : vector<16x64xf32>
    %dot_general3A_596 = tpu.matmul %slice3A_594, %slice3A_593, %dot_general3A_595 {dimension_numbers = #tpu.dot_dimension_numbers<[1], [1], [0], [0], [0, 0, 1, 0], [], []>, transpose_lhs_hint = false} : vector<16x128xf32>, vector<64x128xf32>, vector<16x64xf32> -> vector<16x64xf32>
    %dot_general3A_597 = arith.constant dense<0.000000e+00> : vector<16x128xf32>
    %dot_general3A_598 = tpu.matmul %dot_general3A_596, %slice3A_593, %dot_general3A_597 {dimension_numbers = #tpu.dot_dimension_numbers<[1], [0], [0], [1], [0, 0, 1, 1], [], []>, transpose_lhs_hint = false} : vector<16x64xf32>, vector<64x128xf32>, vector<16x128xf32> -> vector<16x128xf32>
    %sub3A_599 = arith.subf %slice3A_594, %dot_general3A_598 : vector<16x128xf32>
    %mul3A_600 = arith.mulf %sub3A_599, %sub3A_599 : vector<16x128xf32>
    %reduce_sum3A_601 = arith.constant dense<0.000000e+00> : vector<16xf32>
    %reduce_sum3A_602 = vector.multi_reduction <add>, %mul3A_600, %reduce_sum3A_601 [1] : vector<16x128xf32> to vector<16xf32>
    %broadcast_in_dim3A_603 = vector.shape_cast %reduce_sum3A_602 : vector<16xf32> to vector<16x1xf32>
    %sqrt3A_604 = math.sqrt %broadcast_in_dim3A_603 : vector<16x1xf32>
    %add3A_605 = arith.constant 9.99999997E-7 : f32
    %add3A_606 = vector.broadcast %add3A_605 : f32 to vector<16x1xf32>
    %add3A_607 = arith.addf %sqrt3A_604, %add3A_606 : vector<16x1xf32>
    %div3A_608 = vector.broadcast %add3A_607 : vector<16x1xf32> to vector<16x128xf32>
    %div3A_609 = arith.divf %sub3A_599, %div3A_608 : vector<16x128xf32>
    %swap3A_610 = arith.constant 25 : index
    %swap3A_611 = arith.constant 0 : index
    %swap3A_612 = arith.constant 0 : index
    %swap3A_613 = vector.load %arg3[%swap3A_610, %swap3A_611, %swap3A_612] : memref<32x16x128xf32, #tpu.memory_space<vmem>>, vector<1x16x128xf32>
    %swap3A_614 = vector.shape_cast %swap3A_613 : vector<1x16x128xf32> to vector<16x128xf32>
    %swap3A_615 = vector.shape_cast %div3A_609 : vector<16x128xf32> to vector<1x16x128xf32>
    tpu.vector_store %arg3[%swap3A_610, %swap3A_611, %swap3A_612], %swap3A_615 {strides = array<i32>} : memref<32x16x128xf32, #tpu.memory_space<vmem>>, vector<1x16x128xf32>,
    %slice3A_616 = vector.extract_strided_slice %div3A_6 {offsets = [1664, 0], sizes = [64, 128], strides = [1, 1]} : vector<2048x128xf32> to vector<64x128xf32>
    %slice3A_617 = vector.extract_strided_slice %div3A_21 {offsets = [416, 0], sizes = [16, 128], strides = [1, 1]} : vector<512x128xf32> to vector<16x128xf32>
    %dot_general3A_618 = arith.constant dense<0.000000e+00> : vector<16x64xf32>
    %dot_general3A_619 = tpu.matmul %slice3A_617, %slice3A_616, %dot_general3A_618 {dimension_numbers = #tpu.dot_dimension_numbers<[1], [1], [0], [0], [0, 0, 1, 0], [], []>, transpose_lhs_hint = false} : vector<16x128xf32>, vector<64x128xf32>, vector<16x64xf32> -> vector<16x64xf32>
    %dot_general3A_620 = arith.constant dense<0.000000e+00> : vector<16x128xf32>
    %dot_general3A_621 = tpu.matmul %dot_general3A_619, %slice3A_616, %dot_general3A_620 {dimension_numbers = #tpu.dot_dimension_numbers<[1], [0], [0], [1], [0, 0, 1, 1], [], []>, transpose_lhs_hint = false} : vector<16x64xf32>, vector<64x128xf32>, vector<16x128xf32> -> vector<16x128xf32>
    %sub3A_622 = arith.subf %slice3A_617, %dot_general3A_621 : vector<16x128xf32>
    %mul3A_623 = arith.mulf %sub3A_622, %sub3A_622 : vector<16x128xf32>
    %reduce_sum3A_624 = arith.constant dense<0.000000e+00> : vector<16xf32>
    %reduce_sum3A_625 = vector.multi_reduction <add>, %mul3A_623, %reduce_sum3A_624 [1] : vector<16x128xf32> to vector<16xf32>
    %broadcast_in_dim3A_626 = vector.shape_cast %reduce_sum3A_625 : vector<16xf32> to vector<16x1xf32>
    %sqrt3A_627 = math.sqrt %broadcast_in_dim3A_626 : vector<16x1xf32>
    %add3A_628 = arith.constant 9.99999997E-7 : f32
    %add3A_629 = vector.broadcast %add3A_628 : f32 to vector<16x1xf32>
    %add3A_630 = arith.addf %sqrt3A_627, %add3A_629 : vector<16x1xf32>
    %div3A_631 = vector.broadcast %add3A_630 : vector<16x1xf32> to vector<16x128xf32>
    %div3A_632 = arith.divf %sub3A_622, %div3A_631 : vector<16x128xf32>
    %swap3A_633 = arith.constant 26 : index
    %swap3A_634 = arith.constant 0 : index
    %swap3A_635 = arith.constant 0 : index
    %swap3A_636 = vector.load %arg3[%swap3A_633, %swap3A_634, %swap3A_635] : memref<32x16x128xf32, #tpu.memory_space<vmem>>, vector<1x16x128xf32>
    %swap3A_637 = vector.shape_cast %swap3A_636 : vector<1x16x128xf32> to vector<16x128xf32>
    %swap3A_638 = vector.shape_cast %div3A_632 : vector<16x128xf32> to vector<1x16x128xf32>
    tpu.vector_store %arg3[%swap3A_633, %swap3A_634, %swap3A_635], %swap3A_638 {strides = array<i32>} : memref<32x16x128xf32, #tpu.memory_space<vmem>>, vector<1x16x128xf32>,
    %slice3A_639 = vector.extract_strided_slice %div3A_6 {offsets = [1728, 0], sizes = [64, 128], strides = [1, 1]} : vector<2048x128xf32> to vector<64x128xf32>
    %slice3A_640 = vector.extract_strided_slice %div3A_21 {offsets = [432, 0], sizes = [16, 128], strides = [1, 1]} : vector<512x128xf32> to vector<16x128xf32>
    %dot_general3A_641 = arith.constant dense<0.000000e+00> : vector<16x64xf32>
    %dot_general3A_642 = tpu.matmul %slice3A_640, %slice3A_639, %dot_general3A_641 {dimension_numbers = #tpu.dot_dimension_numbers<[1], [1], [0], [0], [0, 0, 1, 0], [], []>, transpose_lhs_hint = false} : vector<16x128xf32>, vector<64x128xf32>, vector<16x64xf32> -> vector<16x64xf32>
    %dot_general3A_643 = arith.constant dense<0.000000e+00> : vector<16x128xf32>
    %dot_general3A_644 = tpu.matmul %dot_general3A_642, %slice3A_639, %dot_general3A_643 {dimension_numbers = #tpu.dot_dimension_numbers<[1], [0], [0], [1], [0, 0, 1, 1], [], []>, transpose_lhs_hint = false} : vector<16x64xf32>, vector<64x128xf32>, vector<16x128xf32> -> vector<16x128xf32>
    %sub3A_645 = arith.subf %slice3A_640, %dot_general3A_644 : vector<16x128xf32>
    %mul3A_646 = arith.mulf %sub3A_645, %sub3A_645 : vector<16x128xf32>
    %reduce_sum3A_647 = arith.constant dense<0.000000e+00> : vector<16xf32>
    %reduce_sum3A_648 = vector.multi_reduction <add>, %mul3A_646, %reduce_sum3A_647 [1] : vector<16x128xf32> to vector<16xf32>
    %broadcast_in_dim3A_649 = vector.shape_cast %reduce_sum3A_648 : vector<16xf32> to vector<16x1xf32>
    %sqrt3A_650 = math.sqrt %broadcast_in_dim3A_649 : vector<16x1xf32>
    %add3A_651 = arith.constant 9.99999997E-7 : f32
    %add3A_652 = vector.broadcast %add3A_651 : f32 to vector<16x1xf32>
    %add3A_653 = arith.addf %sqrt3A_650, %add3A_652 : vector<16x1xf32>
    %div3A_654 = vector.broadcast %add3A_653 : vector<16x1xf32> to vector<16x128xf32>
    %div3A_655 = arith.divf %sub3A_645, %div3A_654 : vector<16x128xf32>
    %swap3A_656 = arith.constant 27 : index
    %swap3A_657 = arith.constant 0 : index
    %swap3A_658 = arith.constant 0 : index
    %swap3A_659 = vector.load %arg3[%swap3A_656, %swap3A_657, %swap3A_658] : memref<32x16x128xf32, #tpu.memory_space<vmem>>, vector<1x16x128xf32>
    %swap3A_660 = vector.shape_cast %swap3A_659 : vector<1x16x128xf32> to vector<16x128xf32>
    %swap3A_661 = vector.shape_cast %div3A_655 : vector<16x128xf32> to vector<1x16x128xf32>
    tpu.vector_store %arg3[%swap3A_656, %swap3A_657, %swap3A_658], %swap3A_661 {strides = array<i32>} : memref<32x16x128xf32, #tpu.memory_space<vmem>>, vector<1x16x128xf32>,
    %slice3A_662 = vector.extract_strided_slice %div3A_6 {offsets = [1792, 0], sizes = [64, 128], strides = [1, 1]} : vector<2048x128xf32> to vector<64x128xf32>
    %slice3A_663 = vector.extract_strided_slice %div3A_21 {offsets = [448, 0], sizes = [16, 128], strides = [1, 1]} : vector<512x128xf32> to vector<16x128xf32>
    %dot_general3A_664 = arith.constant dense<0.000000e+00> : vector<16x64xf32>
    %dot_general3A_665 = tpu.matmul %slice3A_663, %slice3A_662, %dot_general3A_664 {dimension_numbers = #tpu.dot_dimension_numbers<[1], [1], [0], [0], [0, 0, 1, 0], [], []>, transpose_lhs_hint = false} : vector<16x128xf32>, vector<64x128xf32>, vector<16x64xf32> -> vector<16x64xf32>
    %dot_general3A_666 = arith.constant dense<0.000000e+00> : vector<16x128xf32>
    %dot_general3A_667 = tpu.matmul %dot_general3A_665, %slice3A_662, %dot_general3A_666 {dimension_numbers = #tpu.dot_dimension_numbers<[1], [0], [0], [1], [0, 0, 1, 1], [], []>, transpose_lhs_hint = false} : vector<16x64xf32>, vector<64x128xf32>, vector<16x128xf32> -> vector<16x128xf32>
    %sub3A_668 = arith.subf %slice3A_663, %dot_general3A_667 : vector<16x128xf32>
    %mul3A_669 = arith.mulf %sub3A_668, %sub3A_668 : vector<16x128xf32>
    %reduce_sum3A_670 = arith.constant dense<0.000000e+00> : vector<16xf32>
    %reduce_sum3A_671 = vector.multi_reduction <add>, %mul3A_669, %reduce_sum3A_670 [1] : vector<16x128xf32> to vector<16xf32>
    %broadcast_in_dim3A_672 = vector.shape_cast %reduce_sum3A_671 : vector<16xf32> to vector<16x1xf32>
    %sqrt3A_673 = math.sqrt %broadcast_in_dim3A_672 : vector<16x1xf32>
    %add3A_674 = arith.constant 9.99999997E-7 : f32
    %add3A_675 = vector.broadcast %add3A_674 : f32 to vector<16x1xf32>
    %add3A_676 = arith.addf %sqrt3A_673, %add3A_675 : vector<16x1xf32>
    %div3A_677 = vector.broadcast %add3A_676 : vector<16x1xf32> to vector<16x128xf32>
    %div3A_678 = arith.divf %sub3A_668, %div3A_677 : vector<16x128xf32>
    %swap3A_679 = arith.constant 28 : index
    %swap3A_680 = arith.constant 0 : index
    %swap3A_681 = arith.constant 0 : index
    %swap3A_682 = vector.load %arg3[%swap3A_679, %swap3A_680, %swap3A_681] : memref<32x16x128xf32, #tpu.memory_space<vmem>>, vector<1x16x128xf32>
    %swap3A_683 = vector.shape_cast %swap3A_682 : vector<1x16x128xf32> to vector<16x128xf32>
    %swap3A_684 = vector.shape_cast %div3A_678 : vector<16x128xf32> to vector<1x16x128xf32>
    tpu.vector_store %arg3[%swap3A_679, %swap3A_680, %swap3A_681], %swap3A_684 {strides = array<i32>} : memref<32x16x128xf32, #tpu.memory_space<vmem>>, vector<1x16x128xf32>,
    %slice3A_685 = vector.extract_strided_slice %div3A_6 {offsets = [1856, 0], sizes = [64, 128], strides = [1, 1]} : vector<2048x128xf32> to vector<64x128xf32>
    %slice3A_686 = vector.extract_strided_slice %div3A_21 {offsets = [464, 0], sizes = [16, 128], strides = [1, 1]} : vector<512x128xf32> to vector<16x128xf32>
    %dot_general3A_687 = arith.constant dense<0.000000e+00> : vector<16x64xf32>
    %dot_general3A_688 = tpu.matmul %slice3A_686, %slice3A_685, %dot_general3A_687 {dimension_numbers = #tpu.dot_dimension_numbers<[1], [1], [0], [0], [0, 0, 1, 0], [], []>, transpose_lhs_hint = false} : vector<16x128xf32>, vector<64x128xf32>, vector<16x64xf32> -> vector<16x64xf32>
    %dot_general3A_689 = arith.constant dense<0.000000e+00> : vector<16x128xf32>
    %dot_general3A_690 = tpu.matmul %dot_general3A_688, %slice3A_685, %dot_general3A_689 {dimension_numbers = #tpu.dot_dimension_numbers<[1], [0], [0], [1], [0, 0, 1, 1], [], []>, transpose_lhs_hint = false} : vector<16x64xf32>, vector<64x128xf32>, vector<16x128xf32> -> vector<16x128xf32>
    %sub3A_691 = arith.subf %slice3A_686, %dot_general3A_690 : vector<16x128xf32>
    %mul3A_692 = arith.mulf %sub3A_691, %sub3A_691 : vector<16x128xf32>
    %reduce_sum3A_693 = arith.constant dense<0.000000e+00> : vector<16xf32>
    %reduce_sum3A_694 = vector.multi_reduction <add>, %mul3A_692, %reduce_sum3A_693 [1] : vector<16x128xf32> to vector<16xf32>
    %broadcast_in_dim3A_695 = vector.shape_cast %reduce_sum3A_694 : vector<16xf32> to vector<16x1xf32>
    %sqrt3A_696 = math.sqrt %broadcast_in_dim3A_695 : vector<16x1xf32>
    %add3A_697 = arith.constant 9.99999997E-7 : f32
    %add3A_698 = vector.broadcast %add3A_697 : f32 to vector<16x1xf32>
    %add3A_699 = arith.addf %sqrt3A_696, %add3A_698 : vector<16x1xf32>
    %div3A_700 = vector.broadcast %add3A_699 : vector<16x1xf32> to vector<16x128xf32>
    %div3A_701 = arith.divf %sub3A_691, %div3A_700 : vector<16x128xf32>
    %swap3A_702 = arith.constant 29 : index
    %swap3A_703 = arith.constant 0 : index
    %swap3A_704 = arith.constant 0 : index
    %swap3A_705 = vector.load %arg3[%swap3A_702, %swap3A_703, %swap3A_704] : memref<32x16x128xf32, #tpu.memory_space<vmem>>, vector<1x16x128xf32>
    %swap3A_706 = vector.shape_cast %swap3A_705 : vector<1x16x128xf32> to vector<16x128xf32>
    %swap3A_707 = vector.shape_cast %div3A_701 : vector<16x128xf32> to vector<1x16x128xf32>
    tpu.vector_store %arg3[%swap3A_702, %swap3A_703, %swap3A_704], %swap3A_707 {strides = array<i32>} : memref<32x16x128xf32, #tpu.memory_space<vmem>>, vector<1x16x128xf32>,
    %slice3A_708 = vector.extract_strided_slice %div3A_6 {offsets = [1920, 0], sizes = [64, 128], strides = [1, 1]} : vector<2048x128xf32> to vector<64x128xf32>
    %slice3A_709 = vector.extract_strided_slice %div3A_21 {offsets = [480, 0], sizes = [16, 128], strides = [1, 1]} : vector<512x128xf32> to vector<16x128xf32>
    %dot_general3A_710 = arith.constant dense<0.000000e+00> : vector<16x64xf32>
    %dot_general3A_711 = tpu.matmul %slice3A_709, %slice3A_708, %dot_general3A_710 {dimension_numbers = #tpu.dot_dimension_numbers<[1], [1], [0], [0], [0, 0, 1, 0], [], []>, transpose_lhs_hint = false} : vector<16x128xf32>, vector<64x128xf32>, vector<16x64xf32> -> vector<16x64xf32>
    %dot_general3A_712 = arith.constant dense<0.000000e+00> : vector<16x128xf32>
    %dot_general3A_713 = tpu.matmul %dot_general3A_711, %slice3A_708, %dot_general3A_712 {dimension_numbers = #tpu.dot_dimension_numbers<[1], [0], [0], [1], [0, 0, 1, 1], [], []>, transpose_lhs_hint = false} : vector<16x64xf32>, vector<64x128xf32>, vector<16x128xf32> -> vector<16x128xf32>
    %sub3A_714 = arith.subf %slice3A_709, %dot_general3A_713 : vector<16x128xf32>
    %mul3A_715 = arith.mulf %sub3A_714, %sub3A_714 : vector<16x128xf32>
    %reduce_sum3A_716 = arith.constant dense<0.000000e+00> : vector<16xf32>
    %reduce_sum3A_717 = vector.multi_reduction <add>, %mul3A_715, %reduce_sum3A_716 [1] : vector<16x128xf32> to vector<16xf32>
    %broadcast_in_dim3A_718 = vector.shape_cast %reduce_sum3A_717 : vector<16xf32> to vector<16x1xf32>
    %sqrt3A_719 = math.sqrt %broadcast_in_dim3A_718 : vector<16x1xf32>
    %add3A_720 = arith.constant 9.99999997E-7 : f32
    %add3A_721 = vector.broadcast %add3A_720 : f32 to vector<16x1xf32>
    %add3A_722 = arith.addf %sqrt3A_719, %add3A_721 : vector<16x1xf32>
    %div3A_723 = vector.broadcast %add3A_722 : vector<16x1xf32> to vector<16x128xf32>
    %div3A_724 = arith.divf %sub3A_714, %div3A_723 : vector<16x128xf32>
    %swap3A_725 = arith.constant 30 : index
    %swap3A_726 = arith.constant 0 : index
    %swap3A_727 = arith.constant 0 : index
    %swap3A_728 = vector.load %arg3[%swap3A_725, %swap3A_726, %swap3A_727] : memref<32x16x128xf32, #tpu.memory_space<vmem>>, vector<1x16x128xf32>
    %swap3A_729 = vector.shape_cast %swap3A_728 : vector<1x16x128xf32> to vector<16x128xf32>
    %swap3A_730 = vector.shape_cast %div3A_724 : vector<16x128xf32> to vector<1x16x128xf32>
    tpu.vector_store %arg3[%swap3A_725, %swap3A_726, %swap3A_727], %swap3A_730 {strides = array<i32>} : memref<32x16x128xf32, #tpu.memory_space<vmem>>, vector<1x16x128xf32>,
    %slice3A_731 = vector.extract_strided_slice %div3A_6 {offsets = [1984, 0], sizes = [64, 128], strides = [1, 1]} : vector<2048x128xf32> to vector<64x128xf32>
    %slice3A_732 = vector.extract_strided_slice %div3A_21 {offsets = [496, 0], sizes = [16, 128], strides = [1, 1]} : vector<512x128xf32> to vector<16x128xf32>
    %dot_general3A_733 = arith.constant dense<0.000000e+00> : vector<16x64xf32>
    %dot_general3A_734 = tpu.matmul %slice3A_732, %slice3A_731, %dot_general3A_733 {dimension_numbers = #tpu.dot_dimension_numbers<[1], [1], [0], [0], [0, 0, 1, 0], [], []>, transpose_lhs_hint = false} : vector<16x128xf32>, vector<64x128xf32>, vector<16x64xf32> -> vector<16x64xf32>
    %dot_general3A_735 = arith.constant dense<0.000000e+00> : vector<16x128xf32>
    %dot_general3A_736 = tpu.matmul %dot_general3A_734, %slice3A_731, %dot_general3A_735 {dimension_numbers = #tpu.dot_dimension_numbers<[1], [0], [0], [1], [0, 0, 1, 1], [], []>, transpose_lhs_hint = false} : vector<16x64xf32>, vector<64x128xf32>, vector<16x128xf32> -> vector<16x128xf32>
    %sub3A_737 = arith.subf %slice3A_732, %dot_general3A_736 : vector<16x128xf32>
    %mul3A_738 = arith.mulf %sub3A_737, %sub3A_737 : vector<16x128xf32>
    %reduce_sum3A_739 = arith.constant dense<0.000000e+00> : vector<16xf32>
    %reduce_sum3A_740 = vector.multi_reduction <add>, %mul3A_738, %reduce_sum3A_739 [1] : vector<16x128xf32> to vector<16xf32>
    %broadcast_in_dim3A_741 = vector.shape_cast %reduce_sum3A_740 : vector<16xf32> to vector<16x1xf32>
    %sqrt3A_742 = math.sqrt %broadcast_in_dim3A_741 : vector<16x1xf32>
    %add3A_743 = arith.constant 9.99999997E-7 : f32
    %add3A_744 = vector.broadcast %add3A_743 : f32 to vector<16x1xf32>
    %add3A_745 = arith.addf %sqrt3A_742, %add3A_744 : vector<16x1xf32>
    %div3A_746 = vector.broadcast %add3A_745 : vector<16x1xf32> to vector<16x128xf32>
    %div3A_747 = arith.divf %sub3A_737, %div3A_746 : vector<16x128xf32>
    %swap3A_748 = arith.constant 31 : index
    %swap3A_749 = arith.constant 0 : index
    %swap3A_750 = arith.constant 0 : index
    %swap3A_751 = vector.load %arg3[%swap3A_748, %swap3A_749, %swap3A_750] : memref<32x16x128xf32, #tpu.memory_space<vmem>>, vector<1x16x128xf32>
    %swap3A_752 = vector.shape_cast %swap3A_751 : vector<1x16x128xf32> to vector<16x128xf32>
    %swap3A_753 = vector.shape_cast %div3A_747 : vector<16x128xf32> to vector<1x16x128xf32>
    tpu.vector_store %arg3[%swap3A_748, %swap3A_749, %swap3A_750], %swap3A_753 {strides = array<i32>} : memref<32x16x128xf32, #tpu.memory_space<vmem>>, vector<1x16x128xf32>,
    %get3A_754 = arith.constant 0 : index
    %get3A_755 = arith.constant 0 : index
    %get3A_756 = vector.load %arg2[%get3A_754, %get3A_755] : memref<32x16xf32, #tpu.memory_space<vmem>>, vector<32x16xf32>
    %slice3A_757 = vector.extract_strided_slice %get3A_756 {offsets = [0, 0], sizes = [32, 1], strides = [1, 1]} : vector<32x16xf32> to vector<32x1xf32>
    %reduce_sum3A_758 = vector.shape_cast %slice3A_757 : vector<32x1xf32> to vector<1x32x1xf32>
    %reduce_sum3A_759 = arith.constant dense<0.000000e+00> : vector<1xf32>
    %reduce_sum3A_760 = vector.multi_reduction <add>, %reduce_sum3A_758, %reduce_sum3A_759 [1, 2] : vector<1x32x1xf32> to vector<1xf32>
    %reduce_sum3A_761 = vector.shape_cast %reduce_sum3A_760 : vector<1xf32> to vector<1x1x1xf32>
    %reduce_sum3A_762 = vector.extract %reduce_sum3A_761[0, 0, 0] : f32 from vector<1x1x1xf32>
    %div3A_763 = arith.constant 1.310720e+05 : f32
    %div3A_764 = arith.divf %reduce_sum3A_762, %div3A_763 : f32
    %reshape3A_765 = vector.broadcast %div3A_764 : f32 to vector<1x1xf32>
    %swap3A_766 = arith.constant 0 : index
    %swap3A_767 = arith.constant 0 : index
    %swap3A_768 = vector.load %arg4[%swap3A_766, %swap3A_767] : memref<1x1xf32, #tpu.memory_space<vmem>>, vector<1x1xf32>
    tpu.vector_store %arg4[%swap3A_766, %swap3A_767], %reshape3A_765 {strides = array<i32>} : memref<1x1xf32, #tpu.memory_space<vmem>>, vector<1x1xf32>,
    return
  }
}

</mosaic_0001>

<sc_bundles>
// kernel: kernel.5.cloned.1.call-start
scs
__scs_entry_jumppad:
0x0: {  	(pc) =	sbr.rel $0x88, $3  }
0x1: {  	(tag) =	ssettag $0x0;
	lr =	simm.s32 $0x1  }
0x2: {  	[smem:$0x3F9F] =	sst lr;
	_ =	strace $0xD0000000  }
0x3: {  	_ = 	snop  }
0x4: {  	_ = 	snop  }
0x5: {  	_ = 	snop  }
0x6: {  	_ = 	snop  }
0x7: {  	_ = 	snop  }
__scs_overlays_trampoline_lowered:
0x8: {  	[smem:$0x3FAE] =	sst s0  }
0x9: {  	[smem:$0x3FAF] =	sst s1  }
0xa: {  	[smem:$0x3FB0] =	sst s2  }
0xb: {  	[smem:$0x3FB1] =	sst s3  }
0xc: {  	[smem:$0x3FB2] =	sst s4  }
0xd: {  	[smem:$0x3FB3] =	sst s5  }
0xe: {  	[smem:$0x3FB4] =	sst s6  }
0xf: {  	[smem:$0x3FB5] =	sst s7  }
0x10: {  	[smem:$0x3FB6] =	sst s8  }
0x11: {  	[smem:$0x3FB7] =	sst s9;
	s0 =	simm.s32 @!p0 $0x0  }
0x12: {  	s1 =	sld [smem:$0x3F9D];
	s0 =	simm.s32 @p0 $0x1  }
0x13: {  	[smem:$0x3FB8] =	sst s0;
	s0 =	simm.s32 @!p1 $0x0  }
0x14: {  	s2 =	sld [smem:$0x3F9C];
	s0 =	simm.s32 @p1 $0x1  }
0x15: {  	[smem:$0x3FB9] =	sst s0;
	s0 =	simm.s32 @!p2 $0x0  }
0x16: {  	s3 =	sld [smem:$0x3FDB];
	s0 =	simm.s32 @p2 $0x1  }
0x17: {  	s4 =	simm.s32 $0x1BF5;
	[smem:$0x3FBB] =	sst s0  }
0x18: {  	s0 =	sld [smem:$0x3F9E];
	_ =	swait.ge [sflag:s4], $0x0  }
0x19: {  	s7 =	sld [smem:$0x3F9F]  }
0x1a: {  	s8 =	sadd.s32 $0xFFFFE003, lr  }
0x1b: {  	s9 =	sadd.s32 $0xFFFFFEF7, lr;
	s5 =	simm.s32 $0xFFFFFFFF;
	p2 =	slt.u32 s8, $0xFFFFF086  }
0x1c: {  	p1 =	slt.u32 s9, $0xF7A;
	s5 =	simm.s32 @!p2 $0x0  }
0x1d: {  	s5 =	simm.s32 @p1 $0x1;
	p0 =	seq.s32 s7, s2  }
0x1e: {  	s7 =	smul.u32 @!p0 $0xF7A, s2;
	p2 =	seq.s32 @!p0 s5, $0x0  }
0x1f: {  	s9 =	smul.u32 $0xF7A, s1;
	s8 =	simm.s32 @!p0 $0x1BF5;
	p2 =	por !p2, p0  }
0x20: {  	[sflag:s8] =	ssyncset.s32 @!p0 $0xFFFFF086;
	s6 =	sadd.s32 @!p0 s3, s7;
	s7 =	simm.s32 @!p0 $0x108  }
0x21: {  	s3 =	sadd.s32 s3, s9;
	s6 =	sadd.s32 @!p0 $0x88, s6;
	s7 =	simm.s32 @p2 $0x1082  }
0x22: {  	[simem:s7], [sflag:s8] =	dma.local @!p0 [hbm:s6], $0xF7A  }
0x23: {  	s9 =	sor.u32 $0xD0000000, s2;
	s6 =	simm.s32 $0x108;
	_ =	swait.ge @!p0 [sflag:s8], $0x0  }
0x24: {  	s3 =	sadd.s32 $0x88, s3;
	s6 =	simm.s32 @!p1 $0x1082;
	[sflag:s4] =	ssyncset.s32 $0xFFFFF086  }
0x25: {  	[simem:s6], [sflag:s4] =	dma.local [hbm:s3], $0xF7A  }
0x26: {  	[smem:$0x3F9F] =	sst s1;
	(tag) =	ssettag s2;
	_ =	strace s9  }
0x27: {  	s1 =	sld [smem:$0x3FAF]  }
0x28: {  	s2 =	sld [smem:$0x3FB0]  }
0x29: {  	s4 =	sld [smem:$0x3FB2]  }
0x2a: {  	p0 =	seq.s32 s5, $0x0;
	s5 =	sld [smem:$0x3FB3]  }
0x2b: {  	s6 =	sld [smem:$0x3FB4]  }
0x2c: {  	s7 =	sld [smem:$0x3FB5]  }
0x2d: {  	s3 =	simm.s32 $0x108;
	s8 =	sld [smem:$0x3FB6]  }
0x2e: {  	s3 =	simm.s32 @!p0 $0x1082;
	s9 =	sld [smem:$0x3FB7]  }
0x2f: {  	lr =	sadd.s32 s0, s3;
	s0 =	sld [smem:$0x3FAE]  }
0x30: {  	s3 =	sld [smem:$0x3FB1]  }
0x31: {  	[smem:$0x3FBA] =	sst s10  }
0x32: {  	s10 =	sld [smem:$0x3FB8];
	_ =	sdelay $0x3  }
0x33: {  	p0 =	seq.s32 s10, $0x1;
	s10 =	sld [smem:$0x3FBA];
	_ =	sdelay $0x3  }
0x34: {  	[smem:$0x3FBA] =	sst s10  }
0x35: {  	s10 =	sld [smem:$0x3FB9];
	_ =	sdelay $0x3  }
0x36: {  	p1 =	seq.s32 s10, $0x1;
	s10 =	sld [smem:$0x3FBA];
	_ =	sdelay $0x3  }
0x37: {  	[smem:$0x3FBA] =	sst s10  }
0x38: {  	s10 =	sld [smem:$0x3FBB]  }
0x39: {  	_ = 	snop;
	(pc) =	sbr.ind lr, $3  }
0x3a: {  	_ = 	snop  }
0x3b: {  	_ = 	snop  }
0x3c: {  	p2 =	seq.s32 s10, $0x1;
	s10 =	sld [smem:$0x3FBA]  }
0x3d: {  	_ =	shalt  }
0x3e: {  	_ =	shalt  }
0x3f: {  	_ =	shalt  }
0x40: {  	_ =	shalt  }
0x41: {  	_ =	shalt  }
0x42: {  	_ =	shalt  }
0x43: {  	_ =	shalt  }
0x44: {  	_ =	shalt  }
0x45: {  	_ =	shalt  }
0x46: {  	_ =	shalt  }
0x47: {  	_ =	shalt  }
0x48: {  	_ =	shalt  }
0x49: {  	_ =	shalt  }
0x4a: {  	_ =	shalt  }
0x4b: {  	_ =	shalt  }
0x4c: {  	_ =	shalt  }
0x4d: {  	_ =	shalt  }
0x4e: {  	_ =	shalt  }
0x4f: {  	_ =	shalt  }
0x50: {  	_ =	shalt  }
0x51: {  	_ =	shalt  }
0x52: {  	_ =	shalt  }
0x53: {  	_ =	shalt  }
0x54: {  	_ =	shalt  }
0x55: {  	_ =	shalt  }
0x56: {  	_ =	shalt  }
0x57: {  	_ =	shalt  }
0x58: {  	_ =	shalt  }
0x59: {  	_ =	shalt  }
0x5a: {  	_ =	shalt  }
0x5b: {  	_ =	shalt  }
0x5c: {  	_ =	shalt  }
0x5d: {  	_ =	shalt  }
0x5e: {  	_ =	shalt  }
0x5f: {  	_ =	shalt  }
0x60: {  	_ =	shalt  }
0x61: {  	_ =	shalt  }
0x62: {  	_ =	shalt  }
0x63: {  	_ =	shalt  }
0x64: {  	_ =	shalt  }
0x65: {  	_ =	shalt  }
0x66: {  	_ =	shalt  }
0x67: {  	_ =	shalt  }
0x68: {  	_ =	shalt  }
0x69: {  	_ =	shalt  }
0x6a: {  	_ =	shalt  }
0x6b: {  	_ =	shalt  }
0x6c: {  	_ =	shalt  }
0x6d: {  	_ =	shalt  }
0x6e: {  	_ =	shalt  }
0x6f: {  	_ =	shalt  }
0x70: {  	_ =	shalt  }
0x71: {  	_ =	shalt  }
0x72: {  	_ =	shalt  }
0x73: {  	_ =	shalt  }
0x74: {  	_ =	shalt  }
0x75: {  	_ =	shalt  }
0x76: {  	_ =	shalt  }
0x77: {  	_ =	shalt  }
0x78: {  	_ =	shalt  }
0x79: {  	_ =	shalt  }
0x7a: {  	_ =	shalt  }
0x7b: {  	_ =	shalt  }
0x7c: {  	_ =	shalt  }
0x7d: {  	_ =	shalt  }
0x7e: {  	_ =	shalt  }
0x7f: {  	_ =	shalt  }
0x80: {  	_ =	shalt  }
0x81: {  	_ =	shalt  }
0x82: {  	_ =	shalt  }
0x83: {  	_ =	shalt  }
0x84: {  	_ =	shalt  }
0x85: {  	_ =	shalt  }
0x86: {  	_ =	shalt  }
0x87: {  	_ =	shalt  }
.Lfunc_end0:
.L_simem_size_0:
called_computation_lowered:
.L_overlay_start_0:
0x88: {  	s2 =	sld [smem:$0x3FD9]  }
0x89: {  	s3 =	sld [smem:$0x3FFE];
	_ =	sdelay $0x1  }
0x8a: {  	s1 =	srdreg.scid  }
0x8b: {  	s0 =	sand.u32 $0x1, s1  }
0x8c: {  	s14 =	sshll.u32 s0, $0xA;
	s2 =	sadd.s32 s3, s2  }
0x8d: {  	s2 =	sadd.s32 s2, s14  }
0x8e: {  	[smem:$0x3FC6] =	sst s2  }
0x8f: {  	_ = 	snop  }
0x90: {  	s2 =	sld [smem:$0x3FD0];
	_ =	sdelay $0x2  }
0x91: {  	s4 =	simm.s32 $0xA;
	s5 =	simm.s32 $0x10;
	s15 =	sld [smem:$0x3FC9]  }
0x92: {  	[smem:s5], [sflag:s4] =	dma.local [hbm:s2], $0x1  }
0x93: {  	_ =	swait.eq [sflag:s4], $0x1  }
0x94: {  	[sflag:s4] =	ssyncset.done $0x0  }
0x95: {  	[sflag:s4] =	ssyncadd.s32 $0xFFFFFFFF  }
0x96: {  	s16 =	sld [smem:$0x10];
	(tm) =	ssettm $0x1  }
0x97: {  	s17 =	sld [smem:$0x3FFB];
	_ =	sdelay $0x3  }
0x98: {  	_ =	strace s17  }
0x99: {  	s4 =	sld [smem:$0x3FFC];
	_ =	sdelay $0x3  }
0x9a: {  	_ =	strace s4  }
0x9b: {  	s4 =	sld [smem:$0x3FFD];
	_ =	sdelay $0x3  }
0x9c: {  	_ =	strace s4  }
0x9d: {  	_ =	strace $0x8FFFFFFF  }
0x9e: {  	s18 =	sld [smem:$0x3FDB];
	_ =	sdelay $0x1  }
0x9f: {  	s19 =	simm.s32 $_scs_section_size  }
0xa0: {  	s6 =	simm.s32 $_size__tile_overlayer_lowered;
	s7 =	simm.s32 $_tile_overlayer_lowered  }
0xa1: {  	s22 =	simm.s32 $0x1BFF;
	s21 =	sshll.u32 s7, $0x1;
	s4 =	sadd.s32 s19, s18  }
0xa2: {  	s8 =	simm.s32 $0x0;
	s20 =	sshll.u32 s6, $0x1;
	s6 =	sadd.s32 s21, s4  }
0xa3: {  	[timem:s8], [sflag:s22] =	dma.local [hbm:s6], s20  }
0xa4: {  	_ =	swait.ge [sflag:s22], s20  }
0xa5: {  	s5 =	ssub.s32 $0x0, s20;
	[sflag:s22] =	ssyncset.done $0x0  }
0xa6: {  	[sflag:s22] =	ssyncadd.s32 s5;
	_ =	sdelay $0x1  }
0xa7: {  	s23 =	simm.s32 $0x1B8B  }
0xa8: {  	_ =	swait.ge [sflag:s23], $0x1  }
0xa9: {  	[sflag:s23] =	ssyncset.done $0x0  }
0xaa: {  	s25 =	simm.s32 $0x1B8E;
	s24 =	sld [smem:$0x3FFE];
	[sflag:s23] =	ssyncadd.s32 $0xFFFFFFFF  }
0xab: {  	s26 =	simm.s32 $execute0_lowered;
	[smem:$0x3FD2] =	sst s25  }
0xac: {  	s6 =	sshll.u32 s26, $0x1;
	_ =	strace $0x80000046;
	[dreg:$0x1] =	wrdreg $0xFFFFFFFF  }
0xad: {  	s28 =	simm.s32 $_size_execute0_lowered;
	s4 =	sadd.s32 s4, s6;
	[dreg:$0x0] =	wrdreg $0x0  }
0xae: {  	s6 =	sshll.u32 s28, $0x1;
	[dreg:$0x2] =	wrdreg s4  }
0xaf: {  	[dreg:$0x3] =	wrdreg s6  }
0xb0: {  	[dreg:$0x4] =	wrdreg $0xC0  }
0xb1: {  	_ =	task [dreg:s8], $0x5FFFF  }
0xb2: {  	[dreg:$0x1] =	wrdreg $0xFFFFFFFF  }
0xb3: {  	[dreg:$0x0] =	wrdreg $0x60  }
0xb4: {  	[dreg:$0x2] =	wrdreg s24  }
0xb5: {  	[dreg:$0x3] =	wrdreg s15  }
0xb6: {  	[dreg:$0x4] =	wrdreg s16  }
0xb7: {  	[dreg:$0x5] =	wrdreg $0x9  }
0xb8: {  	_ =	task.clear_ibuf [dreg:s8], $0x6FFFF;
	_ =	strace $0x90000046  }
0xb9: {  	s29 =	simm.s32 $0x9;
	_ =	strace $0x80000048  }
0xba: {  	_ =	swait.ge [sflag:s29], $0x1  }
0xbb: {  	[sflag:s29] =	ssyncadd.s32 $0xFFFFFFFF  }
0xbc: {  	_ =	strace $0x90000048  }
0xbd: {  	_ =	sfence  }
0xbe: {  	s30 =	sld [smem:$0x0];
	_ =	sdelay $0x2  }
0xbf: {  	s31 =	sshll.u32 s1, $0xD;
	s1 =	sshrl.u32 s1, $0x2  }
0xc0: {  	s3 =	sand.u32 $0x4000, s31;
	s1 =	sadd.s32 s1, s30  }
0xc1: {  	s0 =	sor.u32 s3, s0;
	s1 =	sshll.u32 s1, $0x11  }
0xc2: {  	s0 =	sor.u32 s1, s0  }
0xc3: {  	s0 =	sadd.s32 $0x8F2B, s0  }
0xc4: {  	[sflag:s0] =	ssyncadd.remote.s32 $0x1  }
0xc5: {  	_ =	sfence.sel $0xFFFF  }
0xc6: {  	[dreg:$0x0] =	wrdreg $0xFFFFFFFF;
	(pc) =	sbr.abs _section_cstart, $3  }
0xc7: {  	[dreg:$0x1] =	wrdreg $0xFFFFFFFF  }
0xc8: {  	_ =	task.clear_ibuf [dreg:s8], $0x2FFFF;
	_ =	strace $0x9FFFFFFF  }
0xc9: {  	(tm) =	ssettm $0x7FFFFFFF  }
tec
execute0_lowered:
.L_overlay_start_1:
0x0: {  	(tag) =	ssettag $0x1  }
0x1: {  	s4 =	rddreg [dreg:$0x0]  }
0x2: {  	s2 =	rddreg [dreg:$0x1]  }
0x3: {  	s1 =	srdreg.scid;
	s0 =	stileid.u32  }
0x4: {  	s6 =	rddreg [dreg:$0x2];
	s12 =	simm.s32 $0x1000;
	s13 =	simm.s32 $0x3100  }
0x5: {  	s14 =	simm.s32 $0x0;
	s5 =	sand.u32 $0x1, s1;
	s3 =	sshll.u32 s0, $0x1  }
0x6: {  	s1 =	rddreg [dreg:$0x3];
	s8 =	sshrl.u32 s0, $0x2;
	s7 =	sor.u32 s5, s3  }
0x7: {  	s3 =	simm.s32 $0x0;
	s10 =	sshll.u32 s8, $0xF;
	s8 =	sshll.u32 s8, $0xA  }
0x8: {  	s5 =	ssub.s32 $0x2, s5;
	s9 =	sshll.u32 s7, $0x7;
	[smem:$0x7FF] =	sst s3  }
0x9: {  	s29 =	sshll.u32 s7, $0xC;
	s11 =	sshrl.u32 s5, $0x1;
	s7 =	sshll.u32 s7, $0x8  }
0xa: {  	v1 =	vlaneseq.u32;
	v2 =	vimm.s32 $0x1000;
	s9 =	sand.u32 $0x380, s9;
	_ =	strace $0x80000047;
	s31 =	ssub.s32 s5, s11  }
.Ltmp0:
0xb: {  	vm1 =	vcmask $0xF0C;
	vm2 =	vcmask $0x1310;
	vm3 =	vcmask $0x1714;
	s6 =	sadd.s32 s6, s7;
	s11 =	simm.s32 $0x1;
	(pc) =	sbr.rel .LBB2_1-.Ltmp0, $4  }
0xc: {  	vm4 =	vcmask $0x1B18;
	vm5 =	vcmask $0x1F1C;
	vm6 =	vcmask $0x2320;
	s10 =	sor.u32 s10, s9;
	s8 =	sor.u32 s8, s9;
	s7 =	smax.u32 s31, $0x1  }
0xd: {  	vm7 =	vcmask $0x2724;
	vm8 =	vcmask $0x2B28;
	vm9 =	vcmask $0x2F2C;
	s9 =	simm.s32 $0x2;
	s10 =	sshrl.u32 s10, $0x3;
	s8 =	sshrl.u32 s8, $0x3  }
0xe: {  	vm10 =	vcmask $0x3330;
	vm11 =	vcmask $0x3734;
	vm12 =	vcmask $0x3B38;
	s30 =	sadd.s32 s10, s4;
	s8 =	sadd.s32 s8, s4;
	s10 =	simm.s32 $0x3900  }
0xf: {  	vm13 =	vcmask $0x3F3C;
	v3 =	vimm.f32 $-Inf;
	v0 =	vmov s29;
	s4 =	sadd.s32 $0x1200, s30;
	s5 =	sadd.s32 $0x5200, s8;
	s8 =	simm.s32 $0x400  }
.LBB2_127:
0x10: {  	v9 =	vimm.f32 $-Inf;
	v10 =	vimm.s32 $0x40000000  }
.LBB2_132:
0x11: {  	_ =	sdelay $0x3  }
0x12: {  	vm14 =	vlt.s32 @p0 v12, v10;
	v11 =	vld.idx.msk [tilespmem:v6+s12+$0x0], $0xffff;
	vm0 =	veq.f32 @p0 v8, v9  }
0x13: {  	vm0 =	vmand @p0 vm14, vm0;
	vm14 =	vgt.f32 @p0 v8, v9  }
0x14: {  	vm0 =	vmor @p0 vm14, vm0  }
0x15: {  	v8 =	vsel @p0 vm0, v8, v9;
	v9 =	vsel @p0 vm0, v12, v10  }
0x16: {  	v5 =	vpsel p0, v8, v5;
	v7 =	vpsel p0, v9, v7  }
0x17: {  	vm0 =	veq.f32 v11, v5;
	vm14 =	vlt.s32 v6, v7  }
0x18: {  	vm15 =	vgt.f32 v11, v5;
	vm0 =	vmand vm14, vm0  }
0x19: {  	vm0 =	vmor vm15, vm0  }
0x1a: {  	v6 =	vsel vm0, v6, v7  }
0x1b: {  	v5 =	vsel vm0, v11, v5;
	v6 =	vxor.u32 $0x80000000, v6  }
.LBB2_133:
0x1c: {  	(xrf0) =	vmax.scan.msk.f32 $0xffff, v5;
	_ =	sdelay $0x5  }
0x1d: {  	v7, _, _ =	vpop (xrf0)  }
0x1e: {  	v7 =	vbroadcast v7, $0xF;
	_ =	sdelay $0x1  }
0x1f: {  	vm0 =	veq.f32 v5, v7  }
0x20: {  	v5 =	vnsel vm0, $0xC0000000, v6  }
0x21: {  	(xrf0) =	vmin.scan.msk.u32 $0xffff, v5;
	_ =	sdelay $0x5  }
0x22: {  	v5, _, _ =	vpop (xrf0)  }
0x23: {  	(v2sf) =	vpush v5, $0xF;
	_ =	sdelay $0x1  }
0x24: {  	vm0 =	veq.s32 v1, $0x0  }
0x25: {  	v4 =	vsel vm0, s16, v4;
	vm0 =	vcmask $0xB08  }
0x26: {  	v4 =	vsel vm0, s17, v4  }
0x27: {  	v4 =	vsel vm1, s18, v4  }
0x28: {  	v4 =	vsel vm2, s19, v4  }
0x29: {  	v4 =	vsel vm3, s20, v4  }
0x2a: {  	v4 =	vsel vm4, s21, v4  }
0x2b: {  	v4 =	vsel vm5, s22, v4  }
0x2c: {  	v4 =	vsel vm6, s23, v4  }
0x2d: {  	v4 =	vsel vm7, s24, v4  }
0x2e: {  	v4 =	vsel vm8, s25, v4  }
0x2f: {  	v4 =	vsel vm9, s26, v4  }
0x30: {  	v4 =	vsel vm10, s28, v4  }
0x31: {  	v4 =	vsel vm11, s29, v4;
	s15 =	spop (v2sf)  }
0x32: {  	v4 =	vsel vm12, s30, v4;
	s15 =	sxor.u32 $0x80000000, s15  }
0x33: {  	v5 =	vmov s15;
	v4 =	vsel vm13, s15, v4  }
0x34: {  	v4 =	vadd.s32 v0, v4;
	_ =	sdelay $0x3  }
0x35: {  	vm0 =	vmmov $0xffff;
	[tilespmem:v5+s12+$0x0] =	vst.idx.msk $0x1, v3  }
0x36: {  	[tilespmem:s13], [sflag:$0x1] =	stream.indirect_vreg.gather [hbm4b:s2+s3], $0x80, v4, vm0, $0xb8;
	[tilespmem:$0x3980] =	vst v63  }
0x37: {  	s14 =	sadd.s32 $0x1, s14;
	_ =	swait.ge [sflag:s11], $0x800  }
0x38: {  	p0 =	sne.s32 s14, s7;
	[sflag:s11] =	ssyncset.done $0x0  }
.Ltmp1:
0x39: {  	[sflag:s11] =	ssyncadd.s32 $0xFFFFF800;
	(pc) =	sbr.rel @!p0 .LBB2_134-.Ltmp1, $4  }
0x3a: {  	[hbm4b:s6+s3] =	stream.linear.scatter [tilespmem:s13], [sflag:$0x2], $0x800, $0x38;
	[tilespmem:$0x3980] =	vst v63  }
0x3b: {  	_ =	swait.ge [sflag:s9], $0x800  }
0x3c: {  	[sflag:s9] =	ssyncset.done $0x0  }
0x3d: {  	[sflag:s9] =	ssyncadd.s32 $0xFFFFF800  }
.LBB2_1:
0x3e: {  	s15 =	simm.s32 $0x80  }
0x3f: {  	[tilespmem:s3], [sflag:$0x2] =	stream.strided.gather [hbm4b:s4+s15], $0x1000, s8, s15, $0x38;
	[tilespmem:$0x3980] =	vst v63  }
0x40: {  	_ =	swait.ge [sflag:s9], $0x1000  }
0x41: {  	[sflag:s9] =	ssyncset.done $0x0  }
0x42: {  	[sflag:s9] =	ssyncadd.s32 $0xFFFFF000  }
0x43: {  	v10 =	vld [tilespmem:s15+$0xFFFFFF80];
	_ =	sdelay $0x4  }
0x44: {  	v4 =	vsub.f32 $1.000000000e+00, v10  }
0x45: {  	s17 =	simm.s32 $0x1080  }
0x46: {  	v11 =	vld [tilespmem:s15+$0xFFFFFFC0];
	[tilespmem:s17+$0xFFFFFF80] =	vst v4  }
0x47: {  	v15 =	vld [tilespmem:s15+$0xFFFFFF90];
	_ =	sdelay $0x3  }
0x48: {  	v5 =	vsub.f32 $1.000000000e+00, v11  }
0x49: {  	v7 =	vsub.f32 $1.000000000e+00, v15  }
0x4a: {  	v8 =	vld [tilespmem:s15+$0x0];
	[tilespmem:s17+$0xFFFFFFC0] =	vst v5  }
0x4b: {  	v13 =	vld [tilespmem:s15+$0xFFFFFFD0];
	[tilespmem:s17+$0xFFFFFF90] =	vst v7  }
0x4c: {  	v16 =	vld [tilespmem:s15+$0xFFFFFFA0];
	_ =	sdelay $0x2  }
0x4d: {  	v6 =	vsub.f32 $1.000000000e+00, v8  }
0x4e: {  	v12 =	vimm.f32 $0.0e+00;
	v9 =	vsub.f32 $1.000000000e+00, v13  }
0x4f: {  	v14 =	vld [tilespmem:s15+$0x40];
	v10 =	vadd.f32 v10, v12;
	[tilespmem:s17+$0x0] =	vst v6;
	v12 =	vsub.f32 $1.000000000e+00, v16  }
0x50: {  	v18 =	vld [tilespmem:s15+$0x10];
	[tilespmem:s17+$0xFFFFFFD0] =	vst v9  }
0x51: {  	v19 =	vld [tilespmem:s15+$0xFFFFFFE0];
	[tilespmem:s17+$0xFFFFFFA0] =	vst v12  }
0x52: {  	v17 =	vld [tilespmem:s15+$0xFFFFFFB0]  }
0x53: {  	v15 =	vadd.f32 v15, v10  }
0x54: {  	v10 =	vsub.f32 $1.000000000e+00, v14  }
0x55: {  	s18 =	simm.s32 $0x0;
	s19 =	simm.s32 $0x180;
	s16 =	simm.s32 $0x1080;
	v20 =	vadd.f32 v16, v15;
	v15 =	vimm.f32 $-Inf;
	v16 =	vimm.f32 $-Inf  }
.LBB2_2:
0x56: {  	v21 =	vld [tilespmem:s19+$0xFFFFFFC0];
	v22 =	vsub.f32 $1.000000000e+00, v18;
	[tilespmem:s17+$0x40] =	vst v10  }
0x57: {  	v23 =	vsub.f32 $1.000000000e+00, v19;
	v20 =	vadd.f32 v17, v20;
	v24 =	vld [tilespmem:s15+$0x50]  }
0x58: {  	v25 =	vld [tilespmem:s19+$0xFFFFFF80];
	[tilespmem:s17+$0x10] =	vst v22  }
0x59: {  	v27 =	vadd.f32 v11, v20;
	[tilespmem:s17+$0xFFFFFFE0] =	vst v23;
	v20 =	vld [tilespmem:s15+$0x20]  }
0x5a: {  	s18 =	sadd.s32 $0x10, s18;
	v26 =	vld [tilespmem:s15+$0xFFFFFFF0]  }
0x5b: {  	p0 =	slt.u32 s18, $0xF0;
	v13 =	vadd.f32 v13, v27;
	v11 =	vmov v21  }
0x5c: {  	v21 =	vsub.f32 $1.000000000e+00, v24  }
0x5d: {  	v27 =	vsub.f32 $1.000000000e+00, v11;
	v13 =	vadd.f32 v19, v13  }
0x5e: {  	s17 =	sadd.s32 $0x100, s17;
	v19 =	vsub.f32 $1.000000000e+00, v25;
	v28 =	vld [tilespmem:s19+$0x0];
	[tilespmem:s16+$0x50] =	vst v21  }
0x5f: {  	v30 =	vsub.f32 $1.000000000e+00, v20;
	[tilespmem:s17+$0xFFFFFFC0] =	vst v27;
	v29 =	vadd.f32 v26, v13;
	v31 =	vld [tilespmem:s15+$0x60]  }
0x60: {  	[tilespmem:s17+$0xFFFFFF80] =	vst v19;
	v13 =	vld [tilespmem:s19+$0xFFFFFFD0]  }
0x61: {  	v32 =	vld [tilespmem:s19+$0xFFFFFF90];
	v33 =	vadd.f32 v8, v29;
	[tilespmem:s16+$0x20] =	vst v30  }
0x62: {  	v29 =	vld [tilespmem:s15+$0x30]  }
0x63: {  	v18 =	vadd.f32 v18, v33;
	v8 =	vmov v28  }
0x64: {  	v28 =	vsub.f32 $1.000000000e+00, v31  }
0x65: {  	v33 =	vsub.f32 $1.000000000e+00, v8;
	v18 =	vadd.f32 v20, v18  }
0x66: {  	v34 =	vsub.f32 $1.000000000e+00, v13;
	v20 =	vsub.f32 $1.000000000e+00, v32;
	[tilespmem:s16+$0x60] =	vst v28  }
0x67: {  	v17 =	vsub.f32 $1.000000000e+00, v17;
	v18 =	vadd.f32 v29, v18;
	v35 =	vld [tilespmem:s15+$0x70];
	s15 =	smov.u32 s19  }
0x68: {  	v15 =	vmax.f32 v15, v4;
	v7 =	vmax.f32 v16, v7;
	v16 =	vsub.f32 $1.000000000e+00, v26;
	v4 =	vmovc v19;
	[tilespmem:s17+$0xFFFFFF90] =	vst v20  }
0x69: {  	v12 =	vmax.f32 v15, v12;
	v36 =	vmax.f32 v7, v17;
	v26 =	vld [tilespmem:s19+$0xFFFFFFA0];
	[tilespmem:s16+$0xFFFFFFB0] =	vst v17;
	v14 =	vadd.f32 v14, v18  }
0x6a: {  	v12 =	vmax.f32 v12, v5;
	v5 =	vmovc v27;
	v19 =	vsub.f32 $1.000000000e+00, v29;
	v17 =	vmax.f32 v36, v9;
	[tilespmem:s16+$0xFFFFFFF0] =	vst v16  }
0x6b: {  	v12 =	vmax.f32 v12, v23;
	v7 =	vmovc v20;
	v15 =	vmax.f32 v17, v16;
	v14 =	vadd.f32 v24, v14  }
0x6c: {  	v12 =	vmax.f32 v12, v6;
	v6 =	vmovc v33;
	v15 =	vmax.f32 v15, v22;
	[tilespmem:s16+$0x30] =	vst v19;
	v16 =	vsub.f32 $1.000000000e+00, v35  }
0x6d: {  	v9 =	vmovc v34;
	v17 =	vmax.f32 v12, v30;
	v15 =	vmax.f32 v15, v19;
	v18 =	vadd.f32 v31, v14  }
0x6e: {  	v10 =	vmax.f32 v17, v10;
	v17 =	vmax.f32 v15, v21;
	v12 =	vsub.f32 $1.000000000e+00, v26;
	[tilespmem:s16+$0x70] =	vst v16;
	s16 =	smov.u32 s17  }
0x6f: {  	v15 =	vmax.f32 v10, v28;
	v16 =	vmax.f32 v17, v16;
	[tilespmem:s17+$0x0] =	vst v6;
	v14 =	vld [tilespmem:s19+$0x40];
	v10 =	vadd.f32 v35, v18  }
0x70: {  	[tilespmem:s17+$0xFFFFFFD0] =	vst v9;
	v18 =	vld [tilespmem:s19+$0x10]  }
.Ltmp2:
0x71: {  	v10 =	vadd.f32 v25, v10;
	[tilespmem:s17+$0xFFFFFFA0] =	vst v12;
	v19 =	vld [tilespmem:s19+$0xFFFFFFE0];
	(pc) =	sbr.rel @p0 .LBB2_2-.Ltmp2, $4  }
0x72: {  	v17 =	vld [tilespmem:s19+$0xFFFFFFB0]  }
0x73: {  	v20 =	vadd.f32 v32, v10  }
0x74: {  	v10 =	vsub.f32 $1.000000000e+00, v14  }
0x75: {  	s19 =	sadd.s32 $0x100, s19;
	v20 =	vadd.f32 v26, v20  }
0x76: {  	v21 =	vsub.f32 $1.000000000e+00, v18  }
0x77: {  	[tilespmem:s17+$0x40] =	vst v10;
	v22 =	vsub.f32 $1.000000000e+00, v19;
	v20 =	vadd.f32 v17, v20  }
0x78: {  	v23 =	vld [tilespmem:s15+$0x50];
	[tilespmem:s17+$0x10] =	vst v21  }
0x79: {  	[tilespmem:s17+$0xFFFFFFE0] =	vst v22;
	v11 =	vadd.f32 v11, v20;
	v56 =	vld [tilespmem:s15+$0x20]  }
0x7a: {  	v24 =	vld [tilespmem:s15+$0xFFFFFFF0]  }
0x7b: {  	v11 =	vadd.f32 v13, v11;
	_ =	sdelay $0x1  }
0x7c: {  	v11 =	vadd.f32 v19, v11  }
0x7d: {  	v57 =	vsub.f32 $1.000000000e+00, v23  }
0x7e: {  	v58 =	vsub.f32 $1.000000000e+00, v56;
	v11 =	vadd.f32 v24, v11  }
0x7f: {  	[tilespmem:s16+$0x50] =	vst v57  }
0x80: {  	v25 =	vld [tilespmem:s15+$0x60];
	[tilespmem:s16+$0x20] =	vst v58;
	v8 =	vadd.f32 v8, v11  }
0x81: {  	v59 =	vld [tilespmem:s15+$0x30]  }
0x82: {  	v8 =	vadd.f32 v18, v8;
	_ =	sdelay $0x1  }
0x83: {  	v8 =	vadd.f32 v56, v8;
	_ =	sdelay $0x1  }
0x84: {  	v60 =	vsub.f32 $1.000000000e+00, v25;
	v8 =	vadd.f32 v59, v8;
	_ =	sdelay $0x1  }
0x85: {  	[tilespmem:s16+$0x60] =	vst v60;
	v8 =	vadd.f32 v14, v8  }
0x86: {  	v61 =	vld [tilespmem:s15+$0x70]  }
0x87: {  	v8 =	vadd.f32 v23, v8;
	_ =	sdelay $0x1  }
0x88: {  	v8 =	vadd.f32 v25, v8;
	_ =	sdelay $0x1  }
0x89: {  	v62 =	vsub.f32 $1.000000000e+00, v17;
	v8 =	vadd.f32 v61, v8  }
0x8a: {  	v4 =	vmax.f32 v15, v4;
	v7 =	vmax.f32 v16, v7  }
0x8b: {  	v4 =	vmax.f32 v4, v12;
	v7 =	vmax.f32 v7, v62;
	v63 =	vsub.f32 $1.000000000e+00, v24;
	(xrf2) =	vadd.scan.msk.f32 $0xffff, v8  }
0x8c: {  	v4 =	vmax.f32 v4, v5;
	v5 =	vmax.f32 v7, v9  }
0x8d: {  	v4 =	vmax.f32 v4, v22;
	v5 =	vmax.f32 v5, v63;
	v7 =	vsub.f32 $1.000000000e+00, v59  }
0x8e: {  	v4 =	vmax.f32 v4, v6;
	v5 =	vmax.f32 v5, v21  }
0x8f: {  	v4 =	vmax.f32 v4, v58;
	v5 =	vmax.f32 v5, v7;
	v6 =	vsub.f32 $1.000000000e+00, v61  }
0x90: {  	v4 =	vmax.f32 v4, v10;
	v5 =	vmax.f32 v5, v57  }
0x91: {  	v4 =	vmax.f32 v4, v60;
	v5 =	vmax.f32 v5, v6  }
0x92: {  	v4 =	vmax.f32 v4, v5;
	_ =	sdelay $0x1  }
0x93: {  	(xrf0) =	vmin.scan.msk.f32 $0xffff, v4  }
0x94: {  	[tilespmem:s16+$0xFFFFFFB0] =	vst v62;
	v4, _, _ =	vpop (xrf2)  }
0x95: {  	[tilespmem:s16+$0xFFFFFFF0] =	vst v63;
	v4 =	vbroadcast v4, $0xF  }
0x96: {  	[tilespmem:s16+$0x30] =	vst v7  }
0x97: {  	[tilespmem:s16+$0x70] =	vst v6  }
0x98: {  	s23 =	simm.s32 $0x0;
	[tilespmem:$0x3900] =	vst v4  }
0x99: {  	[hbm4b:s5+s23] =	stream.linear.scatter [tilespmem:s10], [sflag:$0x2], $0x80, $0x38;
	v4, _, _ =	vpop (xrf0);
	[tilespmem:$0x3980] =	vst v63  }
0x9a: {  	_ =	swait.ge [sflag:s9], $0x80  }
0x9b: {  	[sflag:s9] =	ssyncset.done $0x0  }
0x9c: {  	s24 =	simm.s32 $0x1020;
	[sflag:s9] =	ssyncadd.s32 $0xFFFFFF80  }
0x9d: {  	v5 =	vld [tilespmem:s24+$0xFFFFFFE0];
	_ =	sdelay $0x2  }
0x9e: {  	v4 =	vbroadcast v4, $0xF;
	_ =	sdelay $0x1  }
0x9f: {  	v6 =	vor.u32 s23, v1;
	vm14 =	vge.f32 v5, v4  }
0xa0: {  	[tilespmem:s23+$0x2080] =	vst.msk vm14, v6;
	v5 =	vmpcnt.ones.xlane vm14  }
0xa1: {  	v6 =	vld [tilespmem:s24+$0xFFFFFFF0]  }
0xa2: {  	v5 =	vxor.u32 $0x80000000, v5  }
0xa3: {  	(xrf0) =	vmax.scan.msk.u32 $0xffff, v5;
	_ =	sdelay $0x2  }
0xa4: {  	vm14 =	vge.f32 v6, v4  }
0xa5: {  	v5 =	vmpcnt.ones.xlane vm14;
	_ =	sdelay $0x1  }
0xa6: {  	v5 =	vxor.u32 $0x80000000, v5;
	v6, _, _ =	vpop (xrf0)  }
0xa7: {  	(v2sf) =	vpush v6, $0xF;
	(xrf0) =	vmax.scan.msk.u32 $0xffff, v5;
	_ =	sdelay $0x5  }
0xa8: {  	v5, _, _ =	vpop (xrf0)  }
0xa9: {  	(v2sf) =	vpush v5, $0xF;
	_ =	sdelay $0x7  }
0xaa: {  	s25 =	spop (v2sf)  }
0xab: {  	s26 =	simm.s32 $0x10;
	s15 =	sadd.s32 $0x0, s25  }
0xac: {  	v5 =	vor.u32 s26, v1;
	s15 =	sadd.s32 $0x80000000, s15  }
0xad: {  	[tilespmem:s15+$0x2080] =	vst.msk vm14, v5  }
0xae: {  	v5 =	vld [tilespmem:s24+$0x0];
	_ =	sdelay $0x2  }
0xaf: {  	s28 =	spop (v2sf)  }
0xb0: {  	s29 =	simm.s32 $0x20;
	s15 =	sadd.s32 s28, s15  }
0xb1: {  	s15 =	sadd.s32 $0x80000000, s15;
	vm14 =	vge.f32 v5, v4;
	v5 =	vor.u32 s29, v1  }
0xb2: {  	[tilespmem:s15+$0x2080] =	vst.msk vm14, v5  }
0xb3: {  	v5 =	vld [tilespmem:s24+$0x10];
	_ =	sdelay $0x1  }
0xb4: {  	v6 =	vmpcnt.ones.xlane vm14;
	_ =	sdelay $0x1  }
0xb5: {  	v6 =	vxor.u32 $0x80000000, v6  }
0xb6: {  	(xrf0) =	vmax.scan.msk.u32 $0xffff, v6;
	vm14 =	vge.f32 v5, v4  }
0xb7: {  	v5 =	vmpcnt.ones.xlane vm14;
	_ =	sdelay $0x1  }
0xb8: {  	v5 =	vxor.u32 $0x80000000, v5;
	_ =	sdelay $0x2  }
0xb9: {  	(xrf0) =	vmax.scan.msk.u32 $0xffff, v5;
	v5, _, _ =	vpop (xrf0)  }
0xba: {  	(v2sf) =	vpush v5, $0xF;
	_ =	sdelay $0x4  }
0xbb: {  	v5, _, _ =	vpop (xrf0)  }
0xbc: {  	(v2sf) =	vpush v5, $0xF;
	_ =	sdelay $0x8  }
0xbd: {  	s30 =	spop (v2sf)  }
0xbe: {  	s31 =	simm.s32 $0x30;
	s15 =	sadd.s32 s30, s15  }
0xbf: {  	v5 =	vor.u32 s31, v1;
	s18 =	sadd.s32 $0x80000000, s15  }
0xc0: {  	s16 =	simm.s32 $0x1060;
	[tilespmem:s18+$0x2080] =	vst.msk vm14, v5  }
0xc1: {  	v6 =	vld [tilespmem:s16+$0xFFFFFFE0];
	_ =	sdelay $0x1  }
0xc2: {  	s15 =	simm.s32 $0x40;
	s19 =	spop (v2sf)  }
0xc3: {  	s17 =	simm.s32 $0x80;
	v5 =	vor.u32 s15, v1;
	s18 =	sadd.s32 s19, s18  }
.LBB2_4:
0xc4: {  	p0 =	sne.s32 s17, $0xFC0  }
0xc5: {  	v7 =	vor.u32 s17, v1;
	vm14 =	vge.f32 v6, v4;
	s19 =	sadd.s32 $0x80000000, s18;
	s18 =	smov.u32 s17;
	s17 =	sadd.s32 $0x40, s17  }
0xc6: {  	[tilespmem:s19+$0x2080] =	vst.msk vm14, v5;
	v6 =	vmpcnt.ones.xlane vm14;
	v5 =	vmov v7  }
0xc7: {  	v7 =	vld [tilespmem:s16+$0xFFFFFFF0]  }
0xc8: {  	v6 =	vxor.u32 $0x80000000, v6  }
0xc9: {  	(xrf0) =	vmax.scan.msk.u32 $0xffff, v6;
	_ =	sdelay $0x2  }
0xca: {  	vm14 =	vge.f32 v7, v4  }
0xcb: {  	v6 =	vmpcnt.ones.xlane vm14;
	_ =	sdelay $0x1  }
0xcc: {  	v6 =	vxor.u32 $0x80000000, v6;
	v7, _, _ =	vpop (xrf0)  }
0xcd: {  	(v2sf) =	vpush v7, $0xF;
	(xrf0) =	vmax.scan.msk.u32 $0xffff, v6;
	_ =	sdelay $0x5  }
0xce: {  	v6, _, _ =	vpop (xrf0)  }
0xcf: {  	(v2sf) =	vpush v6, $0xF;
	_ =	sdelay $0x7  }
0xd0: {  	s20 =	spop (v2sf)  }
0xd1: {  	s19 =	sadd.s32 s20, s19;
	s20 =	sadd.s32 $0x10, s15  }
0xd2: {  	s19 =	sadd.s32 $0x80000000, s19;
	v6 =	vor.u32 s20, v1  }
0xd3: {  	[tilespmem:s19+$0x2080] =	vst.msk vm14, v6  }
0xd4: {  	v6 =	vld [tilespmem:s16+$0x0];
	_ =	sdelay $0x2  }
0xd5: {  	s20 =	spop (v2sf)  }
0xd6: {  	s19 =	sadd.s32 s20, s19;
	s20 =	sadd.s32 $0x20, s15  }
0xd7: {  	s19 =	sadd.s32 $0x80000000, s19;
	vm14 =	vge.f32 v6, v4;
	v6 =	vor.u32 s20, v1  }
0xd8: {  	[tilespmem:s19+$0x2080] =	vst.msk vm14, v6;
	v6 =	vmpcnt.ones.xlane vm14  }
0xd9: {  	v7 =	vld [tilespmem:s16+$0x10]  }
0xda: {  	v6 =	vxor.u32 $0x80000000, v6  }
0xdb: {  	(xrf0) =	vmax.scan.msk.u32 $0xffff, v6;
	_ =	sdelay $0x2  }
0xdc: {  	vm14 =	vge.f32 v7, v4  }
0xdd: {  	v6 =	vmpcnt.ones.xlane vm14;
	_ =	sdelay $0x1  }
0xde: {  	v6 =	vxor.u32 $0x80000000, v6;
	v7, _, _ =	vpop (xrf0)  }
0xdf: {  	(v2sf) =	vpush v7, $0xF;
	(xrf0) =	vmax.scan.msk.u32 $0xffff, v6;
	_ =	sdelay $0x5  }
0xe0: {  	v6, _, _ =	vpop (xrf0)  }
0xe1: {  	(v2sf) =	vpush v6, $0xF;
	_ =	sdelay $0x7  }
0xe2: {  	s20 =	spop (v2sf)  }
0xe3: {  	s19 =	sadd.s32 s20, s19;
	s20 =	sadd.s32 $0x30, s15;
	s15 =	smov.u32 s18  }
0xe4: {  	s18 =	sadd.s32 $0x80000000, s19;
	v6 =	vor.u32 s20, v1  }
0xe5: {  	s16 =	sadd.s32 $0x40, s16;
	[tilespmem:s18+$0x2080] =	vst.msk vm14, v6  }
.Ltmp3:
0xe6: {  	v6 =	vld [tilespmem:s16+$0xFFFFFFE0];
	(pc) =	sbr.rel @p0 .LBB2_4-.Ltmp3, $3  }
0xe7: {  	_ =	sdelay $0x1  }
0xe8: {  	s19 =	spop (v2sf)  }
0xe9: {  	s18 =	sadd.s32 s19, s18  }
0xea: {  	vm14 =	vge.f32 v6, v4;
	s17 =	sadd.s32 $0x80000000, s18  }
0xeb: {  	[tilespmem:s17+$0x2080] =	vst.msk vm14, v5;
	v5 =	vmpcnt.ones.xlane vm14  }
0xec: {  	v6 =	vld [tilespmem:s16+$0xFFFFFFF0]  }
0xed: {  	v5 =	vxor.u32 $0x80000000, v5  }
0xee: {  	(xrf0) =	vmax.scan.msk.u32 $0xffff, v5;
	_ =	sdelay $0x2  }
0xef: {  	vm14 =	vge.f32 v6, v4  }
0xf0: {  	v5 =	vmpcnt.ones.xlane vm14;
	_ =	sdelay $0x1  }
0xf1: {  	v5 =	vxor.u32 $0x80000000, v5;
	v6, _, _ =	vpop (xrf0)  }
0xf2: {  	(v2sf) =	vpush v6, $0xF;
	(xrf0) =	vmax.scan.msk.u32 $0xffff, v5;
	_ =	sdelay $0x5  }
0xf3: {  	v5, _, _ =	vpop (xrf0)  }
0xf4: {  	(v2sf) =	vpush v5, $0xF;
	_ =	sdelay $0x7  }
0xf5: {  	s21 =	spop (v2sf)  }
0xf6: {  	s22 =	sadd.s32 $0x10, s15;
	s17 =	sadd.s32 s21, s17  }
0xf7: {  	v5 =	vor.u32 s22, v1;
	s17 =	sadd.s32 $0x80000000, s17  }
0xf8: {  	[tilespmem:s17+$0x2080] =	vst.msk vm14, v5  }
0xf9: {  	v5 =	vld [tilespmem:s16+$0x0];
	_ =	sdelay $0x2  }
0xfa: {  	s23 =	spop (v2sf)  }
0xfb: {  	s24 =	sadd.s32 $0x20, s15;
	s17 =	sadd.s32 s23, s17  }
0xfc: {  	s17 =	sadd.s32 $0x80000000, s17;
	vm14 =	vge.f32 v5, v4;
	v5 =	vor.u32 s24, v1  }
0xfd: {  	[tilespmem:s17+$0x2080] =	vst.msk vm14, v5  }
0xfe: {  	v5 =	vld [tilespmem:s16+$0x10];
	_ =	sdelay $0x3  }
0xff: {  	v6 =	vmpcnt.ones.xlane vm14  }
0x100: {  	vm14 =	vge.f32 v5, v4  }
0x101: {  	v4 =	vxor.u32 $0x80000000, v6;
	v5 =	vmpcnt.ones.xlane vm14  }
0x102: {  	(xrf0) =	vmax.scan.msk.u32 $0xffff, v4  }
0x103: {  	v4 =	vxor.u32 $0x80000000, v5  }
0x104: {  	(xrf0) =	vmax.scan.msk.u32 $0xffff, v4;
	_ =	sdelay $0x3  }
0x105: {  	v4, _, _ =	vpop (xrf0)  }
0x106: {  	(v2sf) =	vpush v4, $0xF  }
0x107: {  	v4, _, _ =	vpop (xrf0)  }
0x108: {  	(v2sf) =	vpush v4, $0xF;
	_ =	sdelay $0xc  }
0x109: {  	s25 =	spop (v2sf)  }
0x10a: {  	s16 =	sadd.s32 s25, s17  }
0x10b: {  	s16 =	sadd.s32 $0x80000000, s16;
	s26 =	spop (v2sf)  }
0x10c: {  	s17 =	sadd.s32 s26, s16  }
0x10d: {  	s17 =	sadd.s32 $0x80000000, s17  }
0x10e: {  	s28 =	sadd.s32 $0xF, s17  }
0x10f: {  	s19 =	sand.u32 $0xF, s28  }
0x110: {  	s29 =	sshra.s32 s28, $0x1F;
	p1 =	slt.s32 s28, $0x1;
	p0 =	sne.s32 s19, $0x0  }
0x111: {  	s19 =	sshrl.u32 s29, $0x1C;
	p0 =	por !p1, !p0  }
0x112: {  	s18 =	sadd.s32 s19, s28;
	s19 =	simm.s32 $0x1;
	p0 =	por !p0, !p0  }
0x113: {  	s31 =	sshra.s32 s18, $0x4;
	s19 =	simm.s32 @!p0 $0x0  }
0x114: {  	s30 =	sadd.s32 $0x30, s15;
	s15 =	ssub.s32 s31, s19  }
0x115: {  	p0 =	slt.s32 s15, $0x1  }
.Ltmp4:
0x116: {  	_ = 	snop;
	(pc) =	sbr.rel @p0 .LBB2_13-.Ltmp4, $4  }
0x117: {  	v4 =	vor.u32 s30, v1  }
0x118: {  	[tilespmem:s16+$0x2080] =	vst.msk vm14, v4  }
0x119: {  	v4 =	vimm.f32 $-Inf;
	[tilespmem:s17+$0x2080] =	vst v2  }
0x11a: {  	v7 =	vimm.s32 $0xC0000000;
	v6 =	vimm.f32 $-Inf;
	v5 =	vimm.s32 $0xC0000000;
	[tilespmem:$0x2000] =	vst v4  }
0x11b: {  	p2 =	sne.s32 s15, $0x1  }
.Ltmp5:
0x11c: {  	_ = 	snop;
	(pc) =	sbr.rel @!p2 .LBB2_7-.Ltmp5, $3  }
0x11d: {  	_ =	sdelay $0x1  }
0x11e: {  	s16 =	simm.s32 $0x2080  }
0x11f: {  	v7 =	vimm.s32 $0x40000000;
	s17 =	sadd.s32 $0xFFFFFFFF, s15;
	p1 =	por $0x0, $0x0;
	v6 =	vld [tilespmem:s16+$0x0]  }
0x120: {  	_ =	sdelay $0x2  }
0x121: {  	p2 =	sne.s32 s17, $0x1  }
.Ltmp6:
0x122: {  	_ = 	snop;
	(pc) =	sbr.rel @!p2 .LBB2_9-.Ltmp6, $4  }
0x123: {  	_ = 	snop  }
0x124: {  	s16 =	simm.s32 $0x2090  }
0x125: {  	v11 =	vld [tilespmem:s16+$0x0]  }
0x126: {  	s17 =	sadd.s32 $0xFFFFFFFF, s17;
	p1 =	por $0x1, $0x1;
	v9 =	vimm.f32 $-Inf;
	v10 =	vimm.s32 $0x40000000;
	v8 =	vld.idx.msk [tilespmem:v6+s12+$0x0], $0xffff  }
.LBB2_10:
0x127: {  	p2 =	sne.s32 s17, $0x1;
	_ =	sdelay $0x3  }
.Ltmp7:
0x128: {  	vm15 =	vlt.s32 v6, v10;
	vm14 =	veq.f32 v8, v9;
	(pc) =	sbr.rel @p2 .LBB2_10-.Ltmp7, $4  }
0x129: {  	vm0 =	vgt.f32 v8, v9;
	vm14 =	vmand vm15, vm14  }
0x12a: {  	vm0 =	vmor vm0, vm14  }
0x12b: {  	s16 =	sadd.s32 $0x10, s16;
	v9 =	vsel vm0, v8, v9;
	v10 =	vsel vm0, v6, v10;
	v6 =	vmov v11;
	v8 =	vld.idx.msk [tilespmem:v11+s12+$0x0], $0xffff  }
0x12c: {  	s17 =	sadd.s32 $0xFFFFFFFF, s17;
	v11 =	vld [tilespmem:s16+$0x0]  }
0x12d: {  	_ =	sdelay $0x3  }
0x12e: {  	v12 =	vmov v6;
	v6 =	vmov v11  }
.LBB2_12:
0x12f: {  	_ =	sdelay $0x3  }
0x130: {  	vm0 =	veq.f32 @p1 v8, v9;
	vm14 =	vlt.s32 @p1 v12, v10;
	v11 =	vld.idx.msk [tilespmem:v6+s12+$0x0], $0xffff  }
0x131: {  	vm0 =	vmand @p1 vm14, vm0;
	vm14 =	vgt.f32 @p1 v8, v9  }
0x132: {  	vm0 =	vmor @p1 vm14, vm0  }
0x133: {  	v8 =	vsel @p1 vm0, v8, v9;
	v9 =	vsel @p1 vm0, v12, v10  }
0x134: {  	v8 =	vpsel p1, v8, v4;
	v7 =	vpsel p1, v9, v7  }
0x135: {  	vm0 =	veq.f32 v11, v8;
	vm14 =	vlt.s32 v6, v7  }
0x136: {  	vm15 =	vgt.f32 v11, v8;
	vm0 =	vmand vm14, vm0  }
0x137: {  	vm0 =	vmor vm15, vm0  }
0x138: {  	v7 =	vsel vm0, v6, v7  }
0x139: {  	v6 =	vsel vm0, v11, v8;
	v7 =	vxor.u32 $0x80000000, v7  }
.LBB2_13:
0x13a: {  	(xrf0) =	vmax.scan.msk.f32 $0xffff, v6;
	_ =	sdelay $0x5  }
0x13b: {  	v8, _, _ =	vpop (xrf0)  }
0x13c: {  	v8 =	vbroadcast v8, $0xF;
	_ =	sdelay $0x1  }
0x13d: {  	vm0 =	veq.f32 v6, v8  }
0x13e: {  	v6 =	vnsel vm0, $0xC0000000, v7  }
0x13f: {  	(xrf0) =	vmin.scan.msk.u32 $0xffff, v6;
	_ =	sdelay $0x5  }
0x140: {  	v6, _, _ =	vpop (xrf0)  }
0x141: {  	(v2sf) =	vpush v6, $0xF;
	_ =	sdelay $0xe  }
0x142: {  	s16 =	spop (v2sf)  }
0x143: {  	s16 =	sxor.u32 $0x80000000, s16  }
0x144: {  	v6 =	vmov s16  }
.Ltmp8:
0x145: {  	_ = 	snop;
	(pc) =	sbr.rel @p0 .LBB2_21-.Ltmp8, $2  }
0x146: {  	_ =	sdelay $0x2  }
0x147: {  	[tilespmem:v6+s12+$0x0] =	vst.idx.msk $0x1, v4  }
0x148: {  	p2 =	sne.s32 s15, $0x1  }
.Ltmp9:
0x149: {  	_ = 	snop;
	(pc) =	sbr.rel @!p2 .LBB2_15-.Ltmp9, $3  }
0x14a: {  	_ =	sdelay $0x1  }
0x14b: {  	s17 =	simm.s32 $0x2080  }
0x14c: {  	v6 =	vimm.s32 $0x40000000;
	s18 =	sadd.s32 $0xFFFFFFFF, s15;
	p1 =	por $0x0, $0x0;
	v5 =	vld [tilespmem:s17+$0x0]  }
0x14d: {  	_ =	sdelay $0x2  }
0x14e: {  	p2 =	sne.s32 s18, $0x1  }
.Ltmp10:
0x14f: {  	_ = 	snop;
	(pc) =	sbr.rel @!p2 .LBB2_17-.Ltmp10, $4  }
0x150: {  	_ = 	snop  }
0x151: {  	s17 =	simm.s32 $0x2090  }
0x152: {  	v10 =	vld [tilespmem:s17+$0x0]  }
0x153: {  	s18 =	sadd.s32 $0xFFFFFFFF, s18;
	p1 =	por $0x1, $0x1;
	v8 =	vimm.f32 $-Inf;
	v9 =	vimm.s32 $0x40000000;
	v7 =	vld.idx.msk [tilespmem:v5+s12+$0x0], $0xffff  }
.LBB2_18:
0x154: {  	p2 =	sne.s32 s18, $0x1;
	_ =	sdelay $0x3  }
.Ltmp11:
0x155: {  	vm14 =	vlt.s32 v5, v9;
	vm0 =	veq.f32 v7, v8;
	(pc) =	sbr.rel @p2 .LBB2_18-.Ltmp11, $4  }
0x156: {  	vm15 =	vgt.f32 v7, v8;
	vm0 =	vmand vm14, vm0  }
0x157: {  	vm0 =	vmor vm15, vm0  }
0x158: {  	s17 =	sadd.s32 $0x10, s17;
	v8 =	vsel vm0, v7, v8;
	v9 =	vsel vm0, v5, v9;
	v5 =	vmov v10;
	v7 =	vld.idx.msk [tilespmem:v10+s12+$0x0], $0xffff  }
0x159: {  	s18 =	sadd.s32 $0xFFFFFFFF, s18;
	v10 =	vld [tilespmem:s17+$0x0]  }
0x15a: {  	_ =	sdelay $0x3  }
0x15b: {  	v11 =	vmov v5;
	v5 =	vmov v10  }
.LBB2_20:
0x15c: {  	_ =	sdelay $0x3  }
0x15d: {  	vm0 =	veq.f32 @p1 v7, v8;
	vm14 =	vlt.s32 @p1 v11, v9;
	v10 =	vld.idx.msk [tilespmem:v5+s12+$0x0], $0xffff  }
0x15e: {  	vm0 =	vmand @p1 vm14, vm0;
	vm14 =	vgt.f32 @p1 v7, v8  }
0x15f: {  	vm0 =	vmor @p1 vm14, vm0  }
0x160: {  	v7 =	vsel @p1 vm0, v7, v8;
	v8 =	vsel @p1 vm0, v11, v9  }
0x161: {  	v4 =	vpsel p1, v7, v4;
	v6 =	vpsel p1, v8, v6  }
0x162: {  	vm0 =	veq.f32 v10, v4;
	vm14 =	vlt.s32 v5, v6  }
0x163: {  	vm15 =	vgt.f32 v10, v4;
	vm0 =	vmand vm14, vm0  }
0x164: {  	vm0 =	vmor vm15, vm0  }
0x165: {  	v5 =	vsel vm0, v5, v6  }
0x166: {  	v4 =	vsel vm0, v10, v4;
	v5 =	vxor.u32 $0x80000000, v5  }
.LBB2_21:
0x167: {  	(xrf0) =	vmax.scan.msk.f32 $0xffff, v4;
	_ =	sdelay $0x5  }
0x168: {  	v6, _, _ =	vpop (xrf0)  }
0x169: {  	v6 =	vbroadcast v6, $0xF;
	_ =	sdelay $0x1  }
0x16a: {  	vm0 =	veq.f32 v4, v6  }
0x16b: {  	v4 =	vnsel vm0, $0xC0000000, v5  }
0x16c: {  	(xrf0) =	vmin.scan.msk.u32 $0xffff, v4;
	_ =	sdelay $0x5  }
0x16d: {  	v4, _, _ =	vpop (xrf0)  }
0x16e: {  	(v2sf) =	vpush v4, $0xF;
	_ =	sdelay $0xe  }
0x16f: {  	s17 =	spop (v2sf)  }
0x170: {  	s17 =	sxor.u32 $0x80000000, s17  }
0x171: {  	v4 =	vmov s17  }
.Ltmp12:
0x172: {  	_ = 	snop;
	(pc) =	sbr.rel @p0 .LBB2_29-.Ltmp12, $3  }
0x173: {  	_ =	sdelay $0x1  }
0x174: {  	v5 =	vimm.f32 $-Inf  }
0x175: {  	v7 =	vimm.f32 $-Inf;
	v8 =	vimm.s32 $0xC0000000;
	v6 =	vimm.s32 $0xC0000000;
	[tilespmem:v4+s12+$0x0] =	vst.idx.msk $0x1, v5  }
0x176: {  	p2 =	sne.s32 s15, $0x1  }
.Ltmp13:
0x177: {  	_ = 	snop;
	(pc) =	sbr.rel @!p2 .LBB2_23-.Ltmp13, $3  }
0x178: {  	_ =	sdelay $0x1  }
0x179: {  	s17 =	simm.s32 $0x2080  }
0x17a: {  	v8 =	vimm.s32 $0x40000000;
	s18 =	sadd.s32 $0xFFFFFFFF, s15;
	p1 =	por $0x0, $0x0;
	v7 =	vld [tilespmem:s17+$0x0]  }
0x17b: {  	_ =	sdelay $0x2  }
0x17c: {  	p2 =	sne.s32 s18, $0x1  }
.Ltmp14:
0x17d: {  	_ = 	snop;
	(pc) =	sbr.rel @!p2 .LBB2_25-.Ltmp14, $4  }
0x17e: {  	_ = 	snop  }
0x17f: {  	s17 =	simm.s32 $0x2090  }
0x180: {  	v12 =	vld [tilespmem:s17+$0x0]  }
0x181: {  	s18 =	sadd.s32 $0xFFFFFFFF, s18;
	p1 =	por $0x1, $0x1;
	v10 =	vimm.f32 $-Inf;
	v11 =	vimm.s32 $0x40000000;
	v9 =	vld.idx.msk [tilespmem:v7+s12+$0x0], $0xffff  }
.LBB2_26:
0x182: {  	p2 =	sne.s32 s18, $0x1;
	_ =	sdelay $0x3  }
.Ltmp15:
0x183: {  	vm14 =	vlt.s32 v7, v11;
	vm0 =	veq.f32 v9, v10;
	(pc) =	sbr.rel @p2 .LBB2_26-.Ltmp15, $4  }
0x184: {  	vm15 =	vgt.f32 v9, v10;
	vm0 =	vmand vm14, vm0  }
0x185: {  	vm0 =	vmor vm15, vm0  }
0x186: {  	s17 =	sadd.s32 $0x10, s17;
	v10 =	vsel vm0, v9, v10;
	v11 =	vsel vm0, v7, v11;
	v7 =	vmov v12;
	v9 =	vld.idx.msk [tilespmem:v12+s12+$0x0], $0xffff  }
0x187: {  	s18 =	sadd.s32 $0xFFFFFFFF, s18;
	v12 =	vld [tilespmem:s17+$0x0]  }
0x188: {  	_ =	sdelay $0x3  }
0x189: {  	v13 =	vmov v7;
	v7 =	vmov v12  }
.LBB2_28:
0x18a: {  	_ =	sdelay $0x3  }
0x18b: {  	vm0 =	veq.f32 @p1 v9, v10;
	vm14 =	vlt.s32 @p1 v13, v11;
	v12 =	vld.idx.msk [tilespmem:v7+s12+$0x0], $0xffff  }
0x18c: {  	vm0 =	vmand @p1 vm14, vm0;
	vm14 =	vgt.f32 @p1 v9, v10  }
0x18d: {  	vm0 =	vmor @p1 vm14, vm0  }
0x18e: {  	v9 =	vsel @p1 vm0, v9, v10;
	v10 =	vsel @p1 vm0, v13, v11  }
0x18f: {  	v9 =	vpsel p1, v9, v5;
	v8 =	vpsel p1, v10, v8  }
0x190: {  	vm0 =	veq.f32 v12, v9;
	vm14 =	vlt.s32 v7, v8  }
0x191: {  	vm15 =	vgt.f32 v12, v9;
	vm0 =	vmand vm14, vm0  }
0x192: {  	vm0 =	vmor vm15, vm0  }
0x193: {  	v8 =	vsel vm0, v7, v8  }
0x194: {  	v7 =	vsel vm0, v12, v9;
	v8 =	vxor.u32 $0x80000000, v8  }
.LBB2_29:
0x195: {  	(xrf0) =	vmax.scan.msk.f32 $0xffff, v7;
	_ =	sdelay $0x5  }
0x196: {  	v9, _, _ =	vpop (xrf0)  }
0x197: {  	v9 =	vbroadcast v9, $0xF;
	_ =	sdelay $0x1  }
0x198: {  	vm0 =	veq.f32 v7, v9  }
0x199: {  	v7 =	vnsel vm0, $0xC0000000, v8  }
0x19a: {  	(xrf0) =	vmin.scan.msk.u32 $0xffff, v7;
	_ =	sdelay $0x5  }
0x19b: {  	v7, _, _ =	vpop (xrf0)  }
0x19c: {  	(v2sf) =	vpush v7, $0xF;
	_ =	sdelay $0xe  }
0x19d: {  	s17 =	spop (v2sf)  }
0x19e: {  	s17 =	sxor.u32 $0x80000000, s17  }
0x19f: {  	v7 =	vmov s17  }
.Ltmp16:
0x1a0: {  	_ = 	snop;
	(pc) =	sbr.rel @p0 .LBB2_37-.Ltmp16, $2  }
0x1a1: {  	_ =	sdelay $0x2  }
0x1a2: {  	[tilespmem:v7+s12+$0x0] =	vst.idx.msk $0x1, v5  }
0x1a3: {  	p2 =	sne.s32 s15, $0x1  }
.Ltmp17:
0x1a4: {  	_ = 	snop;
	(pc) =	sbr.rel @!p2 .LBB2_31-.Ltmp17, $3  }
0x1a5: {  	_ =	sdelay $0x1  }
0x1a6: {  	s18 =	simm.s32 $0x2080  }
0x1a7: {  	v7 =	vimm.s32 $0x40000000;
	s19 =	sadd.s32 $0xFFFFFFFF, s15;
	p1 =	por $0x0, $0x0;
	v6 =	vld [tilespmem:s18+$0x0]  }
0x1a8: {  	_ =	sdelay $0x2  }
0x1a9: {  	p2 =	sne.s32 s19, $0x1  }
.Ltmp18:
0x1aa: {  	_ = 	snop;
	(pc) =	sbr.rel @!p2 .LBB2_33-.Ltmp18, $4  }
0x1ab: {  	_ = 	snop  }
0x1ac: {  	s18 =	simm.s32 $0x2090  }
0x1ad: {  	v11 =	vld [tilespmem:s18+$0x0]  }
0x1ae: {  	s19 =	sadd.s32 $0xFFFFFFFF, s19;
	p1 =	por $0x1, $0x1;
	v9 =	vimm.f32 $-Inf;
	v10 =	vimm.s32 $0x40000000;
	v8 =	vld.idx.msk [tilespmem:v6+s12+$0x0], $0xffff  }
.LBB2_34:
0x1af: {  	p2 =	sne.s32 s19, $0x1;
	_ =	sdelay $0x3  }
.Ltmp19:
0x1b0: {  	vm14 =	vlt.s32 v6, v10;
	vm0 =	veq.f32 v8, v9;
	(pc) =	sbr.rel @p2 .LBB2_34-.Ltmp19, $4  }
0x1b1: {  	vm15 =	vgt.f32 v8, v9;
	vm0 =	vmand vm14, vm0  }
0x1b2: {  	vm0 =	vmor vm15, vm0  }
0x1b3: {  	s18 =	sadd.s32 $0x10, s18;
	v9 =	vsel vm0, v8, v9;
	v10 =	vsel vm0, v6, v10;
	v6 =	vmov v11;
	v8 =	vld.idx.msk [tilespmem:v11+s12+$0x0], $0xffff  }
0x1b4: {  	s19 =	sadd.s32 $0xFFFFFFFF, s19;
	v11 =	vld [tilespmem:s18+$0x0]  }
0x1b5: {  	_ =	sdelay $0x3  }
0x1b6: {  	v12 =	vmov v6;
	v6 =	vmov v11  }
.LBB2_36:
0x1b7: {  	_ =	sdelay $0x3  }
0x1b8: {  	vm0 =	veq.f32 @p1 v8, v9;
	vm14 =	vlt.s32 @p1 v12, v10;
	v11 =	vld.idx.msk [tilespmem:v6+s12+$0x0], $0xffff  }
0x1b9: {  	vm0 =	vmand @p1 vm14, vm0;
	vm14 =	vgt.f32 @p1 v8, v9  }
0x1ba: {  	vm0 =	vmor @p1 vm14, vm0  }
0x1bb: {  	v8 =	vsel @p1 vm0, v8, v9;
	v9 =	vsel @p1 vm0, v12, v10  }
0x1bc: {  	v5 =	vpsel p1, v8, v5;
	v7 =	vpsel p1, v9, v7  }
0x1bd: {  	vm0 =	veq.f32 v11, v5;
	vm14 =	vlt.s32 v6, v7  }
0x1be: {  	vm15 =	vgt.f32 v11, v5;
	vm0 =	vmand vm14, vm0  }
0x1bf: {  	vm0 =	vmor vm15, vm0  }
0x1c0: {  	v6 =	vsel vm0, v6, v7  }
0x1c1: {  	v5 =	vsel vm0, v11, v5;
	v6 =	vxor.u32 $0x80000000, v6  }
.LBB2_37:
0x1c2: {  	(xrf0) =	vmax.scan.msk.f32 $0xffff, v5;
	_ =	sdelay $0x5  }
0x1c3: {  	v7, _, _ =	vpop (xrf0)  }
0x1c4: {  	v7 =	vbroadcast v7, $0xF;
	_ =	sdelay $0x1  }
0x1c5: {  	vm0 =	veq.f32 v5, v7  }
0x1c6: {  	v5 =	vnsel vm0, $0xC0000000, v6  }
0x1c7: {  	(xrf0) =	vmin.scan.msk.u32 $0xffff, v5;
	_ =	sdelay $0x5  }
0x1c8: {  	v5, _, _ =	vpop (xrf0)  }
0x1c9: {  	(v2sf) =	vpush v5, $0xF;
	_ =	sdelay $0xe  }
0x1ca: {  	s18 =	spop (v2sf)  }
0x1cb: {  	s18 =	sxor.u32 $0x80000000, s18  }
0x1cc: {  	v7 =	vmov s18  }
.Ltmp20:
0x1cd: {  	_ = 	snop;
	(pc) =	sbr.rel @p0 .LBB2_45-.Ltmp20, $3  }
0x1ce: {  	_ =	sdelay $0x1  }
0x1cf: {  	v5 =	vimm.f32 $-Inf  }
0x1d0: {  	v8 =	vimm.s32 $0xC0000000;
	v6 =	vimm.s32 $0xC0000000;
	[tilespmem:v7+s12+$0x0] =	vst.idx.msk $0x1, v5;
	v7 =	vimm.f32 $-Inf  }
0x1d1: {  	p2 =	sne.s32 s15, $0x1  }
.Ltmp21:
0x1d2: {  	_ = 	snop;
	(pc) =	sbr.rel @!p2 .LBB2_39-.Ltmp21, $3  }
0x1d3: {  	_ =	sdelay $0x1  }
0x1d4: {  	s19 =	simm.s32 $0x2080  }
0x1d5: {  	v8 =	vimm.s32 $0x40000000;
	s20 =	sadd.s32 $0xFFFFFFFF, s15;
	p1 =	por $0x0, $0x0;
	v7 =	vld [tilespmem:s19+$0x0]  }
0x1d6: {  	_ =	sdelay $0x2  }
0x1d7: {  	p2 =	sne.s32 s20, $0x1  }
.Ltmp22:
0x1d8: {  	_ = 	snop;
	(pc) =	sbr.rel @!p2 .LBB2_41-.Ltmp22, $4  }
0x1d9: {  	_ = 	snop  }
0x1da: {  	s19 =	simm.s32 $0x2090  }
0x1db: {  	v12 =	vld [tilespmem:s19+$0x0]  }
0x1dc: {  	s20 =	sadd.s32 $0xFFFFFFFF, s20;
	p1 =	por $0x1, $0x1;
	v10 =	vimm.f32 $-Inf;
	v11 =	vimm.s32 $0x40000000;
	v9 =	vld.idx.msk [tilespmem:v7+s12+$0x0], $0xffff  }
.LBB2_42:
0x1dd: {  	p2 =	sne.s32 s20, $0x1;
	_ =	sdelay $0x3  }
.Ltmp23:
0x1de: {  	vm14 =	vlt.s32 v7, v11;
	vm0 =	veq.f32 v9, v10;
	(pc) =	sbr.rel @p2 .LBB2_42-.Ltmp23, $4  }
0x1df: {  	vm15 =	vgt.f32 v9, v10;
	vm0 =	vmand vm14, vm0  }
0x1e0: {  	vm0 =	vmor vm15, vm0  }
0x1e1: {  	s19 =	sadd.s32 $0x10, s19;
	v10 =	vsel vm0, v9, v10;
	v11 =	vsel vm0, v7, v11;
	v7 =	vmov v12;
	v9 =	vld.idx.msk [tilespmem:v12+s12+$0x0], $0xffff  }
0x1e2: {  	s20 =	sadd.s32 $0xFFFFFFFF, s20;
	v12 =	vld [tilespmem:s19+$0x0]  }
0x1e3: {  	_ =	sdelay $0x3  }
0x1e4: {  	v13 =	vmov v7;
	v7 =	vmov v12  }
.LBB2_44:
0x1e5: {  	_ =	sdelay $0x3  }
0x1e6: {  	vm0 =	veq.f32 @p1 v9, v10;
	vm14 =	vlt.s32 @p1 v13, v11;
	v12 =	vld.idx.msk [tilespmem:v7+s12+$0x0], $0xffff  }
0x1e7: {  	vm0 =	vmand @p1 vm14, vm0;
	vm14 =	vgt.f32 @p1 v9, v10  }
0x1e8: {  	vm0 =	vmor @p1 vm14, vm0  }
0x1e9: {  	v9 =	vsel @p1 vm0, v9, v10;
	v10 =	vsel @p1 vm0, v13, v11  }
0x1ea: {  	v9 =	vpsel p1, v9, v5;
	v8 =	vpsel p1, v10, v8  }
0x1eb: {  	vm0 =	veq.f32 v12, v9;
	vm14 =	vlt.s32 v7, v8  }
0x1ec: {  	vm15 =	vgt.f32 v12, v9;
	vm0 =	vmand vm14, vm0  }
0x1ed: {  	vm0 =	vmor vm15, vm0  }
0x1ee: {  	v8 =	vsel vm0, v7, v8  }
0x1ef: {  	v7 =	vsel vm0, v12, v9;
	v8 =	vxor.u32 $0x80000000, v8  }
.LBB2_45:
0x1f0: {  	(xrf0) =	vmax.scan.msk.f32 $0xffff, v7;
	_ =	sdelay $0x5  }
0x1f1: {  	v9, _, _ =	vpop (xrf0)  }
0x1f2: {  	v9 =	vbroadcast v9, $0xF;
	_ =	sdelay $0x1  }
0x1f3: {  	vm0 =	veq.f32 v7, v9  }
0x1f4: {  	v7 =	vnsel vm0, $0xC0000000, v8  }
0x1f5: {  	(xrf0) =	vmin.scan.msk.u32 $0xffff, v7;
	_ =	sdelay $0x5  }
0x1f6: {  	v7, _, _ =	vpop (xrf0)  }
0x1f7: {  	(v2sf) =	vpush v7, $0xF;
	_ =	sdelay $0xe  }
0x1f8: {  	s19 =	spop (v2sf)  }
0x1f9: {  	s19 =	sxor.u32 $0x80000000, s19  }
0x1fa: {  	v7 =	vmov s19  }
.Ltmp24:
0x1fb: {  	_ = 	snop;
	(pc) =	sbr.rel @p0 .LBB2_53-.Ltmp24, $2  }
0x1fc: {  	_ =	sdelay $0x2  }
0x1fd: {  	[tilespmem:v7+s12+$0x0] =	vst.idx.msk $0x1, v5  }
0x1fe: {  	p2 =	sne.s32 s15, $0x1  }
.Ltmp25:
0x1ff: {  	_ = 	snop;
	(pc) =	sbr.rel @!p2 .LBB2_47-.Ltmp25, $3  }
0x200: {  	_ =	sdelay $0x1  }
0x201: {  	s20 =	simm.s32 $0x2080  }
0x202: {  	v7 =	vimm.s32 $0x40000000;
	s21 =	sadd.s32 $0xFFFFFFFF, s15;
	p1 =	por $0x0, $0x0;
	v6 =	vld [tilespmem:s20+$0x0]  }
0x203: {  	_ =	sdelay $0x2  }
0x204: {  	p2 =	sne.s32 s21, $0x1  }
.Ltmp26:
0x205: {  	_ = 	snop;
	(pc) =	sbr.rel @!p2 .LBB2_49-.Ltmp26, $4  }
0x206: {  	_ = 	snop  }
0x207: {  	s20 =	simm.s32 $0x2090  }
0x208: {  	v11 =	vld [tilespmem:s20+$0x0]  }
0x209: {  	s21 =	sadd.s32 $0xFFFFFFFF, s21;
	p1 =	por $0x1, $0x1;
	v9 =	vimm.f32 $-Inf;
	v10 =	vimm.s32 $0x40000000;
	v8 =	vld.idx.msk [tilespmem:v6+s12+$0x0], $0xffff  }
.LBB2_50:
0x20a: {  	p2 =	sne.s32 s21, $0x1;
	_ =	sdelay $0x3  }
.Ltmp27:
0x20b: {  	vm14 =	vlt.s32 v6, v10;
	vm0 =	veq.f32 v8, v9;
	(pc) =	sbr.rel @p2 .LBB2_50-.Ltmp27, $4  }
0x20c: {  	vm15 =	vgt.f32 v8, v9;
	vm0 =	vmand vm14, vm0  }
0x20d: {  	vm0 =	vmor vm15, vm0  }
0x20e: {  	s20 =	sadd.s32 $0x10, s20;
	v9 =	vsel vm0, v8, v9;
	v10 =	vsel vm0, v6, v10;
	v6 =	vmov v11;
	v8 =	vld.idx.msk [tilespmem:v11+s12+$0x0], $0xffff  }
0x20f: {  	s21 =	sadd.s32 $0xFFFFFFFF, s21;
	v11 =	vld [tilespmem:s20+$0x0]  }
0x210: {  	_ =	sdelay $0x3  }
0x211: {  	v12 =	vmov v6;
	v6 =	vmov v11  }
.LBB2_52:
0x212: {  	_ =	sdelay $0x3  }
0x213: {  	vm0 =	veq.f32 @p1 v8, v9;
	vm14 =	vlt.s32 @p1 v12, v10;
	v11 =	vld.idx.msk [tilespmem:v6+s12+$0x0], $0xffff  }
0x214: {  	vm0 =	vmand @p1 vm14, vm0;
	vm14 =	vgt.f32 @p1 v8, v9  }
0x215: {  	vm0 =	vmor @p1 vm14, vm0  }
0x216: {  	v8 =	vsel @p1 vm0, v8, v9;
	v9 =	vsel @p1 vm0, v12, v10  }
0x217: {  	v5 =	vpsel p1, v8, v5;
	v7 =	vpsel p1, v9, v7  }
0x218: {  	vm0 =	veq.f32 v11, v5;
	vm14 =	vlt.s32 v6, v7  }
0x219: {  	vm15 =	vgt.f32 v11, v5;
	vm0 =	vmand vm14, vm0  }
0x21a: {  	vm0 =	vmor vm15, vm0  }
0x21b: {  	v6 =	vsel vm0, v6, v7  }
0x21c: {  	v5 =	vsel vm0, v11, v5;
	v6 =	vxor.u32 $0x80000000, v6  }
.LBB2_53:
0x21d: {  	(xrf0) =	vmax.scan.msk.f32 $0xffff, v5;
	_ =	sdelay $0x5  }
0x21e: {  	v7, _, _ =	vpop (xrf0)  }
0x21f: {  	v7 =	vbroadcast v7, $0xF;
	_ =	sdelay $0x1  }
0x220: {  	vm0 =	veq.f32 v5, v7  }
0x221: {  	v5 =	vnsel vm0, $0xC0000000, v6  }
0x222: {  	(xrf0) =	vmin.scan.msk.u32 $0xffff, v5;
	_ =	sdelay $0x5  }
0x223: {  	v5, _, _ =	vpop (xrf0)  }
0x224: {  	(v2sf) =	vpush v5, $0xF;
	_ =	sdelay $0xe  }
0x225: {  	s20 =	spop (v2sf)  }
0x226: {  	s20 =	sxor.u32 $0x80000000, s20  }
0x227: {  	v7 =	vmov s20  }
.Ltmp28:
0x228: {  	_ = 	snop;
	(pc) =	sbr.rel @p0 .LBB2_61-.Ltmp28, $3  }
0x229: {  	_ =	sdelay $0x1  }
0x22a: {  	v5 =	vimm.f32 $-Inf  }
0x22b: {  	v8 =	vimm.s32 $0xC0000000;
	v6 =	vimm.s32 $0xC0000000;
	[tilespmem:v7+s12+$0x0] =	vst.idx.msk $0x1, v5;
	v7 =	vimm.f32 $-Inf  }
0x22c: {  	p2 =	sne.s32 s15, $0x1  }
.Ltmp29:
0x22d: {  	_ = 	snop;
	(pc) =	sbr.rel @!p2 .LBB2_55-.Ltmp29, $3  }
0x22e: {  	_ =	sdelay $0x1  }
0x22f: {  	s21 =	simm.s32 $0x2080  }
0x230: {  	v8 =	vimm.s32 $0x40000000;
	s22 =	sadd.s32 $0xFFFFFFFF, s15;
	p1 =	por $0x0, $0x0;
	v7 =	vld [tilespmem:s21+$0x0]  }
0x231: {  	_ =	sdelay $0x2  }
0x232: {  	p2 =	sne.s32 s22, $0x1  }
.Ltmp30:
0x233: {  	_ = 	snop;
	(pc) =	sbr.rel @!p2 .LBB2_57-.Ltmp30, $4  }
0x234: {  	_ = 	snop  }
0x235: {  	s21 =	simm.s32 $0x2090  }
0x236: {  	v12 =	vld [tilespmem:s21+$0x0]  }
0x237: {  	s22 =	sadd.s32 $0xFFFFFFFF, s22;
	p1 =	por $0x1, $0x1;
	v10 =	vimm.f32 $-Inf;
	v11 =	vimm.s32 $0x40000000;
	v9 =	vld.idx.msk [tilespmem:v7+s12+$0x0], $0xffff  }
.LBB2_58:
0x238: {  	p2 =	sne.s32 s22, $0x1;
	_ =	sdelay $0x3  }
.Ltmp31:
0x239: {  	vm14 =	vlt.s32 v7, v11;
	vm0 =	veq.f32 v9, v10;
	(pc) =	sbr.rel @p2 .LBB2_58-.Ltmp31, $4  }
0x23a: {  	vm15 =	vgt.f32 v9, v10;
	vm0 =	vmand vm14, vm0  }
0x23b: {  	vm0 =	vmor vm15, vm0  }
0x23c: {  	s21 =	sadd.s32 $0x10, s21;
	v10 =	vsel vm0, v9, v10;
	v11 =	vsel vm0, v7, v11;
	v7 =	vmov v12;
	v9 =	vld.idx.msk [tilespmem:v12+s12+$0x0], $0xffff  }
0x23d: {  	s22 =	sadd.s32 $0xFFFFFFFF, s22;
	v12 =	vld [tilespmem:s21+$0x0]  }
0x23e: {  	_ =	sdelay $0x3  }
0x23f: {  	v13 =	vmov v7;
	v7 =	vmov v12  }
.LBB2_60:
0x240: {  	_ =	sdelay $0x3  }
0x241: {  	vm0 =	veq.f32 @p1 v9, v10;
	vm14 =	vlt.s32 @p1 v13, v11;
	v12 =	vld.idx.msk [tilespmem:v7+s12+$0x0], $0xffff  }
0x242: {  	vm0 =	vmand @p1 vm14, vm0;
	vm14 =	vgt.f32 @p1 v9, v10  }
0x243: {  	vm0 =	vmor @p1 vm14, vm0  }
0x244: {  	v9 =	vsel @p1 vm0, v9, v10;
	v10 =	vsel @p1 vm0, v13, v11  }
0x245: {  	v9 =	vpsel p1, v9, v5;
	v8 =	vpsel p1, v10, v8  }
0x246: {  	vm0 =	veq.f32 v12, v9;
	vm14 =	vlt.s32 v7, v8  }
0x247: {  	vm15 =	vgt.f32 v12, v9;
	vm0 =	vmand vm14, vm0  }
0x248: {  	vm0 =	vmor vm15, vm0  }
0x249: {  	v8 =	vsel vm0, v7, v8  }
0x24a: {  	v7 =	vsel vm0, v12, v9;
	v8 =	vxor.u32 $0x80000000, v8  }
.LBB2_61:
0x24b: {  	(xrf0) =	vmax.scan.msk.f32 $0xffff, v7;
	_ =	sdelay $0x5  }
0x24c: {  	v9, _, _ =	vpop (xrf0)  }
0x24d: {  	v9 =	vbroadcast v9, $0xF;
	_ =	sdelay $0x1  }
0x24e: {  	vm0 =	veq.f32 v7, v9  }
0x24f: {  	v7 =	vnsel vm0, $0xC0000000, v8  }
0x250: {  	(xrf0) =	vmin.scan.msk.u32 $0xffff, v7;
	_ =	sdelay $0x5  }
0x251: {  	v7, _, _ =	vpop (xrf0)  }
0x252: {  	(v2sf) =	vpush v7, $0xF;
	_ =	sdelay $0xe  }
0x253: {  	s21 =	spop (v2sf)  }
0x254: {  	s21 =	sxor.u32 $0x80000000, s21  }
0x255: {  	v7 =	vmov s21  }
.Ltmp32:
0x256: {  	_ = 	snop;
	(pc) =	sbr.rel @p0 .LBB2_69-.Ltmp32, $2  }
0x257: {  	_ =	sdelay $0x2  }
0x258: {  	[tilespmem:v7+s12+$0x0] =	vst.idx.msk $0x1, v5  }
0x259: {  	p2 =	sne.s32 s15, $0x1  }
.Ltmp33:
0x25a: {  	_ = 	snop;
	(pc) =	sbr.rel @!p2 .LBB2_63-.Ltmp33, $3  }
0x25b: {  	_ =	sdelay $0x1  }
0x25c: {  	s22 =	simm.s32 $0x2080  }
0x25d: {  	v7 =	vimm.s32 $0x40000000;
	s23 =	sadd.s32 $0xFFFFFFFF, s15;
	p1 =	por $0x0, $0x0;
	v6 =	vld [tilespmem:s22+$0x0]  }
0x25e: {  	_ =	sdelay $0x2  }
0x25f: {  	p2 =	sne.s32 s23, $0x1  }
.Ltmp34:
0x260: {  	_ = 	snop;
	(pc) =	sbr.rel @!p2 .LBB2_65-.Ltmp34, $4  }
0x261: {  	_ = 	snop  }
0x262: {  	s22 =	simm.s32 $0x2090  }
0x263: {  	v11 =	vld [tilespmem:s22+$0x0]  }
0x264: {  	s23 =	sadd.s32 $0xFFFFFFFF, s23;
	p1 =	por $0x1, $0x1;
	v9 =	vimm.f32 $-Inf;
	v10 =	vimm.s32 $0x40000000;
	v8 =	vld.idx.msk [tilespmem:v6+s12+$0x0], $0xffff  }
.LBB2_66:
0x265: {  	p2 =	sne.s32 s23, $0x1;
	_ =	sdelay $0x3  }
.Ltmp35:
0x266: {  	vm14 =	vlt.s32 v6, v10;
	vm0 =	veq.f32 v8, v9;
	(pc) =	sbr.rel @p2 .LBB2_66-.Ltmp35, $4  }
0x267: {  	vm15 =	vgt.f32 v8, v9;
	vm0 =	vmand vm14, vm0  }
0x268: {  	vm0 =	vmor vm15, vm0  }
0x269: {  	s22 =	sadd.s32 $0x10, s22;
	v9 =	vsel vm0, v8, v9;
	v10 =	vsel vm0, v6, v10;
	v6 =	vmov v11;
	v8 =	vld.idx.msk [tilespmem:v11+s12+$0x0], $0xffff  }
0x26a: {  	s23 =	sadd.s32 $0xFFFFFFFF, s23;
	v11 =	vld [tilespmem:s22+$0x0]  }
0x26b: {  	_ =	sdelay $0x3  }
0x26c: {  	v12 =	vmov v6;
	v6 =	vmov v11  }
.LBB2_68:
0x26d: {  	_ =	sdelay $0x3  }
0x26e: {  	vm0 =	veq.f32 @p1 v8, v9;
	vm14 =	vlt.s32 @p1 v12, v10;
	v11 =	vld.idx.msk [tilespmem:v6+s12+$0x0], $0xffff  }
0x26f: {  	vm0 =	vmand @p1 vm14, vm0;
	vm14 =	vgt.f32 @p1 v8, v9  }
0x270: {  	vm0 =	vmor @p1 vm14, vm0  }
0x271: {  	v8 =	vsel @p1 vm0, v8, v9;
	v9 =	vsel @p1 vm0, v12, v10  }
0x272: {  	v5 =	vpsel p1, v8, v5;
	v7 =	vpsel p1, v9, v7  }
0x273: {  	vm0 =	veq.f32 v11, v5;
	vm14 =	vlt.s32 v6, v7  }
0x274: {  	vm15 =	vgt.f32 v11, v5;
	vm0 =	vmand vm14, vm0  }
0x275: {  	vm0 =	vmor vm15, vm0  }
0x276: {  	v6 =	vsel vm0, v6, v7  }
0x277: {  	v5 =	vsel vm0, v11, v5;
	v6 =	vxor.u32 $0x80000000, v6  }
.LBB2_69:
0x278: {  	(xrf0) =	vmax.scan.msk.f32 $0xffff, v5;
	_ =	sdelay $0x5  }
0x279: {  	v7, _, _ =	vpop (xrf0)  }
0x27a: {  	v7 =	vbroadcast v7, $0xF;
	_ =	sdelay $0x1  }
0x27b: {  	vm0 =	veq.f32 v5, v7  }
0x27c: {  	v5 =	vnsel vm0, $0xC0000000, v6  }
0x27d: {  	(xrf0) =	vmin.scan.msk.u32 $0xffff, v5;
	_ =	sdelay $0x5  }
0x27e: {  	v5, _, _ =	vpop (xrf0)  }
0x27f: {  	(v2sf) =	vpush v5, $0xF;
	_ =	sdelay $0xe  }
0x280: {  	s22 =	spop (v2sf)  }
0x281: {  	s22 =	sxor.u32 $0x80000000, s22  }
0x282: {  	v7 =	vmov s22  }
.Ltmp36:
0x283: {  	_ = 	snop;
	(pc) =	sbr.rel @p0 .LBB2_77-.Ltmp36, $3  }
0x284: {  	_ =	sdelay $0x1  }
0x285: {  	v5 =	vimm.f32 $-Inf  }
0x286: {  	v8 =	vimm.s32 $0xC0000000;
	v6 =	vimm.s32 $0xC0000000;
	[tilespmem:v7+s12+$0x0] =	vst.idx.msk $0x1, v5;
	v7 =	vimm.f32 $-Inf  }
0x287: {  	p2 =	sne.s32 s15, $0x1  }
.Ltmp37:
0x288: {  	_ = 	snop;
	(pc) =	sbr.rel @!p2 .LBB2_71-.Ltmp37, $3  }
0x289: {  	_ =	sdelay $0x1  }
0x28a: {  	s23 =	simm.s32 $0x2080  }
0x28b: {  	v8 =	vimm.s32 $0x40000000;
	s24 =	sadd.s32 $0xFFFFFFFF, s15;
	p1 =	por $0x0, $0x0;
	v7 =	vld [tilespmem:s23+$0x0]  }
0x28c: {  	_ =	sdelay $0x2  }
0x28d: {  	p2 =	sne.s32 s24, $0x1  }
.Ltmp38:
0x28e: {  	_ = 	snop;
	(pc) =	sbr.rel @!p2 .LBB2_73-.Ltmp38, $4  }
0x28f: {  	_ = 	snop  }
0x290: {  	s23 =	simm.s32 $0x2090  }
0x291: {  	v12 =	vld [tilespmem:s23+$0x0]  }
0x292: {  	s24 =	sadd.s32 $0xFFFFFFFF, s24;
	p1 =	por $0x1, $0x1;
	v10 =	vimm.f32 $-Inf;
	v11 =	vimm.s32 $0x40000000;
	v9 =	vld.idx.msk [tilespmem:v7+s12+$0x0], $0xffff  }
.LBB2_74:
0x293: {  	p2 =	sne.s32 s24, $0x1;
	_ =	sdelay $0x3  }
.Ltmp39:
0x294: {  	vm14 =	vlt.s32 v7, v11;
	vm0 =	veq.f32 v9, v10;
	(pc) =	sbr.rel @p2 .LBB2_74-.Ltmp39, $4  }
0x295: {  	vm15 =	vgt.f32 v9, v10;
	vm0 =	vmand vm14, vm0  }
0x296: {  	vm0 =	vmor vm15, vm0  }
0x297: {  	s23 =	sadd.s32 $0x10, s23;
	v10 =	vsel vm0, v9, v10;
	v11 =	vsel vm0, v7, v11;
	v7 =	vmov v12;
	v9 =	vld.idx.msk [tilespmem:v12+s12+$0x0], $0xffff  }
0x298: {  	s24 =	sadd.s32 $0xFFFFFFFF, s24;
	v12 =	vld [tilespmem:s23+$0x0]  }
0x299: {  	_ =	sdelay $0x3  }
0x29a: {  	v13 =	vmov v7;
	v7 =	vmov v12  }
.LBB2_76:
0x29b: {  	_ =	sdelay $0x3  }
0x29c: {  	vm0 =	veq.f32 @p1 v9, v10;
	vm14 =	vlt.s32 @p1 v13, v11;
	v12 =	vld.idx.msk [tilespmem:v7+s12+$0x0], $0xffff  }
0x29d: {  	vm0 =	vmand @p1 vm14, vm0;
	vm14 =	vgt.f32 @p1 v9, v10  }
0x29e: {  	vm0 =	vmor @p1 vm14, vm0  }
0x29f: {  	v9 =	vsel @p1 vm0, v9, v10;
	v10 =	vsel @p1 vm0, v13, v11  }
0x2a0: {  	v9 =	vpsel p1, v9, v5;
	v8 =	vpsel p1, v10, v8  }
0x2a1: {  	vm0 =	veq.f32 v12, v9;
	vm14 =	vlt.s32 v7, v8  }
0x2a2: {  	vm15 =	vgt.f32 v12, v9;
	vm0 =	vmand vm14, vm0  }
0x2a3: {  	vm0 =	vmor vm15, vm0  }
0x2a4: {  	v8 =	vsel vm0, v7, v8  }
0x2a5: {  	v7 =	vsel vm0, v12, v9;
	v8 =	vxor.u32 $0x80000000, v8  }
.LBB2_77:
0x2a6: {  	(xrf0) =	vmax.scan.msk.f32 $0xffff, v7;
	_ =	sdelay $0x5  }
0x2a7: {  	v9, _, _ =	vpop (xrf0)  }
0x2a8: {  	v9 =	vbroadcast v9, $0xF;
	_ =	sdelay $0x1  }
0x2a9: {  	vm0 =	veq.f32 v7, v9  }
0x2aa: {  	v7 =	vnsel vm0, $0xC0000000, v8  }
0x2ab: {  	(xrf0) =	vmin.scan.msk.u32 $0xffff, v7;
	_ =	sdelay $0x5  }
0x2ac: {  	v7, _, _ =	vpop (xrf0)  }
0x2ad: {  	(v2sf) =	vpush v7, $0xF;
	_ =	sdelay $0xe  }
0x2ae: {  	s23 =	spop (v2sf)  }
0x2af: {  	s23 =	sxor.u32 $0x80000000, s23  }
0x2b0: {  	v7 =	vmov s23  }
.Ltmp40:
0x2b1: {  	_ = 	snop;
	(pc) =	sbr.rel @p0 .LBB2_85-.Ltmp40, $2  }
0x2b2: {  	_ =	sdelay $0x2  }
0x2b3: {  	[tilespmem:v7+s12+$0x0] =	vst.idx.msk $0x1, v5  }
0x2b4: {  	p2 =	sne.s32 s15, $0x1  }
.Ltmp41:
0x2b5: {  	_ = 	snop;
	(pc) =	sbr.rel @!p2 .LBB2_79-.Ltmp41, $3  }
0x2b6: {  	_ =	sdelay $0x1  }
0x2b7: {  	s24 =	simm.s32 $0x2080  }
0x2b8: {  	v7 =	vimm.s32 $0x40000000;
	s25 =	sadd.s32 $0xFFFFFFFF, s15;
	p1 =	por $0x0, $0x0;
	v6 =	vld [tilespmem:s24+$0x0]  }
0x2b9: {  	_ =	sdelay $0x2  }
0x2ba: {  	p2 =	sne.s32 s25, $0x1  }
.Ltmp42:
0x2bb: {  	_ = 	snop;
	(pc) =	sbr.rel @!p2 .LBB2_81-.Ltmp42, $4  }
0x2bc: {  	_ = 	snop  }
0x2bd: {  	s24 =	simm.s32 $0x2090  }
0x2be: {  	v11 =	vld [tilespmem:s24+$0x0]  }
0x2bf: {  	s25 =	sadd.s32 $0xFFFFFFFF, s25;
	p1 =	por $0x1, $0x1;
	v9 =	vimm.f32 $-Inf;
	v10 =	vimm.s32 $0x40000000;
	v8 =	vld.idx.msk [tilespmem:v6+s12+$0x0], $0xffff  }
.LBB2_82:
0x2c0: {  	p2 =	sne.s32 s25, $0x1;
	_ =	sdelay $0x3  }
.Ltmp43:
0x2c1: {  	vm14 =	vlt.s32 v6, v10;
	vm0 =	veq.f32 v8, v9;
	(pc) =	sbr.rel @p2 .LBB2_82-.Ltmp43, $4  }
0x2c2: {  	vm15 =	vgt.f32 v8, v9;
	vm0 =	vmand vm14, vm0  }
0x2c3: {  	vm0 =	vmor vm15, vm0  }
0x2c4: {  	s24 =	sadd.s32 $0x10, s24;
	v9 =	vsel vm0, v8, v9;
	v10 =	vsel vm0, v6, v10;
	v6 =	vmov v11;
	v8 =	vld.idx.msk [tilespmem:v11+s12+$0x0], $0xffff  }
0x2c5: {  	s25 =	sadd.s32 $0xFFFFFFFF, s25;
	v11 =	vld [tilespmem:s24+$0x0]  }
0x2c6: {  	_ =	sdelay $0x3  }
0x2c7: {  	v12 =	vmov v6;
	v6 =	vmov v11  }
.LBB2_84:
0x2c8: {  	_ =	sdelay $0x3  }
0x2c9: {  	vm0 =	veq.f32 @p1 v8, v9;
	vm14 =	vlt.s32 @p1 v12, v10;
	v11 =	vld.idx.msk [tilespmem:v6+s12+$0x0], $0xffff  }
0x2ca: {  	vm0 =	vmand @p1 vm14, vm0;
	vm14 =	vgt.f32 @p1 v8, v9  }
0x2cb: {  	vm0 =	vmor @p1 vm14, vm0  }
0x2cc: {  	v8 =	vsel @p1 vm0, v8, v9;
	v9 =	vsel @p1 vm0, v12, v10  }
0x2cd: {  	v5 =	vpsel p1, v8, v5;
	v7 =	vpsel p1, v9, v7  }
0x2ce: {  	vm0 =	veq.f32 v11, v5;
	vm14 =	vlt.s32 v6, v7  }
0x2cf: {  	vm15 =	vgt.f32 v11, v5;
	vm0 =	vmand vm14, vm0  }
0x2d0: {  	vm0 =	vmor vm15, vm0  }
0x2d1: {  	v6 =	vsel vm0, v6, v7  }
0x2d2: {  	v5 =	vsel vm0, v11, v5;
	v6 =	vxor.u32 $0x80000000, v6  }
.LBB2_85:
0x2d3: {  	(xrf0) =	vmax.scan.msk.f32 $0xffff, v5;
	_ =	sdelay $0x5  }
0x2d4: {  	v7, _, _ =	vpop (xrf0)  }
0x2d5: {  	v7 =	vbroadcast v7, $0xF;
	_ =	sdelay $0x1  }
0x2d6: {  	vm0 =	veq.f32 v5, v7  }
0x2d7: {  	v5 =	vnsel vm0, $0xC0000000, v6  }
0x2d8: {  	(xrf0) =	vmin.scan.msk.u32 $0xffff, v5;
	_ =	sdelay $0x5  }
0x2d9: {  	v5, _, _ =	vpop (xrf0)  }
0x2da: {  	(v2sf) =	vpush v5, $0xF;
	_ =	sdelay $0xe  }
0x2db: {  	s24 =	spop (v2sf)  }
0x2dc: {  	s24 =	sxor.u32 $0x80000000, s24  }
0x2dd: {  	v7 =	vmov s24  }
.Ltmp44:
0x2de: {  	_ = 	snop;
	(pc) =	sbr.rel @p0 .LBB2_93-.Ltmp44, $3  }
0x2df: {  	_ =	sdelay $0x1  }
0x2e0: {  	v5 =	vimm.f32 $-Inf  }
0x2e1: {  	v8 =	vimm.s32 $0xC0000000;
	v6 =	vimm.s32 $0xC0000000;
	[tilespmem:v7+s12+$0x0] =	vst.idx.msk $0x1, v5;
	v7 =	vimm.f32 $-Inf  }
0x2e2: {  	p2 =	sne.s32 s15, $0x1  }
.Ltmp45:
0x2e3: {  	_ = 	snop;
	(pc) =	sbr.rel @!p2 .LBB2_87-.Ltmp45, $3  }
0x2e4: {  	_ =	sdelay $0x1  }
0x2e5: {  	s25 =	simm.s32 $0x2080  }
0x2e6: {  	v8 =	vimm.s32 $0x40000000;
	s26 =	sadd.s32 $0xFFFFFFFF, s15;
	p1 =	por $0x0, $0x0;
	v7 =	vld [tilespmem:s25+$0x0]  }
0x2e7: {  	_ =	sdelay $0x2  }
0x2e8: {  	p2 =	sne.s32 s26, $0x1  }
.Ltmp46:
0x2e9: {  	_ = 	snop;
	(pc) =	sbr.rel @!p2 .LBB2_89-.Ltmp46, $4  }
0x2ea: {  	_ = 	snop  }
0x2eb: {  	s25 =	simm.s32 $0x2090  }
0x2ec: {  	v12 =	vld [tilespmem:s25+$0x0]  }
0x2ed: {  	s26 =	sadd.s32 $0xFFFFFFFF, s26;
	p1 =	por $0x1, $0x1;
	v10 =	vimm.f32 $-Inf;
	v11 =	vimm.s32 $0x40000000;
	v9 =	vld.idx.msk [tilespmem:v7+s12+$0x0], $0xffff  }
.LBB2_90:
0x2ee: {  	p2 =	sne.s32 s26, $0x1;
	_ =	sdelay $0x3  }
.Ltmp47:
0x2ef: {  	vm14 =	vlt.s32 v7, v11;
	vm0 =	veq.f32 v9, v10;
	(pc) =	sbr.rel @p2 .LBB2_90-.Ltmp47, $4  }
0x2f0: {  	vm15 =	vgt.f32 v9, v10;
	vm0 =	vmand vm14, vm0  }
0x2f1: {  	vm0 =	vmor vm15, vm0  }
0x2f2: {  	s25 =	sadd.s32 $0x10, s25;
	v10 =	vsel vm0, v9, v10;
	v11 =	vsel vm0, v7, v11;
	v7 =	vmov v12;
	v9 =	vld.idx.msk [tilespmem:v12+s12+$0x0], $0xffff  }
0x2f3: {  	s26 =	sadd.s32 $0xFFFFFFFF, s26;
	v12 =	vld [tilespmem:s25+$0x0]  }
0x2f4: {  	_ =	sdelay $0x3  }
0x2f5: {  	v13 =	vmov v7;
	v7 =	vmov v12  }
.LBB2_92:
0x2f6: {  	_ =	sdelay $0x3  }
0x2f7: {  	vm0 =	veq.f32 @p1 v9, v10;
	vm14 =	vlt.s32 @p1 v13, v11;
	v12 =	vld.idx.msk [tilespmem:v7+s12+$0x0], $0xffff  }
0x2f8: {  	vm0 =	vmand @p1 vm14, vm0;
	vm14 =	vgt.f32 @p1 v9, v10  }
0x2f9: {  	vm0 =	vmor @p1 vm14, vm0  }
0x2fa: {  	v9 =	vsel @p1 vm0, v9, v10;
	v10 =	vsel @p1 vm0, v13, v11  }
0x2fb: {  	v9 =	vpsel p1, v9, v5;
	v8 =	vpsel p1, v10, v8  }
0x2fc: {  	vm0 =	veq.f32 v12, v9;
	vm14 =	vlt.s32 v7, v8  }
0x2fd: {  	vm15 =	vgt.f32 v12, v9;
	vm0 =	vmand vm14, vm0  }
0x2fe: {  	vm0 =	vmor vm15, vm0  }
0x2ff: {  	v8 =	vsel vm0, v7, v8  }
0x300: {  	v7 =	vsel vm0, v12, v9;
	v8 =	vxor.u32 $0x80000000, v8  }
.LBB2_93:
0x301: {  	(xrf0) =	vmax.scan.msk.f32 $0xffff, v7;
	_ =	sdelay $0x5  }
0x302: {  	v9, _, _ =	vpop (xrf0)  }
0x303: {  	v9 =	vbroadcast v9, $0xF;
	_ =	sdelay $0x1  }
0x304: {  	vm0 =	veq.f32 v7, v9  }
0x305: {  	v7 =	vnsel vm0, $0xC0000000, v8  }
0x306: {  	(xrf0) =	vmin.scan.msk.u32 $0xffff, v7;
	_ =	sdelay $0x5  }
0x307: {  	v7, _, _ =	vpop (xrf0)  }
0x308: {  	(v2sf) =	vpush v7, $0xF;
	_ =	sdelay $0xe  }
0x309: {  	s25 =	spop (v2sf)  }
0x30a: {  	s25 =	sxor.u32 $0x80000000, s25  }
0x30b: {  	v7 =	vmov s25  }
.Ltmp48:
0x30c: {  	_ = 	snop;
	(pc) =	sbr.rel @p0 .LBB2_101-.Ltmp48, $2  }
0x30d: {  	_ =	sdelay $0x2  }
0x30e: {  	[tilespmem:v7+s12+$0x0] =	vst.idx.msk $0x1, v5  }
0x30f: {  	p2 =	sne.s32 s15, $0x1  }
.Ltmp49:
0x310: {  	_ = 	snop;
	(pc) =	sbr.rel @!p2 .LBB2_95-.Ltmp49, $3  }
0x311: {  	_ =	sdelay $0x1  }
0x312: {  	s26 =	simm.s32 $0x2080  }
0x313: {  	v7 =	vimm.s32 $0x40000000;
	s28 =	sadd.s32 $0xFFFFFFFF, s15;
	p1 =	por $0x0, $0x0;
	v6 =	vld [tilespmem:s26+$0x0]  }
0x314: {  	_ =	sdelay $0x2  }
0x315: {  	p2 =	sne.s32 s28, $0x1  }
.Ltmp50:
0x316: {  	_ = 	snop;
	(pc) =	sbr.rel @!p2 .LBB2_97-.Ltmp50, $4  }
0x317: {  	_ = 	snop  }
0x318: {  	s26 =	simm.s32 $0x2090  }
0x319: {  	v11 =	vld [tilespmem:s26+$0x0]  }
0x31a: {  	s28 =	sadd.s32 $0xFFFFFFFF, s28;
	p1 =	por $0x1, $0x1;
	v9 =	vimm.f32 $-Inf;
	v10 =	vimm.s32 $0x40000000;
	v8 =	vld.idx.msk [tilespmem:v6+s12+$0x0], $0xffff  }
.LBB2_98:
0x31b: {  	p2 =	sne.s32 s28, $0x1;
	_ =	sdelay $0x3  }
.Ltmp51:
0x31c: {  	vm14 =	vlt.s32 v6, v10;
	vm0 =	veq.f32 v8, v9;
	(pc) =	sbr.rel @p2 .LBB2_98-.Ltmp51, $4  }
0x31d: {  	vm15 =	vgt.f32 v8, v9;
	vm0 =	vmand vm14, vm0  }
0x31e: {  	vm0 =	vmor vm15, vm0  }
0x31f: {  	s26 =	sadd.s32 $0x10, s26;
	v9 =	vsel vm0, v8, v9;
	v10 =	vsel vm0, v6, v10;
	v6 =	vmov v11;
	v8 =	vld.idx.msk [tilespmem:v11+s12+$0x0], $0xffff  }
0x320: {  	s28 =	sadd.s32 $0xFFFFFFFF, s28;
	v11 =	vld [tilespmem:s26+$0x0]  }
0x321: {  	_ =	sdelay $0x3  }
0x322: {  	v12 =	vmov v6;
	v6 =	vmov v11  }
.LBB2_100:
0x323: {  	_ =	sdelay $0x3  }
0x324: {  	vm0 =	veq.f32 @p1 v8, v9;
	vm14 =	vlt.s32 @p1 v12, v10;
	v11 =	vld.idx.msk [tilespmem:v6+s12+$0x0], $0xffff  }
0x325: {  	vm0 =	vmand @p1 vm14, vm0;
	vm14 =	vgt.f32 @p1 v8, v9  }
0x326: {  	vm0 =	vmor @p1 vm14, vm0  }
0x327: {  	v8 =	vsel @p1 vm0, v8, v9;
	v9 =	vsel @p1 vm0, v12, v10  }
0x328: {  	v5 =	vpsel p1, v8, v5;
	v7 =	vpsel p1, v9, v7  }
0x329: {  	vm0 =	veq.f32 v11, v5;
	vm14 =	vlt.s32 v6, v7  }
0x32a: {  	vm15 =	vgt.f32 v11, v5;
	vm0 =	vmand vm14, vm0  }
0x32b: {  	vm0 =	vmor vm15, vm0  }
0x32c: {  	v6 =	vsel vm0, v6, v7  }
0x32d: {  	v5 =	vsel vm0, v11, v5;
	v6 =	vxor.u32 $0x80000000, v6  }
.LBB2_101:
0x32e: {  	(xrf0) =	vmax.scan.msk.f32 $0xffff, v5;
	_ =	sdelay $0x5  }
0x32f: {  	v7, _, _ =	vpop (xrf0)  }
0x330: {  	v7 =	vbroadcast v7, $0xF;
	_ =	sdelay $0x1  }
0x331: {  	vm0 =	veq.f32 v5, v7  }
0x332: {  	v5 =	vnsel vm0, $0xC0000000, v6  }
0x333: {  	(xrf0) =	vmin.scan.msk.u32 $0xffff, v5;
	_ =	sdelay $0x5  }
0x334: {  	v5, _, _ =	vpop (xrf0)  }
0x335: {  	(v2sf) =	vpush v5, $0xF;
	_ =	sdelay $0xe  }
0x336: {  	s26 =	spop (v2sf)  }
0x337: {  	s26 =	sxor.u32 $0x80000000, s26  }
0x338: {  	v7 =	vmov s26  }
.Ltmp52:
0x339: {  	_ = 	snop;
	(pc) =	sbr.rel @p0 .LBB2_109-.Ltmp52, $3  }
0x33a: {  	_ =	sdelay $0x1  }
0x33b: {  	v5 =	vimm.f32 $-Inf  }
0x33c: {  	v8 =	vimm.s32 $0xC0000000;
	v6 =	vimm.s32 $0xC0000000;
	[tilespmem:v7+s12+$0x0] =	vst.idx.msk $0x1, v5;
	v7 =	vimm.f32 $-Inf  }
0x33d: {  	p2 =	sne.s32 s15, $0x1  }
.Ltmp53:
0x33e: {  	_ = 	snop;
	(pc) =	sbr.rel @!p2 .LBB2_103-.Ltmp53, $3  }
0x33f: {  	_ =	sdelay $0x1  }
0x340: {  	s28 =	simm.s32 $0x2080  }
0x341: {  	v8 =	vimm.s32 $0x40000000;
	s29 =	sadd.s32 $0xFFFFFFFF, s15;
	p1 =	por $0x0, $0x0;
	v7 =	vld [tilespmem:s28+$0x0]  }
0x342: {  	_ =	sdelay $0x2  }
0x343: {  	p2 =	sne.s32 s29, $0x1  }
.Ltmp54:
0x344: {  	_ = 	snop;
	(pc) =	sbr.rel @!p2 .LBB2_105-.Ltmp54, $4  }
0x345: {  	_ = 	snop  }
0x346: {  	s28 =	simm.s32 $0x2090  }
0x347: {  	v12 =	vld [tilespmem:s28+$0x0]  }
0x348: {  	s29 =	sadd.s32 $0xFFFFFFFF, s29;
	p1 =	por $0x1, $0x1;
	v10 =	vimm.f32 $-Inf;
	v11 =	vimm.s32 $0x40000000;
	v9 =	vld.idx.msk [tilespmem:v7+s12+$0x0], $0xffff  }
.LBB2_106:
0x349: {  	p2 =	sne.s32 s29, $0x1;
	_ =	sdelay $0x3  }
.Ltmp55:
0x34a: {  	vm14 =	vlt.s32 v7, v11;
	vm0 =	veq.f32 v9, v10;
	(pc) =	sbr.rel @p2 .LBB2_106-.Ltmp55, $4  }
0x34b: {  	vm15 =	vgt.f32 v9, v10;
	vm0 =	vmand vm14, vm0  }
0x34c: {  	vm0 =	vmor vm15, vm0  }
0x34d: {  	s28 =	sadd.s32 $0x10, s28;
	v10 =	vsel vm0, v9, v10;
	v11 =	vsel vm0, v7, v11;
	v7 =	vmov v12;
	v9 =	vld.idx.msk [tilespmem:v12+s12+$0x0], $0xffff  }
0x34e: {  	s29 =	sadd.s32 $0xFFFFFFFF, s29;
	v12 =	vld [tilespmem:s28+$0x0]  }
0x34f: {  	_ =	sdelay $0x3  }
0x350: {  	v13 =	vmov v7;
	v7 =	vmov v12  }
.LBB2_108:
0x351: {  	_ =	sdelay $0x3  }
0x352: {  	vm0 =	veq.f32 @p1 v9, v10;
	vm14 =	vlt.s32 @p1 v13, v11;
	v12 =	vld.idx.msk [tilespmem:v7+s12+$0x0], $0xffff  }
0x353: {  	vm0 =	vmand @p1 vm14, vm0;
	vm14 =	vgt.f32 @p1 v9, v10  }
0x354: {  	vm0 =	vmor @p1 vm14, vm0  }
0x355: {  	v9 =	vsel @p1 vm0, v9, v10;
	v10 =	vsel @p1 vm0, v13, v11  }
0x356: {  	v9 =	vpsel p1, v9, v5;
	v8 =	vpsel p1, v10, v8  }
0x357: {  	vm0 =	veq.f32 v12, v9;
	vm14 =	vlt.s32 v7, v8  }
0x358: {  	vm15 =	vgt.f32 v12, v9;
	vm0 =	vmand vm14, vm0  }
0x359: {  	vm0 =	vmor vm15, vm0  }
0x35a: {  	v8 =	vsel vm0, v7, v8  }
0x35b: {  	v7 =	vsel vm0, v12, v9;
	v8 =	vxor.u32 $0x80000000, v8  }
.LBB2_109:
0x35c: {  	(xrf0) =	vmax.scan.msk.f32 $0xffff, v7;
	_ =	sdelay $0x5  }
0x35d: {  	v9, _, _ =	vpop (xrf0)  }
0x35e: {  	v9 =	vbroadcast v9, $0xF;
	_ =	sdelay $0x1  }
0x35f: {  	vm0 =	veq.f32 v7, v9  }
0x360: {  	v7 =	vnsel vm0, $0xC0000000, v8  }
0x361: {  	(xrf0) =	vmin.scan.msk.u32 $0xffff, v7;
	_ =	sdelay $0x5  }
0x362: {  	v7, _, _ =	vpop (xrf0)  }
0x363: {  	(v2sf) =	vpush v7, $0xF;
	_ =	sdelay $0xe  }
0x364: {  	s28 =	spop (v2sf)  }
0x365: {  	s28 =	sxor.u32 $0x80000000, s28  }
0x366: {  	v7 =	vmov s28  }
.Ltmp56:
0x367: {  	_ = 	snop;
	(pc) =	sbr.rel @p0 .LBB2_117-.Ltmp56, $2  }
0x368: {  	_ =	sdelay $0x2  }
0x369: {  	[tilespmem:v7+s12+$0x0] =	vst.idx.msk $0x1, v5  }
0x36a: {  	p2 =	sne.s32 s15, $0x1  }
.Ltmp57:
0x36b: {  	_ = 	snop;
	(pc) =	sbr.rel @!p2 .LBB2_111-.Ltmp57, $3  }
0x36c: {  	_ =	sdelay $0x1  }
0x36d: {  	s29 =	simm.s32 $0x2080  }
0x36e: {  	v7 =	vimm.s32 $0x40000000;
	s30 =	sadd.s32 $0xFFFFFFFF, s15;
	p1 =	por $0x0, $0x0;
	v6 =	vld [tilespmem:s29+$0x0]  }
0x36f: {  	_ =	sdelay $0x2  }
0x370: {  	p2 =	sne.s32 s30, $0x1  }
.Ltmp58:
0x371: {  	_ = 	snop;
	(pc) =	sbr.rel @!p2 .LBB2_113-.Ltmp58, $4  }
0x372: {  	_ = 	snop  }
0x373: {  	s29 =	simm.s32 $0x2090  }
0x374: {  	v11 =	vld [tilespmem:s29+$0x0]  }
0x375: {  	s30 =	sadd.s32 $0xFFFFFFFF, s30;
	p1 =	por $0x1, $0x1;
	v9 =	vimm.f32 $-Inf;
	v10 =	vimm.s32 $0x40000000;
	v8 =	vld.idx.msk [tilespmem:v6+s12+$0x0], $0xffff  }
.LBB2_114:
0x376: {  	p2 =	sne.s32 s30, $0x1;
	_ =	sdelay $0x3  }
.Ltmp59:
0x377: {  	vm14 =	vlt.s32 v6, v10;
	vm0 =	veq.f32 v8, v9;
	(pc) =	sbr.rel @p2 .LBB2_114-.Ltmp59, $4  }
0x378: {  	vm15 =	vgt.f32 v8, v9;
	vm0 =	vmand vm14, vm0  }
0x379: {  	vm0 =	vmor vm15, vm0  }
0x37a: {  	s29 =	sadd.s32 $0x10, s29;
	v9 =	vsel vm0, v8, v9;
	v10 =	vsel vm0, v6, v10;
	v6 =	vmov v11;
	v8 =	vld.idx.msk [tilespmem:v11+s12+$0x0], $0xffff  }
0x37b: {  	s30 =	sadd.s32 $0xFFFFFFFF, s30;
	v11 =	vld [tilespmem:s29+$0x0]  }
0x37c: {  	_ =	sdelay $0x3  }
0x37d: {  	v12 =	vmov v6;
	v6 =	vmov v11  }
.LBB2_116:
0x37e: {  	_ =	sdelay $0x3  }
0x37f: {  	vm0 =	veq.f32 @p1 v8, v9;
	vm14 =	vlt.s32 @p1 v12, v10;
	v11 =	vld.idx.msk [tilespmem:v6+s12+$0x0], $0xffff  }
0x380: {  	vm0 =	vmand @p1 vm14, vm0;
	vm14 =	vgt.f32 @p1 v8, v9  }
0x381: {  	vm0 =	vmor @p1 vm14, vm0  }
0x382: {  	v8 =	vsel @p1 vm0, v8, v9;
	v9 =	vsel @p1 vm0, v12, v10  }
0x383: {  	v5 =	vpsel p1, v8, v5;
	v7 =	vpsel p1, v9, v7  }
0x384: {  	vm0 =	veq.f32 v11, v5;
	vm14 =	vlt.s32 v6, v7  }
0x385: {  	vm15 =	vgt.f32 v11, v5;
	vm0 =	vmand vm14, vm0  }
0x386: {  	vm0 =	vmor vm15, vm0  }
0x387: {  	v6 =	vsel vm0, v6, v7  }
0x388: {  	v5 =	vsel vm0, v11, v5;
	v6 =	vxor.u32 $0x80000000, v6  }
.LBB2_117:
0x389: {  	(xrf0) =	vmax.scan.msk.f32 $0xffff, v5;
	_ =	sdelay $0x5  }
0x38a: {  	v7, _, _ =	vpop (xrf0)  }
0x38b: {  	v7 =	vbroadcast v7, $0xF;
	_ =	sdelay $0x1  }
0x38c: {  	vm0 =	veq.f32 v5, v7  }
0x38d: {  	v5 =	vnsel vm0, $0xC0000000, v6  }
0x38e: {  	(xrf0) =	vmin.scan.msk.u32 $0xffff, v5;
	_ =	sdelay $0x5  }
0x38f: {  	v5, _, _ =	vpop (xrf0)  }
0x390: {  	(v2sf) =	vpush v5, $0xF;
	_ =	sdelay $0xe  }
0x391: {  	s29 =	spop (v2sf)  }
0x392: {  	s29 =	sxor.u32 $0x80000000, s29  }
0x393: {  	v7 =	vmov s29  }
.Ltmp60:
0x394: {  	_ = 	snop;
	(pc) =	sbr.rel @p0 .LBB2_125-.Ltmp60, $3  }
0x395: {  	_ =	sdelay $0x1  }
0x396: {  	v5 =	vimm.f32 $-Inf  }
0x397: {  	v8 =	vimm.s32 $0xC0000000;
	v6 =	vimm.s32 $0xC0000000;
	[tilespmem:v7+s12+$0x0] =	vst.idx.msk $0x1, v5;
	v7 =	vimm.f32 $-Inf  }
0x398: {  	p2 =	sne.s32 s15, $0x1  }
.Ltmp61:
0x399: {  	_ = 	snop;
	(pc) =	sbr.rel @!p2 .LBB2_119-.Ltmp61, $3  }
0x39a: {  	_ =	sdelay $0x1  }
0x39b: {  	s30 =	simm.s32 $0x2080  }
0x39c: {  	v8 =	vimm.s32 $0x40000000;
	s31 =	sadd.s32 $0xFFFFFFFF, s15;
	p1 =	por $0x0, $0x0;
	v7 =	vld [tilespmem:s30+$0x0]  }
0x39d: {  	_ =	sdelay $0x2  }
0x39e: {  	p2 =	sne.s32 s31, $0x1  }
.Ltmp62:
0x39f: {  	_ = 	snop;
	(pc) =	sbr.rel @!p2 .LBB2_121-.Ltmp62, $4  }
0x3a0: {  	_ = 	snop  }
0x3a1: {  	s30 =	simm.s32 $0x2090  }
0x3a2: {  	v12 =	vld [tilespmem:s30+$0x0]  }
0x3a3: {  	s31 =	sadd.s32 $0xFFFFFFFF, s31;
	p1 =	por $0x1, $0x1;
	v10 =	vimm.f32 $-Inf;
	v11 =	vimm.s32 $0x40000000;
	v9 =	vld.idx.msk [tilespmem:v7+s12+$0x0], $0xffff  }
.LBB2_122:
0x3a4: {  	p2 =	sne.s32 s31, $0x1;
	_ =	sdelay $0x3  }
.Ltmp63:
0x3a5: {  	vm14 =	vlt.s32 v7, v11;
	vm0 =	veq.f32 v9, v10;
	(pc) =	sbr.rel @p2 .LBB2_122-.Ltmp63, $4  }
0x3a6: {  	vm15 =	vgt.f32 v9, v10;
	vm0 =	vmand vm14, vm0  }
0x3a7: {  	vm0 =	vmor vm15, vm0  }
0x3a8: {  	s30 =	sadd.s32 $0x10, s30;
	v10 =	vsel vm0, v9, v10;
	v11 =	vsel vm0, v7, v11;
	v7 =	vmov v12;
	v9 =	vld.idx.msk [tilespmem:v12+s12+$0x0], $0xffff  }
0x3a9: {  	s31 =	sadd.s32 $0xFFFFFFFF, s31;
	v12 =	vld [tilespmem:s30+$0x0]  }
0x3aa: {  	_ =	sdelay $0x3  }
0x3ab: {  	v13 =	vmov v7;
	v7 =	vmov v12  }
.LBB2_124:
0x3ac: {  	_ =	sdelay $0x3  }
0x3ad: {  	vm0 =	veq.f32 @p1 v9, v10;
	vm14 =	vlt.s32 @p1 v13, v11;
	v12 =	vld.idx.msk [tilespmem:v7+s12+$0x0], $0xffff  }
0x3ae: {  	vm0 =	vmand @p1 vm14, vm0;
	vm14 =	vgt.f32 @p1 v9, v10  }
0x3af: {  	vm0 =	vmor @p1 vm14, vm0  }
0x3b0: {  	v9 =	vsel @p1 vm0, v9, v10;
	v10 =	vsel @p1 vm0, v13, v11  }
0x3b1: {  	v9 =	vpsel p1, v9, v5;
	v8 =	vpsel p1, v10, v8  }
0x3b2: {  	vm0 =	veq.f32 v12, v9;
	vm14 =	vlt.s32 v7, v8  }
0x3b3: {  	vm15 =	vgt.f32 v12, v9;
	vm0 =	vmand vm14, vm0  }
0x3b4: {  	vm0 =	vmor vm15, vm0  }
0x3b5: {  	v8 =	vsel vm0, v7, v8  }
0x3b6: {  	v7 =	vsel vm0, v12, v9;
	v8 =	vxor.u32 $0x80000000, v8  }
.LBB2_125:
0x3b7: {  	(xrf0) =	vmax.scan.msk.f32 $0xffff, v7;
	_ =	sdelay $0x5  }
0x3b8: {  	v9, _, _ =	vpop (xrf0)  }
0x3b9: {  	v9 =	vbroadcast v9, $0xF;
	_ =	sdelay $0x1  }
0x3ba: {  	vm0 =	veq.f32 v7, v9  }
0x3bb: {  	v7 =	vnsel vm0, $0xC0000000, v8  }
0x3bc: {  	(xrf0) =	vmin.scan.msk.u32 $0xffff, v7;
	_ =	sdelay $0x5  }
0x3bd: {  	v7, _, _ =	vpop (xrf0)  }
0x3be: {  	(v2sf) =	vpush v7, $0xF;
	_ =	sdelay $0xe  }
0x3bf: {  	s30 =	spop (v2sf)  }
0x3c0: {  	s30 =	sxor.u32 $0x80000000, s30  }
0x3c1: {  	v7 =	vmov s30  }
.Ltmp64:
0x3c2: {  	_ = 	snop;
	(pc) =	sbr.rel @p0 .LBB2_133-.Ltmp64, $2  }
0x3c3: {  	_ =	sdelay $0x2  }
0x3c4: {  	[tilespmem:v7+s12+$0x0] =	vst.idx.msk $0x1, v5  }
0x3c5: {  	p1 =	sne.s32 s15, $0x1  }
.Ltmp65:
0x3c6: {  	s31 =	simm.s32 $0x2080;
	(pc) =	sbr.rel @!p1 .LBB2_127-.Ltmp65, $2  }
0x3c7: {  	v6 =	vld [tilespmem:s31+$0x0];
	_ =	sdelay $0x2  }
0x3c8: {  	v7 =	vimm.s32 $0x40000000;
	p0 =	por $0x0, $0x0;
	s31 =	sadd.s32 $0xFFFFFFFF, s15  }
0x3c9: {  	_ = 	snop  }
0x3ca: {  	p1 =	sne.s32 s31, $0x1  }
.Ltmp66:
0x3cb: {  	_ = 	snop;
	(pc) =	sbr.rel @!p1 .LBB2_129-.Ltmp66, $3  }
0x3cc: {  	_ =	sdelay $0x1  }
0x3cd: {  	s15 =	simm.s32 $0x2090;
	v8 =	vld.idx.msk [tilespmem:v6+s12+$0x0], $0xffff  }
0x3ce: {  	s31 =	sadd.s32 $0xFFFFFFFF, s31;
	p0 =	por $0x1, $0x1;
	v9 =	vimm.f32 $-Inf;
	v10 =	vimm.s32 $0x40000000;
	v11 =	vld [tilespmem:s15+$0x0]  }
.LBB2_130:
0x3cf: {  	p1 =	sne.s32 s31, $0x1;
	_ =	sdelay $0x3  }
.Ltmp67:
0x3d0: {  	vm14 =	vlt.s32 v6, v10;
	vm0 =	veq.f32 v8, v9;
	(pc) =	sbr.rel @p1 .LBB2_130-.Ltmp67, $4  }
0x3d1: {  	vm15 =	vgt.f32 v8, v9;
	vm0 =	vmand vm14, vm0  }
0x3d2: {  	vm0 =	vmor vm15, vm0  }
0x3d3: {  	s15 =	sadd.s32 $0x10, s15;
	v9 =	vsel vm0, v8, v9;
	v10 =	vsel vm0, v6, v10;
	v6 =	vmov v11;
	v8 =	vld.idx.msk [tilespmem:v11+s12+$0x0], $0xffff  }
0x3d4: {  	s31 =	sadd.s32 $0xFFFFFFFF, s31;
	v11 =	vld [tilespmem:s15+$0x0]  }
.Ltmp68:
0x3d5: {  	_ = 	snop;
	(pc) =	sbr.rel .LBB2_132-.Ltmp68, $2  }
0x3d6: {  	_ =	sdelay $0x2  }
0x3d7: {  	v12 =	vmov v6;
	v6 =	vmov v11  }
.LBB2_7:
.Ltmp69:
0x3d8: {  	(pc) =	sbr.rel .LBB2_12-.Ltmp69, $2  }
0x3d9: {  	_ =	sdelay $0x2  }
0x3da: {  	v9 =	vimm.f32 $-Inf;
	v10 =	vimm.s32 $0x40000000  }
.LBB2_15:
.Ltmp70:
0x3db: {  	(pc) =	sbr.rel .LBB2_20-.Ltmp70, $2  }
0x3dc: {  	_ =	sdelay $0x2  }
0x3dd: {  	v8 =	vimm.f32 $-Inf;
	v9 =	vimm.s32 $0x40000000  }
.LBB2_23:
.Ltmp71:
0x3de: {  	(pc) =	sbr.rel .LBB2_28-.Ltmp71, $2  }
0x3df: {  	_ =	sdelay $0x2  }
0x3e0: {  	v10 =	vimm.f32 $-Inf;
	v11 =	vimm.s32 $0x40000000  }
.LBB2_31:
.Ltmp72:
0x3e1: {  	(pc) =	sbr.rel .LBB2_36-.Ltmp72, $2  }
0x3e2: {  	_ =	sdelay $0x2  }
0x3e3: {  	v9 =	vimm.f32 $-Inf;
	v10 =	vimm.s32 $0x40000000  }
.LBB2_39:
.Ltmp73:
0x3e4: {  	(pc) =	sbr.rel .LBB2_44-.Ltmp73, $2  }
0x3e5: {  	_ =	sdelay $0x2  }
0x3e6: {  	v10 =	vimm.f32 $-Inf;
	v11 =	vimm.s32 $0x40000000  }
.LBB2_47:
.Ltmp74:
0x3e7: {  	(pc) =	sbr.rel .LBB2_52-.Ltmp74, $2  }
0x3e8: {  	_ =	sdelay $0x2  }
0x3e9: {  	v9 =	vimm.f32 $-Inf;
	v10 =	vimm.s32 $0x40000000  }
.LBB2_55:
.Ltmp75:
0x3ea: {  	(pc) =	sbr.rel .LBB2_60-.Ltmp75, $2  }
0x3eb: {  	_ =	sdelay $0x2  }
0x3ec: {  	v10 =	vimm.f32 $-Inf;
	v11 =	vimm.s32 $0x40000000  }
.LBB2_63:
.Ltmp76:
0x3ed: {  	(pc) =	sbr.rel .LBB2_68-.Ltmp76, $2  }
0x3ee: {  	_ =	sdelay $0x2  }
0x3ef: {  	v9 =	vimm.f32 $-Inf;
	v10 =	vimm.s32 $0x40000000  }
.LBB2_71:
.Ltmp77:
0x3f0: {  	(pc) =	sbr.rel .LBB2_76-.Ltmp77, $2  }
0x3f1: {  	_ =	sdelay $0x2  }
0x3f2: {  	v10 =	vimm.f32 $-Inf;
	v11 =	vimm.s32 $0x40000000  }
.LBB2_79:
.Ltmp78:
0x3f3: {  	(pc) =	sbr.rel .LBB2_84-.Ltmp78, $2  }
0x3f4: {  	_ =	sdelay $0x2  }
0x3f5: {  	v9 =	vimm.f32 $-Inf;
	v10 =	vimm.s32 $0x40000000  }
.LBB2_87:
.Ltmp79:
0x3f6: {  	(pc) =	sbr.rel .LBB2_92-.Ltmp79, $2  }
0x3f7: {  	_ =	sdelay $0x2  }
0x3f8: {  	v10 =	vimm.f32 $-Inf;
	v11 =	vimm.s32 $0x40000000  }
.LBB2_95:
.Ltmp80:
0x3f9: {  	(pc) =	sbr.rel .LBB2_100-.Ltmp80, $2  }
0x3fa: {  	_ =	sdelay $0x2  }
0x3fb: {  	v9 =	vimm.f32 $-Inf;
	v10 =	vimm.s32 $0x40000000  }
.LBB2_103:
.Ltmp81:
0x3fc: {  	(pc) =	sbr.rel .LBB2_108-.Ltmp81, $2  }
0x3fd: {  	_ =	sdelay $0x2  }
0x3fe: {  	v10 =	vimm.f32 $-Inf;
	v11 =	vimm.s32 $0x40000000  }
.LBB2_111:
.Ltmp82:
0x3ff: {  	(pc) =	sbr.rel .LBB2_116-.Ltmp82, $2  }
0x400: {  	_ =	sdelay $0x2  }
0x401: {  	v9 =	vimm.f32 $-Inf;
	v10 =	vimm.s32 $0x40000000  }
.LBB2_119:
.Ltmp83:
0x402: {  	(pc) =	sbr.rel .LBB2_124-.Ltmp83, $2  }
0x403: {  	_ =	sdelay $0x2  }
0x404: {  	v10 =	vimm.f32 $-Inf;
	v11 =	vimm.s32 $0x40000000  }
.LBB2_9:
.Ltmp84:
0x405: {  	(pc) =	sbr.rel .LBB2_12-.Ltmp84, $2  }
0x406: {  	_ =	sdelay $0x2  }
0x407: {  	v12 =	vmovc v6;
	v9 =	vimm.f32 $-Inf;
	v10 =	vimm.s32 $0x40000000;
	v6 =	vmov v11  }
.LBB2_17:
.Ltmp85:
0x408: {  	(pc) =	sbr.rel .LBB2_20-.Ltmp85, $2  }
0x409: {  	_ =	sdelay $0x2  }
0x40a: {  	v11 =	vmovc v5;
	v8 =	vimm.f32 $-Inf;
	v9 =	vimm.s32 $0x40000000;
	v5 =	vmov v10  }
.LBB2_25:
.Ltmp86:
0x40b: {  	(pc) =	sbr.rel .LBB2_28-.Ltmp86, $2  }
0x40c: {  	_ =	sdelay $0x2  }
0x40d: {  	v13 =	vmovc v7;
	v10 =	vimm.f32 $-Inf;
	v11 =	vimm.s32 $0x40000000;
	v7 =	vmov v12  }
.LBB2_33:
.Ltmp87:
0x40e: {  	(pc) =	sbr.rel .LBB2_36-.Ltmp87, $2  }
0x40f: {  	_ =	sdelay $0x2  }
0x410: {  	v12 =	vmovc v6;
	v9 =	vimm.f32 $-Inf;
	v10 =	vimm.s32 $0x40000000;
	v6 =	vmov v11  }
.LBB2_41:
.Ltmp88:
0x411: {  	(pc) =	sbr.rel .LBB2_44-.Ltmp88, $2  }
0x412: {  	_ =	sdelay $0x2  }
0x413: {  	v13 =	vmovc v7;
	v10 =	vimm.f32 $-Inf;
	v11 =	vimm.s32 $0x40000000;
	v7 =	vmov v12  }
.LBB2_49:
.Ltmp89:
0x414: {  	(pc) =	sbr.rel .LBB2_52-.Ltmp89, $2  }
0x415: {  	_ =	sdelay $0x2  }
0x416: {  	v12 =	vmovc v6;
	v9 =	vimm.f32 $-Inf;
	v10 =	vimm.s32 $0x40000000;
	v6 =	vmov v11  }
.LBB2_57:
.Ltmp90:
0x417: {  	(pc) =	sbr.rel .LBB2_60-.Ltmp90, $2  }
0x418: {  	_ =	sdelay $0x2  }
0x419: {  	v13 =	vmovc v7;
	v10 =	vimm.f32 $-Inf;
	v11 =	vimm.s32 $0x40000000;
	v7 =	vmov v12  }
.LBB2_65:
.Ltmp91:
0x41a: {  	(pc) =	sbr.rel .LBB2_68-.Ltmp91, $2  }
0x41b: {  	_ =	sdelay $0x2  }
0x41c: {  	v12 =	vmovc v6;
	v9 =	vimm.f32 $-Inf;
	v10 =	vimm.s32 $0x40000000;
	v6 =	vmov v11  }
.LBB2_73:
.Ltmp92:
0x41d: {  	(pc) =	sbr.rel .LBB2_76-.Ltmp92, $2  }
0x41e: {  	_ =	sdelay $0x2  }
0x41f: {  	v13 =	vmovc v7;
	v10 =	vimm.f32 $-Inf;
	v11 =	vimm.s32 $0x40000000;
	v7 =	vmov v12  }
.LBB2_81:
.Ltmp93:
0x420: {  	(pc) =	sbr.rel .LBB2_84-.Ltmp93, $2  }
0x421: {  	_ =	sdelay $0x2  }
0x422: {  	v12 =	vmovc v6;
	v9 =	vimm.f32 $-Inf;
	v10 =	vimm.s32 $0x40000000;
	v6 =	vmov v11  }
.LBB2_89:
.Ltmp94:
0x423: {  	(pc) =	sbr.rel .LBB2_92-.Ltmp94, $2  }
0x424: {  	_ =	sdelay $0x2  }
0x425: {  	v13 =	vmovc v7;
	v10 =	vimm.f32 $-Inf;
	v11 =	vimm.s32 $0x40000000;
	v7 =	vmov v12  }
.LBB2_97:
.Ltmp95:
0x426: {  	(pc) =	sbr.rel .LBB2_100-.Ltmp95, $2  }
0x427: {  	_ =	sdelay $0x2  }
0x428: {  	v12 =	vmovc v6;
	v9 =	vimm.f32 $-Inf;
	v10 =	vimm.s32 $0x40000000;
	v6 =	vmov v11  }
.LBB2_105:
.Ltmp96:
0x429: {  	(pc) =	sbr.rel .LBB2_108-.Ltmp96, $2  }
0x42a: {  	_ =	sdelay $0x2  }
0x42b: {  	v13 =	vmovc v7;
	v10 =	vimm.f32 $-Inf;
	v11 =	vimm.s32 $0x40000000;
	v7 =	vmov v12  }
.LBB2_113:
.Ltmp97:
0x42c: {  	(pc) =	sbr.rel .LBB2_116-.Ltmp97, $2  }
0x42d: {  	_ =	sdelay $0x2  }
0x42e: {  	v12 =	vmovc v6;
	v9 =	vimm.f32 $-Inf;
	v10 =	vimm.s32 $0x40000000;
	v6 =	vmov v11  }
.LBB2_121:
.Ltmp98:
0x42f: {  	(pc) =	sbr.rel .LBB2_124-.Ltmp98, $2  }
0x430: {  	_ =	sdelay $0x2  }
0x431: {  	v13 =	vmovc v7;
	v10 =	vimm.f32 $-Inf;
	v11 =	vimm.s32 $0x40000000;
	v7 =	vmov v12  }
.LBB2_129:
.Ltmp99:
0x432: {  	_ = 	snop;
	(pc) =	sbr.rel .LBB2_132-.Ltmp99, $2  }
0x433: {  	_ =	sdelay $0x2  }
0x434: {  	v12 =	vmovc v6;
	v9 =	vimm.f32 $-Inf;
	v10 =	vimm.s32 $0x40000000;
	v6 =	vmov v11  }
.LBB2_134:
0x435: {  	_ =	sfence.sel $0x180000  }
0x436: {  	[bflag:$0x0] =	sbarrier.arrive $0xFFFF  }
0x437: {  	p0 =	sne.s32 s0, $0x0;
	_ =	strace $0x90000047  }
0x438: {  	s0 =	sadd.s32 @!p0 $0x100000, s1;
	[bflag:$0x2] =	sbarrier.arrive $0xFFFF  }
0x439: {  	[sflag:s0] =	ssyncadd.tile.s32 @!p0 $0x1;
	_ =	shalt  }
.Lfunc_end2:
_tile_overlayer_lowered:
.L_overlay_start_2:
0x43a: {  	(tag) =	ssettag $0x2  }
0x43b: {  	s0 =	rddreg [dreg:$0x0];
	s2 =	stileid.u32  }
0x43c: {  	s1 =	rddreg [dreg:$0x1];
	p0 =	sne.s32 s2, $0x0  }
0x43d: {  	s3 =	rddreg [dreg:$0x2];
	[bflag:$0x3] =	sbarrier.arrive $0xFFFF;
	s2 =	simm.s32 @!p0 $0x1C02  }
0x43e: {  	[timem:s3], [sflag:s2] =	dma.local @!p0 [hbm:s0], s1  }
0x43f: {  	s0 =	simm.s32 @!p0 $0x2  }
0x440: {  	_ =	swait.ge @!p0 [sflag:s0], s1  }
0x441: {  	s1 =	ssub.s32 @!p0 $0x0, s1;
	[sflag:s0] =	ssyncset.done @!p0 $0x0  }
0x442: {  	[sflag:s0] =	ssyncadd.s32 @!p0 s1  }
0x443: {  	[bflag:$0x3] =	sbarrier.arrive $0xFFFF  }
0x444: {  	_ =	shalt  }

</sc_bundles>
